<compile_context>
chip_gen: v7x
topology: tpu7x:2x2x1
jax: 0.10.2.dev20260603
libtpu: 0.0.44.dev20260713+nightly
codegen_flags: <defaults>
</compile_context>

<pallas_src>
import functools

import jax
import jax.numpy as jnp
import numpy as np
from jax import lax
from jax.experimental import pallas as pl
from jax.experimental.pallas import tpu as pltpu
from jax.experimental.pallas import tpu_sc as plsc

HEADS, SIZE, QP, VP = 8, 32, 8, 8
N, K, D_LOCAL, D_PAIR = 4096, 32, 256, 128
NK = N * K
P24 = 2 * QP + VP
W_C = float(np.sqrt(2.0 / (9.0 * QP)))
W_L = float(np.sqrt(1.0 / 3.0))

D_TAB = 1024
VV_OFF = 512
D_QE = 512
D_CAT = HEADS * (D_PAIR + SIZE + 4 * VP)

B1 = 512
B3 = 64



def _k1_body(local_ref, pos_ref, wqkv_ref, wg_ref, lls_ref, llo_ref,
             lqs_ref, lqo_ref, lks_ref, lko_ref, gamma_ref,
             table_ref, qe_ref, aux_ref):
    x = local_ref[...]
    mean = jnp.mean(x, axis=-1, keepdims=True)
    xc = x - mean
    var = jnp.mean(xc * xc, axis=-1, keepdims=True)
    x = xc * lax.rsqrt(var + 1e-5) * lls_ref[...] + llo_ref[...]

    qkv = jnp.dot(x, wqkv_ref[...], preferred_element_type=jnp.float32)
    raw = jnp.dot(x, wg_ref[...], preferred_element_type=jnp.float32)

    p = pos_ref[...]
    nx, ny, nz = p[:, 0:1], p[:, 1:2], p[:, 2:3]
    cax, cay, caz = p[:, 3:4], p[:, 4:5], p[:, 5:6]
    ccx, ccy, ccz = p[:, 6:7], p[:, 7:8], p[:, 8:9]
    d1x, d1y, d1z = ccx - cax, ccy - cay, ccz - caz
    inv1 = lax.rsqrt(d1x * d1x + d1y * d1y + d1z * d1z + 1e-6)
    e1x, e1y, e1z = d1x * inv1, d1y * inv1, d1z * inv1
    u2x, u2y, u2z = nx - cax, ny - cay, nz - caz
    dp = u2x * e1x + u2y * e1y + u2z * e1z
    u2x, u2y, u2z = u2x - dp * e1x, u2y - dp * e1y, u2z - dp * e1z
    inv2 = lax.rsqrt(u2x * u2x + u2y * u2y + u2z * u2z + 1e-6)
    e2x, e2y, e2z = u2x * inv2, u2y * inv2, u2z * inv2
    e3x = e1y * e2z - e1z * e2y
    e3y = e1z * e2x - e1x * e2z
    e3z = e1x * e2y - e1y * e2x

    rawX = raw[:, 0:HEADS * P24]
    rawY = raw[:, HEADS * P24:2 * HEADS * P24]
    rawZ = raw[:, 2 * HEADS * P24:3 * HEADS * P24]
    ptX = e1x * rawX + e2x * rawY + e3x * rawZ + cax
    ptY = e1y * rawX + e2y * rawY + e3y * rawZ + cay
    ptZ = e1z * rawX + e2z * rawY + e3z * rawZ + caz

    dfarr = jnp.log(1.0 + jnp.exp(gamma_ref[...])) * (W_C * 0.5)

    nrows = local_ref.shape[0]
    table_ref[...] = jnp.zeros((nrows, D_TAB), jnp.float32)
    qe_ref[...] = jnp.zeros((nrows, D_QE), jnp.float32)

    qs, qo = lqs_ref[...], lqo_ref[...]
    ks, ko = lks_ref[...], lko_ref[...]
    for h in range(HEADS):
        qh = qkv[:, h * SIZE:(h + 1) * SIZE]
        kh = qkv[:, HEADS * SIZE + h * SIZE:HEADS * SIZE + (h + 1) * SIZE]
        vh = qkv[:, 2 * HEADS * SIZE + h * SIZE:2 * HEADS * SIZE + (h + 1) * SIZE]
        qm = jnp.mean(qh, axis=-1, keepdims=True)
        qc = qh - qm
        qv = jnp.mean(qc * qc, axis=-1, keepdims=True)
        qh = qc * lax.rsqrt(qv + 1e-5) * qs + qo
        km = jnp.mean(kh, axis=-1, keepdims=True)
        kc = kh - km
        kv = jnp.mean(kc * kc, axis=-1, keepdims=True)
        kh = kc * lax.rsqrt(kv + 1e-5) * ks + ko

        dfh = dfarr[0:1, h:h + 1]
        o = h * P24
        qgx, kgx, vgx = ptX[:, o:o + 8], ptX[:, o + 8:o + 16], ptX[:, o + 16:o + 24]
        qgy, kgy, vgy = ptY[:, o:o + 8], ptY[:, o + 8:o + 16], ptY[:, o + 16:o + 24]
        qgz, kgz, vgz = ptZ[:, o:o + 8], ptZ[:, o + 8:o + 16], ptZ[:, o + 16:o + 24]

        qe_ref[:, h * 64:h * 64 + 32] = qh * (W_L / np.sqrt(SIZE))
        sc2 = 2.0 * W_L * dfh
        qe_ref[:, h * 64 + 32:h * 64 + 40] = qgx * sc2
        qe_ref[:, h * 64 + 40:h * 64 + 48] = qgy * sc2
        qe_ref[:, h * 64 + 48:h * 64 + 56] = qgz * sc2
        qe_ref[:, h * 64 + 56:h * 64 + 57] = jnp.full((nrows, 1), W_L, jnp.float32)

        table_ref[:, h * 64:h * 64 + 32] = kh
        table_ref[:, h * 64 + 32:h * 64 + 40] = kgx
        table_ref[:, h * 64 + 40:h * 64 + 48] = kgy
        table_ref[:, h * 64 + 48:h * 64 + 56] = kgz
        bh = jnp.sum(kgx * kgx + kgy * kgy + kgz * kgz, axis=-1, keepdims=True)
        table_ref[:, h * 64 + 56:h * 64 + 57] = -dfh * bh
        vo = VV_OFF + h * 64
        table_ref[:, vo:vo + 32] = vh
        table_ref[:, vo + 32:vo + 40] = vgx
        table_ref[:, vo + 40:vo + 48] = vgy
        table_ref[:, vo + 48:vo + 56] = vgz

    aux_ref[...] = jnp.zeros((nrows, 16), jnp.float32)
    for i, col in enumerate((e1x, e1y, e1z, e2x, e2y, e2z,
                             e3x, e3y, e3z, cax, cay, caz)):
        aux_ref[:, i:i + 1] = col


def _k1_call(local, pos15, wqkv_p, wg_p, lls, llo, lqs, lqo, lks, lko, gamma2):
    grid = (N // B1,)
    row = lambda i: (i, 0)
    full = lambda i: (0, 0)
    return pl.pallas_call(
        _k1_body,
        grid=grid,
        in_specs=[
            pl.BlockSpec((B1, D_LOCAL), row),
            pl.BlockSpec((B1, 15), row),
            pl.BlockSpec((D_LOCAL, 3 * HEADS * SIZE), full),
            pl.BlockSpec((D_LOCAL, 3 * HEADS * P24), full),
            pl.BlockSpec((1, D_LOCAL), full),
            pl.BlockSpec((1, D_LOCAL), full),
            pl.BlockSpec((1, SIZE), full),
            pl.BlockSpec((1, SIZE), full),
            pl.BlockSpec((1, SIZE), full),
            pl.BlockSpec((1, SIZE), full),
            pl.BlockSpec((1, HEADS), full),
        ],
        out_specs=[
            pl.BlockSpec((B1, D_TAB), row),
            pl.BlockSpec((B1, D_QE), row),
            pl.BlockSpec((B1, 16), row),
        ],
        out_shape=[
            jax.ShapeDtypeStruct((N, D_TAB), jnp.float32),
            jax.ShapeDtypeStruct((N, D_QE), jnp.float32),
            jax.ShapeDtypeStruct((N, 16), jnp.float32),
        ],
    )(local, pos15, wqkv_p, wg_p, lls, llo, lqs, lqo, lks, lko, gamma2)



NW = 32
CHUNK = 32


NBUF = 2


def _k2_body(nrows, table_hbm, idx_hbm, out_hbm, idx_all, *bufsems):
    rows_per_tile = nrows // NW
    chunks = rows_per_tile // CHUNK
    wid = lax.axis_index("s") * 2 + lax.axis_index("c")
    base = wid * rows_per_tile
    rows = bufsems[:NBUF]
    sems = bufsems[NBUF:]

    pltpu.sync_copy(idx_hbm.at[pl.ds(base, rows_per_tile)], idx_all)
    for b in range(NBUF):
        pltpu.async_copy(table_hbm.at[idx_all.at[pl.ds(b * CHUNK, CHUNK)]],
                         rows[b], sems[b])

    def body(gq, carry):
        for b in range(NBUF):
            g = gq * NBUF + b
            pltpu.make_async_copy(
                table_hbm.at[idx_all.at[pl.ds(0, CHUNK)]], rows[b],
                sems[b]).wait()
            pltpu.sync_copy(rows[b], out_hbm.at[pl.ds(base + g * CHUNK, CHUNK)])

            @pl.when(g + NBUF < chunks)
            def _():
                pltpu.async_copy(
                    table_hbm.at[idx_all.at[pl.ds((g + NBUF) * CHUNK, CHUNK)]],
                    rows[b], sems[b])
        return carry

    lax.fori_loop(0, chunks // NBUF, body, 0)


def _k2_call(table, idx):
    nrows = idx.shape[0]
    k = functools.partial(
        pl.kernel,
        out_type=jax.ShapeDtypeStruct((nrows, D_TAB), jnp.float32),
        mesh=plsc.VectorSubcoreMesh(core_axis_name="c", subcore_axis_name="s",
                                    num_cores=2, num_subcores=16),
        scratch_types=(
            [pltpu.VMEM((nrows // NW,), jnp.int32)]
            + [pltpu.VMEM((CHUNK, D_TAB), jnp.float32)] * NBUF
            + [pltpu.SemaphoreType.DMA] * NBUF
        ),
    )(functools.partial(_k2_body, nrows))
    return k(table, idx)




def _k3_body(gat_ref, pair_ref, qe_ref, aux_ref, pmfr_ref, nbr_ref,
             wb8_ref, m8_ref, e64_ref, wout_ref, bout_ref, out_ref, feat_ref):
    nrows = qe_ref.shape[0]
    nr = nrows * K

    qe_rep = jnp.broadcast_to(qe_ref[...].reshape(nrows, 1, D_QE),
                              (nrows, K, D_QE)).reshape(nr, D_QE)
    P = gat_ref[:, 0:D_QE] * qe_rep
    lg8 = jnp.dot(P, m8_ref[...], preferred_element_type=jnp.float32,
                  precision=lax.Precision.HIGHEST)
    lg8 = lg8 + jnp.dot(pair_ref[...], wb8_ref[...],
                        preferred_element_type=jnp.float32,
                        precision=lax.Precision.HIGHEST)
    maskr = pmfr_ref[...] * (nbr_ref[...] != -1).astype(jnp.float32)
    lg8 = lg8 + (maskr - 1.0) * 1e9

    lg3 = lg8.reshape(nrows, K, HEADS)
    m = jnp.max(lg3, axis=1, keepdims=True)
    e = jnp.exp(lg3 - m) * maskr.reshape(nrows, K, 1)
    s = jnp.sum(e, axis=1, keepdims=True)
    attn = (e / jnp.maximum(s, 1e-20)).reshape(nr, HEADS)

    a = aux_ref[...]
    e1x, e1y, e1z = a[:, 0:1], a[:, 1:2], a[:, 2:3]
    e2x, e2y, e2z = a[:, 3:4], a[:, 4:5], a[:, 5:6]
    e3x, e3y, e3z = a[:, 6:7], a[:, 7:8], a[:, 8:9]
    cax, cay, caz = a[:, 9:10], a[:, 10:11], a[:, 11:12]

    E = e64_ref[...]
    pairb = pair_ref[...]
    dn = (((0,), (0,)), ((), ()))
    for h in range(HEADS):
        Ah = attn[:, h:h + 1] * E
        oph = lax.dot_general(Ah, pairb, dn,
                              preferred_element_type=jnp.float32)
        feat_ref[:, h * D_PAIR:(h + 1) * D_PAIR] = oph
        vvh = gat_ref[:, VV_OFF + h * 64:VV_OFF + (h + 1) * 64]
        ovh = lax.dot_general(Ah, vvh, dn,
                              preferred_element_type=jnp.float32)
        feat_ref[:, 1024 + h * SIZE:1024 + (h + 1) * SIZE] = ovh[:, 0:32]
        gx = ovh[:, 32:40] - cax
        gy = ovh[:, 40:48] - cay
        gz = ovh[:, 48:56] - caz
        opx = e1x * gx + e1y * gy + e1z * gz
        opy = e2x * gx + e2y * gy + e2z * gz
        opz = e3x * gx + e3y * gy + e3z * gz
        feat_ref[:, 1280 + h * P24:1280 + h * P24 + 8] = opx
        feat_ref[:, 1280 + h * P24 + 8:1280 + h * P24 + 16] = opy
        feat_ref[:, 1280 + h * P24 + 16:1280 + h * P24 + 24] = opz
        nrm = jnp.sqrt(jnp.maximum(opx * opx + opy * opy + opz * opz, 1e-6))
        feat_ref[:, 1472 + h * VP:1472 + (h + 1) * VP] = nrm

    out_ref[...] = jnp.dot(feat_ref[...], wout_ref[...],
                           preferred_element_type=jnp.float32) + bout_ref[...]


def _k3_call(gat, pair_r, qe, aux, pmf_r, nb_r, wb8, m8, e64, wout_p, bout2):
    grid = (qe.shape[0] // B3,)
    row = lambda i: (i, 0)
    full = lambda i: (0, 0)
    return pl.pallas_call(
        _k3_body,
        grid=grid,
        in_specs=[
            pl.BlockSpec((B3 * K, D_TAB), row),
            pl.BlockSpec((B3 * K, D_PAIR), row),
            pl.BlockSpec((B3, D_QE), row),
            pl.BlockSpec((B3, 16), row),
            pl.BlockSpec((B3 * K, 1), row),
            pl.BlockSpec((B3 * K, 1), row),
            pl.BlockSpec((D_PAIR, HEADS), full),
            pl.BlockSpec((D_QE, HEADS), full),
            pl.BlockSpec((B3 * K, B3), full),
            pl.BlockSpec((D_CAT, D_LOCAL), full),
            pl.BlockSpec((1, D_LOCAL), full),
        ],
        out_specs=pl.BlockSpec((B3, D_LOCAL), row),
        out_shape=jax.ShapeDtypeStruct((qe.shape[0], D_LOCAL), jnp.float32),
        scratch_shapes=[pltpu.VMEM((B3, D_CAT), jnp.float32)],
    )(gat, pair_r, qe, aux, pmf_r, nb_r, wb8, m8, e64, wout_p, bout2)




def kernel(local, pos, pair, pair_mask, neighbours, resi, chain, batch, mask,
           ln_local_scale, ln_local_offset, W_qkv, ln_q_scale, ln_q_offset,
           ln_k_scale, ln_k_offset, W_qkv_g, W_bias, gamma, W_out, b_out):
    pos15 = pos.astype(jnp.float32).reshape(N, 15)
    pair_r = pair.reshape(NK, D_PAIR)
    pmf_r = pair_mask.astype(jnp.float32).reshape(NK, 1)
    nb_r = neighbours.reshape(NK, 1).astype(jnp.int32)
    idx = jnp.clip(neighbours, 0, N - 1).reshape(NK).astype(jnp.int32)

    m8 = (jnp.arange(D_QE, dtype=jnp.int32)[:, None] // 64
          == jnp.arange(HEADS, dtype=jnp.int32)[None, :]).astype(jnp.float32)
    e64 = (jnp.arange(B3 * K, dtype=jnp.int32)[:, None] // K
           == jnp.arange(B3, dtype=jnp.int32)[None, :]).astype(jnp.float32)

    wqkv_p = W_qkv.reshape(D_LOCAL, HEADS, 3, SIZE).transpose(0, 2, 1, 3) \
        .reshape(D_LOCAL, 3 * HEADS * SIZE)
    wg_p = W_qkv_g.reshape(D_LOCAL, HEADS, P24, 3).transpose(0, 3, 1, 2) \
        .reshape(D_LOCAL, 3 * HEADS * P24)
    wb8 = W_bias * W_L
    wout_p = jnp.concatenate([
        W_out[:1280],
        W_out[1280:1472].reshape(HEADS, VP, 3, D_LOCAL).transpose(0, 2, 1, 3)
        .reshape(HEADS * VP * 3, D_LOCAL),
        W_out[1472:],
    ], axis=0)

    table, qe, aux = _k1_call(
        local, pos15, wqkv_p, wg_p,
        ln_local_scale.reshape(1, D_LOCAL), ln_local_offset.reshape(1, D_LOCAL),
        ln_q_scale.reshape(1, SIZE), ln_q_offset.reshape(1, SIZE),
        ln_k_scale.reshape(1, SIZE), ln_k_offset.reshape(1, SIZE),
        gamma.reshape(1, HEADS))
    nsplit = 1
    ns, nks = N // nsplit, NK // nsplit
    bout2 = b_out.reshape(1, D_LOCAL)
    outs = []
    for s in range(nsplit):
        gat_s = _k2_call(table, idx[s * nks:(s + 1) * nks])
        outs.append(_k3_call(
            gat_s, pair_r[s * nks:(s + 1) * nks],
            qe[s * ns:(s + 1) * ns], aux[s * ns:(s + 1) * ns],
            pmf_r[s * nks:(s + 1) * nks], nb_r[s * nks:(s + 1) * nks],
            wb8, m8, e64, wout_p, bout2))
    return jnp.concatenate(outs, axis=0)

# --- scband reference (transcript-rebuilt; emitter-appended) ---
"""Pipeline reference for scband-sparse-structure-attention-3685081940020 (READ-ONLY COPY).

The authoritative reference and input builder live on the scoring server;
editing this copy changes nothing except your own understanding.
"""

import jax, jax.numpy as jnp
import numpy as np

HEADS, SIZE, QP, VP = 8, 32, 8, 8
N, K, D_LOCAL, D_PAIR = 4096, 32, 256, 128


def layer_norm(x, scale, offset, eps=1e-5):
    mean = x.mean(axis=-1, keepdims=True)
    var = ((x - mean) ** 2).mean(axis=-1, keepdims=True)
    return (x - mean) * jax.lax.rsqrt(var + eps) * scale + offset


def make_frames(pos):
    pos = pos.astype(jnp.float32)
    n_at, ca, c_at = pos[:, 0], pos[:, 1], pos[:, 2]
    e1 = c_at - ca
    e1 = e1 / jnp.sqrt((e1 ** 2).sum(-1, keepdims=True) + 1e-6)
    u2 = n_at - ca
    u2 = u2 - (u2 * e1).sum(-1, keepdims=True) * e1
    e2 = u2 / jnp.sqrt((u2 ** 2).sum(-1, keepdims=True) + 1e-6)
    e3 = jnp.cross(e1, e2)
    rot = jnp.stack([e1, e2, e3], axis=-1)
    return rot, ca


def setup_inputs(seed: int = 0):
    key = jax.random.key(seed)
    ks = jax.random.split(key, 12)
    inp = {}
    inp['local'] = jax.random.normal(ks[0], (N, D_LOCAL), dtype=jnp.float32)
    inp['pos'] = jax.random.normal(ks[1], (N, 5, 3), dtype=jnp.float32) * 3.0
    inp['pair'] = jax.random.normal(ks[2], (N, K, D_PAIR), dtype=jnp.float32)
    inp['pair_mask'] = jnp.ones((N, K), dtype=bool)
    inp['neighbours'] = jax.random.randint(ks[3], (N, K), 0, N, dtype=jnp.int32)
    inp['resi'] = jnp.arange(N, dtype=jnp.int32)
    inp['chain'] = jnp.zeros((N,), dtype=jnp.int32)
    inp['batch'] = jnp.zeros((N,), dtype=jnp.int32)
    inp['mask'] = jnp.ones((N,), dtype=bool)
    inp['ln_local_scale'] = jnp.ones((D_LOCAL,), dtype=jnp.float32)
    inp['ln_local_offset'] = jnp.zeros((D_LOCAL,), dtype=jnp.float32)
    inp['W_qkv'] = jax.random.normal(ks[4], (D_LOCAL, HEADS * 3 * SIZE), dtype=jnp.float32) * 0.05
    inp['ln_q_scale'] = jnp.ones((SIZE,), dtype=jnp.float32)
    inp['ln_q_offset'] = jnp.zeros((SIZE,), dtype=jnp.float32)
    inp['ln_k_scale'] = jnp.ones((SIZE,), dtype=jnp.float32)
    inp['ln_k_offset'] = jnp.zeros((SIZE,), dtype=jnp.float32)
    inp['W_qkv_g'] = jax.random.normal(ks[5], (D_LOCAL, HEADS * (2 * QP + VP) * 3), dtype=jnp.float32) * 0.05
    inp['W_bias'] = jax.random.normal(ks[6], (D_PAIR, HEADS), dtype=jnp.float32) * 0.05
    inp['gamma'] = jnp.full((HEADS,), float(np.log(np.exp(1.0) - 1.0)), dtype=jnp.float32)
    d_cat = HEADS * (D_PAIR + SIZE + 4 * VP)
    inp['W_out'] = jax.random.normal(ks[7], (d_cat, D_LOCAL), dtype=jnp.float32) * 0.02
    inp['b_out'] = jnp.zeros((D_LOCAL,), dtype=jnp.float32)
    return inp


def _forward(local, pos, pair, ln_local_scale, ln_local_offset, W_qkv, ln_q_scale, ln_q_offset, ln_k_scale, ln_k_offset, W_qkv_g, W_bias, gamma, W_out, b_out, pair_mask, neighbours):
    rot, trans = make_frames(pos)
    x = layer_norm(local, ln_local_scale, ln_local_offset)
    qkv = (x @ W_qkv).reshape(N, HEADS, 3 * SIZE)
    q, k, v = jnp.split(qkv, 3, axis=-1)
    q = layer_norm(q, ln_q_scale, ln_q_offset)
    k = layer_norm(k, ln_k_scale, ln_k_offset)
    raw = (x @ W_qkv_g).astype(jnp.float32).reshape(N, HEADS * (2 * QP + VP), 3)
    pts = jnp.einsum('nij,npj->npi', rot, raw) + trans[:, None, :]
    pts = pts.reshape(N, HEADS, 2 * QP + VP, 3)
    q_g = pts[:, :, :QP]
    k_g = pts[:, :, QP:2 * QP]
    v_g = pts[:, :, 2 * QP:]
    bias = jnp.einsum('ijc,ch->ijh', pair, W_bias)
    w_C = jnp.sqrt(2.0 / (9.0 * QP))
    w_L = jnp.sqrt(1.0 / 3.0)
    dfactor = jax.nn.softplus(gamma.reshape(1, 1, HEADS)) * w_C / 2.0
    dist = dfactor * jnp.square(q_g[:, None] - k_g[neighbours]).sum(axis=(-1, -2))
    dot = jnp.sqrt(1.0 / SIZE) * jnp.einsum('ihc,ijhc->ijh', q, k[neighbours])
    attn_logits = w_L * (dot + bias - dist)
    pm = jnp.logical_and(pair_mask, neighbours != -1)
    attn_logits = jnp.where(pm[..., None], attn_logits, -1e9)
    attn = jax.nn.softmax(attn_logits, axis=-2)
    attn = jnp.where(pm[..., None], attn, 0.0)
    out_pair = jnp.einsum('ijh,ijc->ihc', attn, pair)
    out_scalar = jnp.einsum('ijh,ijhc->ihc', attn, v[neighbours])
    out_point = jnp.einsum('ijh,ijhpc->ihpc', attn, v_g[neighbours])
    op = out_point.astype(jnp.float32) - trans[:, None, None, :]
    op = jnp.einsum('nji,nhpj->nhpi', rot, op)
    out_norm = jnp.sqrt(jnp.maximum((op ** 2).sum(-1), 1e-6))
    feat = jnp.concatenate([out_pair.reshape(N, -1), out_scalar.reshape(N, -1), op.reshape(N, -1), out_norm.reshape(N, -1)], axis=-1)
    return (feat @ W_out + b_out).astype(local.dtype)


def reference(local, pos, pair, pair_mask, neighbours, resi, chain, batch, mask, ln_local_scale, ln_local_offset, W_qkv, ln_q_scale, ln_q_offset, ln_k_scale, ln_k_offset, W_qkv_g, W_bias, gamma, W_out, b_out):
    return _forward(local, pos, pair, ln_local_scale, ln_local_offset, W_qkv, ln_q_scale, ln_q_offset, ln_k_scale, ln_k_offset, W_qkv_g, W_bias, gamma, W_out, b_out, pair_mask, neighbours)

if __name__ == "__main__":
    import jax
    _d = setup_inputs()
    print(jax.jit(kernel)(*tuple(_d.values())))

</pallas_src>

<mosaic_0001>
#map = affine_map<(d0, d1) -> (0, 0)>
#map1 = affine_map<(d0, d1) -> (0)>
module attributes {stable_mosaic.version = 14 : i64} {
  func.func @_k2_body(%arg0: i32, %arg1: i32, %arg2: memref<4096x1024xf32, #tpu.memory_space<hbm>>, %arg3: memref<131072xi32, #tpu.memory_space<hbm>>, %arg4: memref<131072x1024xf32, #tpu.memory_space<hbm>>, %arg5: memref<4096xi32, #tpu.memory_space<vmem>>, %arg6: memref<32x1024xf32, #tpu.memory_space<vmem>>, %arg7: memref<32x1024xf32, #tpu.memory_space<vmem>>, %arg8: memref<!tpu.dma_semaphore, #tpu.memory_space<semaphore_mem>>, %arg9: memref<!tpu.dma_semaphore, #tpu.memory_space<semaphore_mem>>) attributes {dimension_semantics = [#tpu.dimension_semantics<core_parallel>, #tpu.dimension_semantics<subcore_parallel>], iteration_bounds = array<i64: 2, 16>, scalar_prefetch = 0 : i64, scratch_operands = 5 : i64, tpu.core_type = #tpu.core_type<sc_vector_subcore>, window_params = [{transform_indices = #map}, {transform_indices = #map1}, {transform_indices = #map}]} {
    %mul3A = arith.constant 2 : i32
    %mul3A_0 = arith.muli %arg1, %mul3A : i32
    %add3A = arith.addi %mul3A_0, %arg0 : i32
    %mul3A_1 = arith.constant 4096 : i32
    %mul3A_2 = arith.muli %add3A, %mul3A_1 : i32
    "tpu.region"() ({
      %run_scoped3A = tpu.sem_alloc : memref<!tpu.dma_semaphore, #tpu.memory_space<semaphore_mem>>
      %dma_start3A_17 = tpu.memref_slice %arg3[%mul3A_2] : memref<131072xi32, #tpu.memory_space<hbm>> -> memref<4096xi32, #tpu.memory_space<hbm>>
      %dma_start3A_18 = tpu.memref_slice %arg3[%mul3A_2] : memref<131072xi32, #tpu.memory_space<hbm>> -> memref<4096xi32, #tpu.memory_space<hbm>>
      tpu.enqueue_dma source(%dma_start3A_18 : memref<4096xi32, #tpu.memory_space<hbm>>) target(%arg5 : memref<4096xi32, #tpu.memory_space<vmem>>) target_semaphore(%run_scoped3A : memref<!tpu.dma_semaphore, #tpu.memory_space<semaphore_mem>>)
      %dma_wait3A = tpu.memref_slice %arg3[%mul3A_2] : memref<131072xi32, #tpu.memory_space<hbm>> -> memref<4096xi32, #tpu.memory_space<hbm>>
      %dma_wait3A_19 = tpu.memref_slice %arg3[%mul3A_2] : memref<131072xi32, #tpu.memory_space<hbm>> -> memref<4096xi32, #tpu.memory_space<hbm>>
      tpu.wait_dma2 semaphore(%run_scoped3A : memref<!tpu.dma_semaphore, #tpu.memory_space<semaphore_mem>>) src(%dma_wait3A_19 : memref<4096xi32, #tpu.memory_space<hbm>>) dst(%arg5 : memref<4096xi32, #tpu.memory_space<vmem>>)
      tpu.yield
    }) : () -> ()
    %dma_start3A = arith.constant 0 : i32
    %dma_start3A_3 = tpu.memref_slice %arg5[%dma_start3A] : memref<4096xi32, #tpu.memory_space<vmem>> -> memref<32xi32, #tpu.memory_space<vmem>>
    %dma_start3A_4 = arith.constant 0 : i32
    %dma_start3A_5 = arith.constant 0 : i32
    %dma_start3A_6 = tpu.memref_slice %arg2[%dma_start3A_4, %dma_start3A_5] : memref<4096x1024xf32, #tpu.memory_space<hbm>> -> memref<4096x1024xf32, #tpu.memory_space<hbm>>
    tpu.enqueue_indirect_dma source(%dma_start3A_6 : memref<4096x1024xf32, #tpu.memory_space<hbm>>) target(%arg6 : memref<32x1024xf32, #tpu.memory_space<vmem>>) offsets(%dma_start3A_3 : memref<32xi32, #tpu.memory_space<vmem>>) semaphore(%arg8 : memref<!tpu.dma_semaphore, #tpu.memory_space<semaphore_mem>>)
    %dma_start3A_7 = arith.constant 32 : i32
    %dma_start3A_8 = tpu.memref_slice %arg5[%dma_start3A_7] : memref<4096xi32, #tpu.memory_space<vmem>> -> memref<32xi32, #tpu.memory_space<vmem>>
    %dma_start3A_9 = arith.constant 0 : i32
    %dma_start3A_10 = arith.constant 0 : i32
    %dma_start3A_11 = tpu.memref_slice %arg2[%dma_start3A_9, %dma_start3A_10] : memref<4096x1024xf32, #tpu.memory_space<hbm>> -> memref<4096x1024xf32, #tpu.memory_space<hbm>>
    tpu.enqueue_indirect_dma source(%dma_start3A_11 : memref<4096x1024xf32, #tpu.memory_space<hbm>>) target(%arg7 : memref<32x1024xf32, #tpu.memory_space<vmem>>) offsets(%dma_start3A_8 : memref<32xi32, #tpu.memory_space<vmem>>) semaphore(%arg9 : memref<!tpu.dma_semaphore, #tpu.memory_space<semaphore_mem>>)
    %scan3A = arith.constant 0 : i32
    %scan3A_12 = arith.constant 0 : i32
    %scan3A_13 = arith.constant 64 : i32
    %scan3A_14 = arith.addi %scan3A_12, %scan3A_13 : i32
    %scan3A_15 = arith.constant 1 : i32
    scf.for %scan3A_17 = %scan3A_12 to %scan3A_14 step %scan3A_15  : i32 {
      %mul3A_18 = arith.constant 2 : i32
      %mul3A_19 = arith.muli %scan3A_17, %mul3A_18 : i32
      %add3A_20 = arith.constant 0 : i32
      %add3A_21 = arith.addi %mul3A_19, %add3A_20 : i32
      %dma_wait3A = arith.constant 0 : i32
      %dma_wait3A_22 = tpu.memref_slice %arg5[%dma_wait3A] : memref<4096xi32, #tpu.memory_space<vmem>> -> memref<32xi32, #tpu.memory_space<vmem>>
      %dma_wait3A_23 = arith.constant 0 : i32
      %dma_wait3A_24 = arith.constant 0 : i32
      %dma_wait3A_25 = tpu.memref_slice %arg2[%dma_wait3A_23, %dma_wait3A_24] : memref<4096x1024xf32, #tpu.memory_space<hbm>> -> memref<4096x1024xf32, #tpu.memory_space<hbm>>
      tpu.wait_indirect_dma semaphore(%arg8 : memref<!tpu.dma_semaphore, #tpu.memory_space<semaphore_mem>>) src(%dma_wait3A_25 : memref<4096x1024xf32, #tpu.memory_space<hbm>>) dst(%arg6 : memref<32x1024xf32, #tpu.memory_space<vmem>>)
      %mul3A_26 = arith.constant 32 : i32
      %mul3A_27 = arith.muli %add3A_21, %mul3A_26 : i32
      %add3A_28 = arith.addi %mul3A_2, %mul3A_27 : i32
      "tpu.region"() ({
        %run_scoped3A = tpu.sem_alloc : memref<!tpu.dma_semaphore, #tpu.memory_space<semaphore_mem>>
        %dma_start3A_52 = arith.constant 0 : i32
        %dma_start3A_53 = tpu.memref_slice %arg4[%add3A_28, %dma_start3A_52] : memref<131072x1024xf32, #tpu.memory_space<hbm>> -> memref<32x1024xf32, #tpu.memory_space<hbm>>
        %dma_start3A_54 = arith.constant 0 : i32
        %dma_start3A_55 = tpu.memref_slice %arg4[%add3A_28, %dma_start3A_54] : memref<131072x1024xf32, #tpu.memory_space<hbm>> -> memref<32x1024xf32, #tpu.memory_space<hbm>>
        tpu.enqueue_dma source(%arg6 : memref<32x1024xf32, #tpu.memory_space<vmem>>) target(%dma_start3A_55 : memref<32x1024xf32, #tpu.memory_space<hbm>>) target_semaphore(%run_scoped3A : memref<!tpu.dma_semaphore, #tpu.memory_space<semaphore_mem>>)
        %dma_wait3A_56 = arith.constant 0 : i32
        %dma_wait3A_57 = tpu.memref_slice %arg4[%add3A_28, %dma_wait3A_56] : memref<131072x1024xf32, #tpu.memory_space<hbm>> -> memref<32x1024xf32, #tpu.memory_space<hbm>>
        %dma_wait3A_58 = arith.constant 0 : i32
        %dma_wait3A_59 = tpu.memref_slice %arg4[%add3A_28, %dma_wait3A_58] : memref<131072x1024xf32, #tpu.memory_space<hbm>> -> memref<32x1024xf32, #tpu.memory_space<hbm>>
        tpu.wait_dma2 semaphore(%run_scoped3A : memref<!tpu.dma_semaphore, #tpu.memory_space<semaphore_mem>>) src(%arg6 : memref<32x1024xf32, #tpu.memory_space<vmem>>) dst(%dma_wait3A_59 : memref<32x1024xf32, #tpu.memory_space<hbm>>)
        tpu.yield
      }) : () -> ()
      %add3A_29 = arith.constant 2 : i32
      %add3A_30 = arith.addi %add3A_21, %add3A_29 : i32
      %lt3A = arith.constant 128 : i32
      %lt3A_31 = arith.cmpi slt, %add3A_30, %lt3A : i32
      %convert_element_type3A = arith.extui %lt3A_31 : i1 to i32
      %cond3A = arith.constant 0 : i32
      %cond3A_32 = arith.cmpi ne, %convert_element_type3A, %cond3A : i32
      scf.if %cond3A_32 {
        %add3A_52 = arith.constant 2 : i32
        %add3A_53 = arith.addi %add3A_21, %add3A_52 : i32
        %mul3A_54 = arith.constant 32 : i32
        %mul3A_55 = arith.muli %add3A_53, %mul3A_54 : i32
        %dma_start3A_56 = tpu.memref_slice %arg5[%mul3A_55] : memref<4096xi32, #tpu.memory_space<vmem>> -> memref<32xi32, #tpu.memory_space<vmem>>
        %dma_start3A_57 = arith.constant 0 : i32
        %dma_start3A_58 = arith.constant 0 : i32
        %dma_start3A_59 = tpu.memref_slice %arg2[%dma_start3A_57, %dma_start3A_58] : memref<4096x1024xf32, #tpu.memory_space<hbm>> -> memref<4096x1024xf32, #tpu.memory_space<hbm>>
        tpu.enqueue_indirect_dma source(%dma_start3A_59 : memref<4096x1024xf32, #tpu.memory_space<hbm>>) target(%arg6 : memref<32x1024xf32, #tpu.memory_space<vmem>>) offsets(%dma_start3A_56 : memref<32xi32, #tpu.memory_space<vmem>>) semaphore(%arg8 : memref<!tpu.dma_semaphore, #tpu.memory_space<semaphore_mem>>)
      } else {
      }
      %mul3A_33 = arith.constant 2 : i32
      %mul3A_34 = arith.muli %scan3A_17, %mul3A_33 : i32
      %add3A_35 = arith.constant 1 : i32
      %add3A_36 = arith.addi %mul3A_34, %add3A_35 : i32
      %dma_wait3A_37 = arith.constant 0 : i32
      %dma_wait3A_38 = tpu.memref_slice %arg5[%dma_wait3A_37] : memref<4096xi32, #tpu.memory_space<vmem>> -> memref<32xi32, #tpu.memory_space<vmem>>
      %dma_wait3A_39 = arith.constant 0 : i32
      %dma_wait3A_40 = arith.constant 0 : i32
      %dma_wait3A_41 = tpu.memref_slice %arg2[%dma_wait3A_39, %dma_wait3A_40] : memref<4096x1024xf32, #tpu.memory_space<hbm>> -> memref<4096x1024xf32, #tpu.memory_space<hbm>>
      tpu.wait_indirect_dma semaphore(%arg9 : memref<!tpu.dma_semaphore, #tpu.memory_space<semaphore_mem>>) src(%dma_wait3A_41 : memref<4096x1024xf32, #tpu.memory_space<hbm>>) dst(%arg7 : memref<32x1024xf32, #tpu.memory_space<vmem>>)
      %mul3A_42 = arith.constant 32 : i32
      %mul3A_43 = arith.muli %add3A_36, %mul3A_42 : i32
      %add3A_44 = arith.addi %mul3A_2, %mul3A_43 : i32
      "tpu.region"() ({
        %run_scoped3A = tpu.sem_alloc : memref<!tpu.dma_semaphore, #tpu.memory_space<semaphore_mem>>
        %dma_start3A_52 = arith.constant 0 : i32
        %dma_start3A_53 = tpu.memref_slice %arg4[%add3A_44, %dma_start3A_52] : memref<131072x1024xf32, #tpu.memory_space<hbm>> -> memref<32x1024xf32, #tpu.memory_space<hbm>>
        %dma_start3A_54 = arith.constant 0 : i32
        %dma_start3A_55 = tpu.memref_slice %arg4[%add3A_44, %dma_start3A_54] : memref<131072x1024xf32, #tpu.memory_space<hbm>> -> memref<32x1024xf32, #tpu.memory_space<hbm>>
        tpu.enqueue_dma source(%arg7 : memref<32x1024xf32, #tpu.memory_space<vmem>>) target(%dma_start3A_55 : memref<32x1024xf32, #tpu.memory_space<hbm>>) target_semaphore(%run_scoped3A : memref<!tpu.dma_semaphore, #tpu.memory_space<semaphore_mem>>)
        %dma_wait3A_56 = arith.constant 0 : i32
        %dma_wait3A_57 = tpu.memref_slice %arg4[%add3A_44, %dma_wait3A_56] : memref<131072x1024xf32, #tpu.memory_space<hbm>> -> memref<32x1024xf32, #tpu.memory_space<hbm>>
        %dma_wait3A_58 = arith.constant 0 : i32
        %dma_wait3A_59 = tpu.memref_slice %arg4[%add3A_44, %dma_wait3A_58] : memref<131072x1024xf32, #tpu.memory_space<hbm>> -> memref<32x1024xf32, #tpu.memory_space<hbm>>
        tpu.wait_dma2 semaphore(%run_scoped3A : memref<!tpu.dma_semaphore, #tpu.memory_space<semaphore_mem>>) src(%arg7 : memref<32x1024xf32, #tpu.memory_space<vmem>>) dst(%dma_wait3A_59 : memref<32x1024xf32, #tpu.memory_space<hbm>>)
        tpu.yield
      }) : () -> ()
      %add3A_45 = arith.constant 2 : i32
      %add3A_46 = arith.addi %add3A_36, %add3A_45 : i32
      %lt3A_47 = arith.constant 128 : i32
      %lt3A_48 = arith.cmpi slt, %add3A_46, %lt3A_47 : i32
      %convert_element_type3A_49 = arith.extui %lt3A_48 : i1 to i32
      %cond3A_50 = arith.constant 0 : i32
      %cond3A_51 = arith.cmpi ne, %convert_element_type3A_49, %cond3A_50 : i32
      scf.if %cond3A_51 {
        %add3A_52 = arith.constant 2 : i32
        %add3A_53 = arith.addi %add3A_36, %add3A_52 : i32
        %mul3A_54 = arith.constant 32 : i32
        %mul3A_55 = arith.muli %add3A_53, %mul3A_54 : i32
        %dma_start3A_56 = tpu.memref_slice %arg5[%mul3A_55] : memref<4096xi32, #tpu.memory_space<vmem>> -> memref<32xi32, #tpu.memory_space<vmem>>
        %dma_start3A_57 = arith.constant 0 : i32
        %dma_start3A_58 = arith.constant 0 : i32
        %dma_start3A_59 = tpu.memref_slice %arg2[%dma_start3A_57, %dma_start3A_58] : memref<4096x1024xf32, #tpu.memory_space<hbm>> -> memref<4096x1024xf32, #tpu.memory_space<hbm>>
        tpu.enqueue_indirect_dma source(%dma_start3A_59 : memref<4096x1024xf32, #tpu.memory_space<hbm>>) target(%arg7 : memref<32x1024xf32, #tpu.memory_space<vmem>>) offsets(%dma_start3A_56 : memref<32xi32, #tpu.memory_space<vmem>>) semaphore(%arg9 : memref<!tpu.dma_semaphore, #tpu.memory_space<semaphore_mem>>)
      } else {
      }
    }
    %scan3A_16 = arith.constant 64 : i32
    return
  }
}

module attributes {stable_mosaic.version = 14 : i64} {
  func.func @_k1_body(%arg0: i32, %arg1: memref<512x256xf32, #tpu.memory_space<vmem>>, %arg2: memref<512x15xf32, #tpu.memory_space<vmem>>, %arg3: memref<256x768xf32, #tpu.memory_space<vmem>>, %arg4: memref<256x576xf32, #tpu.memory_space<vmem>>, %arg5: memref<1x256xf32, #tpu.memory_space<vmem>>, %arg6: memref<1x256xf32, #tpu.memory_space<vmem>>, %arg7: memref<1x32xf32, #tpu.memory_space<vmem>>, %arg8: memref<1x32xf32, #tpu.memory_space<vmem>>, %arg9: memref<1x32xf32, #tpu.memory_space<vmem>>, %arg10: memref<1x32xf32, #tpu.memory_space<vmem>>, %arg11: memref<1x8xf32, #tpu.memory_space<vmem>>, %arg12: memref<512x1024xf32, #tpu.memory_space<vmem>>, %arg13: memref<512x512xf32, #tpu.memory_space<vmem>>, %arg14: memref<512x16xf32, #tpu.memory_space<vmem>>) attributes {dimension_semantics = [#tpu.dimension_semantics<arbitrary>], iteration_bounds = array<i64: 8>, scalar_prefetch = 0 : i64, scratch_operands = 0 : i64, tpu.core_type = #tpu.core_type<tc>, window_params = [{transform_indices = @transform_0, window_bounds = array<i64: 512, 256>}, {transform_indices = @transform_1, window_bounds = array<i64: 512, 15>}, {pipeline_mode = #tpu.pipeline_mode<synchronous>, transform_indices = @transform_2, window_bounds = array<i64: 256, 768>}, {pipeline_mode = #tpu.pipeline_mode<synchronous>, transform_indices = @transform_3, window_bounds = array<i64: 256, 576>}, {pipeline_mode = #tpu.pipeline_mode<synchronous>, transform_indices = @transform_4, window_bounds = array<i64: 1, 256>}, {pipeline_mode = #tpu.pipeline_mode<synchronous>, transform_indices = @transform_5, window_bounds = array<i64: 1, 256>}, {pipeline_mode = #tpu.pipeline_mode<synchronous>, transform_indices = @transform_6, window_bounds = array<i64: 1, 32>}, {pipeline_mode = #tpu.pipeline_mode<synchronous>, transform_indices = @transform_7, window_bounds = array<i64: 1, 32>}, {pipeline_mode = #tpu.pipeline_mode<synchronous>, transform_indices = @transform_8, window_bounds = array<i64: 1, 32>}, {pipeline_mode = #tpu.pipeline_mode<synchronous>, transform_indices = @transform_9, window_bounds = array<i64: 1, 32>}, {pipeline_mode = #tpu.pipeline_mode<synchronous>, transform_indices = @transform_10, window_bounds = array<i64: 1, 8>}, {transform_indices = @transform_11, window_bounds = array<i64: 512, 1024>}, {transform_indices = @transform_12, window_bounds = array<i64: 512, 512>}, {transform_indices = @transform_13, window_bounds = array<i64: 512, 16>}]} {
    %get3A = arith.constant 0 : index
    %get3A_0 = arith.constant 0 : index
    %get3A_1 = vector.load %arg1[%get3A, %get3A_0] : memref<512x256xf32, #tpu.memory_space<vmem>>, vector<512x256xf32>
    %reduce_sum3A = arith.constant dense<0.000000e+00> : vector<512xf32>
    %reduce_sum3A_2 = vector.multi_reduction <add>, %get3A_1, %reduce_sum3A [1] : vector<512x256xf32> to vector<512xf32>
    %broadcast_in_dim3A = vector.shape_cast %reduce_sum3A_2 : vector<512xf32> to vector<512x1xf32>
    %div3A = arith.constant 2.560000e+02 : f32
    %div3A_3 = vector.broadcast %div3A : f32 to vector<512x1xf32>
    %div3A_4 = arith.divf %broadcast_in_dim3A, %div3A_3 : vector<512x1xf32>
    %sub3A = vector.broadcast %div3A_4 : vector<512x1xf32> to vector<512x256xf32>
    %sub3A_5 = arith.subf %get3A_1, %sub3A : vector<512x256xf32>
    %mul3A = arith.mulf %sub3A_5, %sub3A_5 : vector<512x256xf32>
    %reduce_sum3A_6 = arith.constant dense<0.000000e+00> : vector<512xf32>
    %reduce_sum3A_7 = vector.multi_reduction <add>, %mul3A, %reduce_sum3A_6 [1] : vector<512x256xf32> to vector<512xf32>
    %broadcast_in_dim3A_8 = vector.shape_cast %reduce_sum3A_7 : vector<512xf32> to vector<512x1xf32>
    %div3A_9 = arith.constant 2.560000e+02 : f32
    %div3A_10 = vector.broadcast %div3A_9 : f32 to vector<512x1xf32>
    %div3A_11 = arith.divf %broadcast_in_dim3A_8, %div3A_10 : vector<512x1xf32>
    %add3A = arith.constant 9.99999974E-6 : f32
    %add3A_12 = vector.broadcast %add3A : f32 to vector<512x1xf32>
    %add3A_13 = arith.addf %div3A_11, %add3A_12 : vector<512x1xf32>
    %rsqrt3A = math.rsqrt %add3A_13 : vector<512x1xf32>
    %mul3A_14 = vector.broadcast %rsqrt3A : vector<512x1xf32> to vector<512x256xf32>
    %mul3A_15 = arith.mulf %sub3A_5, %mul3A_14 : vector<512x256xf32>
    %get3A_16 = arith.constant 0 : index
    %get3A_17 = arith.constant 0 : index
    %get3A_18 = vector.load %arg5[%get3A_16, %get3A_17] : memref<1x256xf32, #tpu.memory_space<vmem>>, vector<1x256xf32>
    %mul3A_19 = vector.broadcast %get3A_18 : vector<1x256xf32> to vector<512x256xf32>
    %mul3A_20 = arith.mulf %mul3A_15, %mul3A_19 : vector<512x256xf32>
    %get3A_21 = arith.constant 0 : index
    %get3A_22 = arith.constant 0 : index
    %get3A_23 = vector.load %arg6[%get3A_21, %get3A_22] : memref<1x256xf32, #tpu.memory_space<vmem>>, vector<1x256xf32>
    %add3A_24 = vector.broadcast %get3A_23 : vector<1x256xf32> to vector<512x256xf32>
    %add3A_25 = arith.addf %mul3A_20, %add3A_24 : vector<512x256xf32>
    %get3A_26 = arith.constant 0 : index
    %get3A_27 = arith.constant 0 : index
    %get3A_28 = vector.load %arg3[%get3A_26, %get3A_27] : memref<256x768xf32, #tpu.memory_space<vmem>>, vector<256x768xf32>
    %dot_general3A = arith.constant dense<0.000000e+00> : vector<512x768xf32>
    %dot_general3A_29 = tpu.matmul %add3A_25, %get3A_28, %dot_general3A {dimension_numbers = #tpu.dot_dimension_numbers<[1], [0], [0], [1], [0, 0, 1, 1], [], []>, transpose_lhs_hint = false} : vector<512x256xf32>, vector<256x768xf32>, vector<512x768xf32> -> vector<512x768xf32>
    %get3A_30 = arith.constant 0 : index
    %get3A_31 = arith.constant 0 : index
    %get3A_32 = vector.load %arg4[%get3A_30, %get3A_31] : memref<256x576xf32, #tpu.memory_space<vmem>>, vector<256x576xf32>
    %dot_general3A_33 = arith.constant dense<0.000000e+00> : vector<512x576xf32>
    %dot_general3A_34 = tpu.matmul %add3A_25, %get3A_32, %dot_general3A_33 {dimension_numbers = #tpu.dot_dimension_numbers<[1], [0], [0], [1], [0, 0, 1, 1], [], []>, transpose_lhs_hint = false} : vector<512x256xf32>, vector<256x576xf32>, vector<512x576xf32> -> vector<512x576xf32>
    %get3A_35 = arith.constant 0 : index
    %get3A_36 = arith.constant 0 : index
    %get3A_37 = vector.load %arg2[%get3A_35, %get3A_36] : memref<512x15xf32, #tpu.memory_space<vmem>>, vector<512x15xf32>
    %slice3A = vector.extract_strided_slice %get3A_37 {offsets = [0, 0], sizes = [512, 1], strides = [1, 1]} : vector<512x15xf32> to vector<512x1xf32>
    %slice3A_38 = vector.extract_strided_slice %get3A_37 {offsets = [0, 1], sizes = [512, 1], strides = [1, 1]} : vector<512x15xf32> to vector<512x1xf32>
    %slice3A_39 = vector.extract_strided_slice %get3A_37 {offsets = [0, 2], sizes = [512, 1], strides = [1, 1]} : vector<512x15xf32> to vector<512x1xf32>
    %slice3A_40 = vector.extract_strided_slice %get3A_37 {offsets = [0, 3], sizes = [512, 1], strides = [1, 1]} : vector<512x15xf32> to vector<512x1xf32>
    %slice3A_41 = vector.extract_strided_slice %get3A_37 {offsets = [0, 4], sizes = [512, 1], strides = [1, 1]} : vector<512x15xf32> to vector<512x1xf32>
    %slice3A_42 = vector.extract_strided_slice %get3A_37 {offsets = [0, 5], sizes = [512, 1], strides = [1, 1]} : vector<512x15xf32> to vector<512x1xf32>
    %slice3A_43 = vector.extract_strided_slice %get3A_37 {offsets = [0, 6], sizes = [512, 1], strides = [1, 1]} : vector<512x15xf32> to vector<512x1xf32>
    %slice3A_44 = vector.extract_strided_slice %get3A_37 {offsets = [0, 7], sizes = [512, 1], strides = [1, 1]} : vector<512x15xf32> to vector<512x1xf32>
    %slice3A_45 = vector.extract_strided_slice %get3A_37 {offsets = [0, 8], sizes = [512, 1], strides = [1, 1]} : vector<512x15xf32> to vector<512x1xf32>
    %sub3A_46 = arith.subf %slice3A_43, %slice3A_40 : vector<512x1xf32>
    %sub3A_47 = arith.subf %slice3A_44, %slice3A_41 : vector<512x1xf32>
    %sub3A_48 = arith.subf %slice3A_45, %slice3A_42 : vector<512x1xf32>
    %mul3A_49 = arith.mulf %sub3A_46, %sub3A_46 : vector<512x1xf32>
    %mul3A_50 = arith.mulf %sub3A_47, %sub3A_47 : vector<512x1xf32>
    %add3A_51 = arith.addf %mul3A_49, %mul3A_50 : vector<512x1xf32>
    %mul3A_52 = arith.mulf %sub3A_48, %sub3A_48 : vector<512x1xf32>
    %add3A_53 = arith.addf %add3A_51, %mul3A_52 : vector<512x1xf32>
    %add3A_54 = arith.constant 9.99999997E-7 : f32
    %add3A_55 = vector.broadcast %add3A_54 : f32 to vector<512x1xf32>
    %add3A_56 = arith.addf %add3A_53, %add3A_55 : vector<512x1xf32>
    %rsqrt3A_57 = math.rsqrt %add3A_56 : vector<512x1xf32>
    %mul3A_58 = arith.mulf %sub3A_46, %rsqrt3A_57 : vector<512x1xf32>
    %mul3A_59 = arith.mulf %sub3A_47, %rsqrt3A_57 : vector<512x1xf32>
    %mul3A_60 = arith.mulf %sub3A_48, %rsqrt3A_57 : vector<512x1xf32>
    %sub3A_61 = arith.subf %slice3A, %slice3A_40 : vector<512x1xf32>
    %sub3A_62 = arith.subf %slice3A_38, %slice3A_41 : vector<512x1xf32>
    %sub3A_63 = arith.subf %slice3A_39, %slice3A_42 : vector<512x1xf32>
    %mul3A_64 = arith.mulf %sub3A_61, %mul3A_58 : vector<512x1xf32>
    %mul3A_65 = arith.mulf %sub3A_62, %mul3A_59 : vector<512x1xf32>
    %add3A_66 = arith.addf %mul3A_64, %mul3A_65 : vector<512x1xf32>
    %mul3A_67 = arith.mulf %sub3A_63, %mul3A_60 : vector<512x1xf32>
    %add3A_68 = arith.addf %add3A_66, %mul3A_67 : vector<512x1xf32>
    %mul3A_69 = arith.mulf %add3A_68, %mul3A_58 : vector<512x1xf32>
    %sub3A_70 = arith.subf %sub3A_61, %mul3A_69 : vector<512x1xf32>
    %mul3A_71 = arith.mulf %add3A_68, %mul3A_59 : vector<512x1xf32>
    %sub3A_72 = arith.subf %sub3A_62, %mul3A_71 : vector<512x1xf32>
    %mul3A_73 = arith.mulf %add3A_68, %mul3A_60 : vector<512x1xf32>
    %sub3A_74 = arith.subf %sub3A_63, %mul3A_73 : vector<512x1xf32>
    %mul3A_75 = arith.mulf %sub3A_70, %sub3A_70 : vector<512x1xf32>
    %mul3A_76 = arith.mulf %sub3A_72, %sub3A_72 : vector<512x1xf32>
    %add3A_77 = arith.addf %mul3A_75, %mul3A_76 : vector<512x1xf32>
    %mul3A_78 = arith.mulf %sub3A_74, %sub3A_74 : vector<512x1xf32>
    %add3A_79 = arith.addf %add3A_77, %mul3A_78 : vector<512x1xf32>
    %add3A_80 = arith.constant 9.99999997E-7 : f32
    %add3A_81 = vector.broadcast %add3A_80 : f32 to vector<512x1xf32>
    %add3A_82 = arith.addf %add3A_79, %add3A_81 : vector<512x1xf32>
    %rsqrt3A_83 = math.rsqrt %add3A_82 : vector<512x1xf32>
    %mul3A_84 = arith.mulf %sub3A_70, %rsqrt3A_83 : vector<512x1xf32>
    %mul3A_85 = arith.mulf %sub3A_72, %rsqrt3A_83 : vector<512x1xf32>
    %mul3A_86 = arith.mulf %sub3A_74, %rsqrt3A_83 : vector<512x1xf32>
    %mul3A_87 = arith.mulf %mul3A_59, %mul3A_86 : vector<512x1xf32>
    %mul3A_88 = arith.mulf %mul3A_60, %mul3A_85 : vector<512x1xf32>
    %sub3A_89 = arith.subf %mul3A_87, %mul3A_88 : vector<512x1xf32>
    %mul3A_90 = arith.mulf %mul3A_60, %mul3A_84 : vector<512x1xf32>
    %mul3A_91 = arith.mulf %mul3A_58, %mul3A_86 : vector<512x1xf32>
    %sub3A_92 = arith.subf %mul3A_90, %mul3A_91 : vector<512x1xf32>
    %mul3A_93 = arith.mulf %mul3A_58, %mul3A_85 : vector<512x1xf32>
    %mul3A_94 = arith.mulf %mul3A_59, %mul3A_84 : vector<512x1xf32>
    %sub3A_95 = arith.subf %mul3A_93, %mul3A_94 : vector<512x1xf32>
    %slice3A_96 = vector.extract_strided_slice %dot_general3A_34 {offsets = [0, 0], sizes = [512, 192], strides = [1, 1]} : vector<512x576xf32> to vector<512x192xf32>
    %slice3A_97 = vector.extract_strided_slice %dot_general3A_34 {offsets = [0, 192], sizes = [512, 192], strides = [1, 1]} : vector<512x576xf32> to vector<512x192xf32>
    %slice3A_98 = vector.extract_strided_slice %dot_general3A_34 {offsets = [0, 384], sizes = [512, 192], strides = [1, 1]} : vector<512x576xf32> to vector<512x192xf32>
    %mul3A_99 = vector.broadcast %mul3A_58 : vector<512x1xf32> to vector<512x192xf32>
    %mul3A_100 = arith.mulf %mul3A_99, %slice3A_96 : vector<512x192xf32>
    %mul3A_101 = vector.broadcast %mul3A_84 : vector<512x1xf32> to vector<512x192xf32>
    %mul3A_102 = arith.mulf %mul3A_101, %slice3A_97 : vector<512x192xf32>
    %add3A_103 = arith.addf %mul3A_100, %mul3A_102 : vector<512x192xf32>
    %mul3A_104 = vector.broadcast %sub3A_89 : vector<512x1xf32> to vector<512x192xf32>
    %mul3A_105 = arith.mulf %mul3A_104, %slice3A_98 : vector<512x192xf32>
    %add3A_106 = arith.addf %add3A_103, %mul3A_105 : vector<512x192xf32>
    %add3A_107 = vector.broadcast %slice3A_40 : vector<512x1xf32> to vector<512x192xf32>
    %add3A_108 = arith.addf %add3A_106, %add3A_107 : vector<512x192xf32>
    %mul3A_109 = vector.broadcast %mul3A_59 : vector<512x1xf32> to vector<512x192xf32>
    %mul3A_110 = arith.mulf %mul3A_109, %slice3A_96 : vector<512x192xf32>
    %mul3A_111 = vector.broadcast %mul3A_85 : vector<512x1xf32> to vector<512x192xf32>
    %mul3A_112 = arith.mulf %mul3A_111, %slice3A_97 : vector<512x192xf32>
    %add3A_113 = arith.addf %mul3A_110, %mul3A_112 : vector<512x192xf32>
    %mul3A_114 = vector.broadcast %sub3A_92 : vector<512x1xf32> to vector<512x192xf32>
    %mul3A_115 = arith.mulf %mul3A_114, %slice3A_98 : vector<512x192xf32>
    %add3A_116 = arith.addf %add3A_113, %mul3A_115 : vector<512x192xf32>
    %add3A_117 = vector.broadcast %slice3A_41 : vector<512x1xf32> to vector<512x192xf32>
    %add3A_118 = arith.addf %add3A_116, %add3A_117 : vector<512x192xf32>
    %mul3A_119 = vector.broadcast %mul3A_60 : vector<512x1xf32> to vector<512x192xf32>
    %mul3A_120 = arith.mulf %mul3A_119, %slice3A_96 : vector<512x192xf32>
    %mul3A_121 = vector.broadcast %mul3A_86 : vector<512x1xf32> to vector<512x192xf32>
    %mul3A_122 = arith.mulf %mul3A_121, %slice3A_97 : vector<512x192xf32>
    %add3A_123 = arith.addf %mul3A_120, %mul3A_122 : vector<512x192xf32>
    %mul3A_124 = vector.broadcast %sub3A_95 : vector<512x1xf32> to vector<512x192xf32>
    %mul3A_125 = arith.mulf %mul3A_124, %slice3A_98 : vector<512x192xf32>
    %add3A_126 = arith.addf %add3A_123, %mul3A_125 : vector<512x192xf32>
    %add3A_127 = vector.broadcast %slice3A_42 : vector<512x1xf32> to vector<512x192xf32>
    %add3A_128 = arith.addf %add3A_126, %add3A_127 : vector<512x192xf32>
    %get3A_129 = arith.constant 0 : index
    %get3A_130 = arith.constant 0 : index
    %get3A_131 = vector.load %arg11[%get3A_129, %get3A_130] : memref<1x8xf32, #tpu.memory_space<vmem>>, vector<1x8xf32>
    %exp3A = math.exp %get3A_131 : vector<1x8xf32>
    %add3A_132 = arith.constant 1.000000e+00 : f32
    %add3A_133 = vector.broadcast %add3A_132 : f32 to vector<1x8xf32>
    %add3A_134 = arith.addf %add3A_133, %exp3A : vector<1x8xf32>
    %log3A = math.log %add3A_134 : vector<1x8xf32>
    %mul3A_135 = arith.constant 0.0833333358 : f32
    %mul3A_136 = vector.broadcast %mul3A_135 : f32 to vector<1x8xf32>
    %mul3A_137 = arith.mulf %log3A, %mul3A_136 : vector<1x8xf32>
    %broadcast_in_dim3A_138 = arith.constant 0.000000e+00 : f32
    %broadcast_in_dim3A_139 = vector.broadcast %broadcast_in_dim3A_138 : f32 to vector<512x1024xf32>
    %swap3A = arith.constant 0 : index
    %swap3A_140 = arith.constant 0 : index
    %swap3A_141 = vector.load %arg12[%swap3A, %swap3A_140] : memref<512x1024xf32, #tpu.memory_space<vmem>>, vector<512x1024xf32>
    tpu.vector_store %arg12[%swap3A, %swap3A_140], %broadcast_in_dim3A_139 {strides = array<i32>} : memref<512x1024xf32, #tpu.memory_space<vmem>>, vector<512x1024xf32>,
    %broadcast_in_dim3A_142 = arith.constant 0.000000e+00 : f32
    %broadcast_in_dim3A_143 = vector.broadcast %broadcast_in_dim3A_142 : f32 to vector<512x512xf32>
    %swap3A_144 = arith.constant 0 : index
    %swap3A_145 = arith.constant 0 : index
    %swap3A_146 = vector.load %arg13[%swap3A_144, %swap3A_145] : memref<512x512xf32, #tpu.memory_space<vmem>>, vector<512x512xf32>
    tpu.vector_store %arg13[%swap3A_144, %swap3A_145], %broadcast_in_dim3A_143 {strides = array<i32>} : memref<512x512xf32, #tpu.memory_space<vmem>>, vector<512x512xf32>,
    %get3A_147 = arith.constant 0 : index
    %get3A_148 = arith.constant 0 : index
    %get3A_149 = vector.load %arg7[%get3A_147, %get3A_148] : memref<1x32xf32, #tpu.memory_space<vmem>>, vector<1x32xf32>
    %get3A_150 = arith.constant 0 : index
    %get3A_151 = arith.constant 0 : index
    %get3A_152 = vector.load %arg8[%get3A_150, %get3A_151] : memref<1x32xf32, #tpu.memory_space<vmem>>, vector<1x32xf32>
    %get3A_153 = arith.constant 0 : index
    %get3A_154 = arith.constant 0 : index
    %get3A_155 = vector.load %arg9[%get3A_153, %get3A_154] : memref<1x32xf32, #tpu.memory_space<vmem>>, vector<1x32xf32>
    %get3A_156 = arith.constant 0 : index
    %get3A_157 = arith.constant 0 : index
    %get3A_158 = vector.load %arg10[%get3A_156, %get3A_157] : memref<1x32xf32, #tpu.memory_space<vmem>>, vector<1x32xf32>
    %slice3A_159 = vector.extract_strided_slice %dot_general3A_29 {offsets = [0, 0], sizes = [512, 32], strides = [1, 1]} : vector<512x768xf32> to vector<512x32xf32>
    %slice3A_160 = vector.extract_strided_slice %dot_general3A_29 {offsets = [0, 256], sizes = [512, 32], strides = [1, 1]} : vector<512x768xf32> to vector<512x32xf32>
    %slice3A_161 = vector.extract_strided_slice %dot_general3A_29 {offsets = [0, 512], sizes = [512, 32], strides = [1, 1]} : vector<512x768xf32> to vector<512x32xf32>
    %reduce_sum3A_162 = arith.constant dense<0.000000e+00> : vector<512xf32>
    %reduce_sum3A_163 = vector.multi_reduction <add>, %slice3A_159, %reduce_sum3A_162 [1] : vector<512x32xf32> to vector<512xf32>
    %broadcast_in_dim3A_164 = vector.shape_cast %reduce_sum3A_163 : vector<512xf32> to vector<512x1xf32>
    %div3A_165 = arith.constant 3.200000e+01 : f32
    %div3A_166 = vector.broadcast %div3A_165 : f32 to vector<512x1xf32>
    %div3A_167 = arith.divf %broadcast_in_dim3A_164, %div3A_166 : vector<512x1xf32>
    %sub3A_168 = vector.broadcast %div3A_167 : vector<512x1xf32> to vector<512x32xf32>
    %sub3A_169 = arith.subf %slice3A_159, %sub3A_168 : vector<512x32xf32>
    %mul3A_170 = arith.mulf %sub3A_169, %sub3A_169 : vector<512x32xf32>
    %reduce_sum3A_171 = arith.constant dense<0.000000e+00> : vector<512xf32>
    %reduce_sum3A_172 = vector.multi_reduction <add>, %mul3A_170, %reduce_sum3A_171 [1] : vector<512x32xf32> to vector<512xf32>
    %broadcast_in_dim3A_173 = vector.shape_cast %reduce_sum3A_172 : vector<512xf32> to vector<512x1xf32>
    %div3A_174 = arith.constant 3.200000e+01 : f32
    %div3A_175 = vector.broadcast %div3A_174 : f32 to vector<512x1xf32>
    %div3A_176 = arith.divf %broadcast_in_dim3A_173, %div3A_175 : vector<512x1xf32>
    %add3A_177 = arith.constant 9.99999974E-6 : f32
    %add3A_178 = vector.broadcast %add3A_177 : f32 to vector<512x1xf32>
    %add3A_179 = arith.addf %div3A_176, %add3A_178 : vector<512x1xf32>
    %rsqrt3A_180 = math.rsqrt %add3A_179 : vector<512x1xf32>
    %mul3A_181 = vector.broadcast %rsqrt3A_180 : vector<512x1xf32> to vector<512x32xf32>
    %mul3A_182 = arith.mulf %sub3A_169, %mul3A_181 : vector<512x32xf32>
    %mul3A_183 = vector.broadcast %get3A_149 : vector<1x32xf32> to vector<512x32xf32>
    %mul3A_184 = arith.mulf %mul3A_182, %mul3A_183 : vector<512x32xf32>
    %add3A_185 = vector.broadcast %get3A_152 : vector<1x32xf32> to vector<512x32xf32>
    %add3A_186 = arith.addf %mul3A_184, %add3A_185 : vector<512x32xf32>
    %reduce_sum3A_187 = arith.constant dense<0.000000e+00> : vector<512xf32>
    %reduce_sum3A_188 = vector.multi_reduction <add>, %slice3A_160, %reduce_sum3A_187 [1] : vector<512x32xf32> to vector<512xf32>
    %broadcast_in_dim3A_189 = vector.shape_cast %reduce_sum3A_188 : vector<512xf32> to vector<512x1xf32>
    %div3A_190 = arith.constant 3.200000e+01 : f32
    %div3A_191 = vector.broadcast %div3A_190 : f32 to vector<512x1xf32>
    %div3A_192 = arith.divf %broadcast_in_dim3A_189, %div3A_191 : vector<512x1xf32>
    %sub3A_193 = vector.broadcast %div3A_192 : vector<512x1xf32> to vector<512x32xf32>
    %sub3A_194 = arith.subf %slice3A_160, %sub3A_193 : vector<512x32xf32>
    %mul3A_195 = arith.mulf %sub3A_194, %sub3A_194 : vector<512x32xf32>
    %reduce_sum3A_196 = arith.constant dense<0.000000e+00> : vector<512xf32>
    %reduce_sum3A_197 = vector.multi_reduction <add>, %mul3A_195, %reduce_sum3A_196 [1] : vector<512x32xf32> to vector<512xf32>
    %broadcast_in_dim3A_198 = vector.shape_cast %reduce_sum3A_197 : vector<512xf32> to vector<512x1xf32>
    %div3A_199 = arith.constant 3.200000e+01 : f32
    %div3A_200 = vector.broadcast %div3A_199 : f32 to vector<512x1xf32>
    %div3A_201 = arith.divf %broadcast_in_dim3A_198, %div3A_200 : vector<512x1xf32>
    %add3A_202 = arith.constant 9.99999974E-6 : f32
    %add3A_203 = vector.broadcast %add3A_202 : f32 to vector<512x1xf32>
    %add3A_204 = arith.addf %div3A_201, %add3A_203 : vector<512x1xf32>
    %rsqrt3A_205 = math.rsqrt %add3A_204 : vector<512x1xf32>
    %mul3A_206 = vector.broadcast %rsqrt3A_205 : vector<512x1xf32> to vector<512x32xf32>
    %mul3A_207 = arith.mulf %sub3A_194, %mul3A_206 : vector<512x32xf32>
    %mul3A_208 = vector.broadcast %get3A_155 : vector<1x32xf32> to vector<512x32xf32>
    %mul3A_209 = arith.mulf %mul3A_207, %mul3A_208 : vector<512x32xf32>
    %add3A_210 = vector.broadcast %get3A_158 : vector<1x32xf32> to vector<512x32xf32>
    %add3A_211 = arith.addf %mul3A_209, %add3A_210 : vector<512x32xf32>
    %slice3A_212 = vector.extract_strided_slice %mul3A_137 {offsets = [0, 0], sizes = [1, 1], strides = [1, 1]} : vector<1x8xf32> to vector<1x1xf32>
    %slice3A_213 = vector.extract_strided_slice %add3A_108 {offsets = [0, 0], sizes = [512, 8], strides = [1, 1]} : vector<512x192xf32> to vector<512x8xf32>
    %slice3A_214 = vector.extract_strided_slice %add3A_108 {offsets = [0, 8], sizes = [512, 8], strides = [1, 1]} : vector<512x192xf32> to vector<512x8xf32>
    %slice3A_215 = vector.extract_strided_slice %add3A_108 {offsets = [0, 16], sizes = [512, 8], strides = [1, 1]} : vector<512x192xf32> to vector<512x8xf32>
    %slice3A_216 = vector.extract_strided_slice %add3A_118 {offsets = [0, 0], sizes = [512, 8], strides = [1, 1]} : vector<512x192xf32> to vector<512x8xf32>
    %slice3A_217 = vector.extract_strided_slice %add3A_118 {offsets = [0, 8], sizes = [512, 8], strides = [1, 1]} : vector<512x192xf32> to vector<512x8xf32>
    %slice3A_218 = vector.extract_strided_slice %add3A_118 {offsets = [0, 16], sizes = [512, 8], strides = [1, 1]} : vector<512x192xf32> to vector<512x8xf32>
    %slice3A_219 = vector.extract_strided_slice %add3A_128 {offsets = [0, 0], sizes = [512, 8], strides = [1, 1]} : vector<512x192xf32> to vector<512x8xf32>
    %slice3A_220 = vector.extract_strided_slice %add3A_128 {offsets = [0, 8], sizes = [512, 8], strides = [1, 1]} : vector<512x192xf32> to vector<512x8xf32>
    %slice3A_221 = vector.extract_strided_slice %add3A_128 {offsets = [0, 16], sizes = [512, 8], strides = [1, 1]} : vector<512x192xf32> to vector<512x8xf32>
    %mul3A_222 = arith.constant 0.102062076 : f32
    %mul3A_223 = vector.broadcast %mul3A_222 : f32 to vector<512x32xf32>
    %mul3A_224 = arith.mulf %add3A_186, %mul3A_223 : vector<512x32xf32>
    %swap3A_225 = arith.constant 0 : index
    %swap3A_226 = arith.constant 0 : index
    %swap3A_227 = vector.load %arg13[%swap3A_225, %swap3A_226] : memref<512x512xf32, #tpu.memory_space<vmem>>, vector<512x32xf32>
    tpu.vector_store %arg13[%swap3A_225, %swap3A_226], %mul3A_224 {strides = array<i32>} : memref<512x512xf32, #tpu.memory_space<vmem>>, vector<512x32xf32>,
    %mul3A_228 = arith.constant 1.15470052 : f32
    %mul3A_229 = vector.broadcast %mul3A_228 : f32 to vector<1x1xf32>
    %mul3A_230 = arith.mulf %mul3A_229, %slice3A_212 : vector<1x1xf32>
    %mul3A_231 = vector.broadcast %mul3A_230 : vector<1x1xf32> to vector<512x8xf32>
    %mul3A_232 = arith.mulf %slice3A_213, %mul3A_231 : vector<512x8xf32>
    %swap3A_233 = arith.constant 0 : index
    %swap3A_234 = arith.constant 32 : index
    %swap3A_235 = vector.load %arg13[%swap3A_233, %swap3A_234] : memref<512x512xf32, #tpu.memory_space<vmem>>, vector<512x8xf32>
    tpu.vector_store %arg13[%swap3A_233, %swap3A_234], %mul3A_232 {strides = array<i32>} : memref<512x512xf32, #tpu.memory_space<vmem>>, vector<512x8xf32>,
    %mul3A_236 = vector.broadcast %mul3A_230 : vector<1x1xf32> to vector<512x8xf32>
    %mul3A_237 = arith.mulf %slice3A_216, %mul3A_236 : vector<512x8xf32>
    %swap3A_238 = arith.constant 0 : index
    %swap3A_239 = arith.constant 40 : index
    %swap3A_240 = vector.load %arg13[%swap3A_238, %swap3A_239] : memref<512x512xf32, #tpu.memory_space<vmem>>, vector<512x8xf32>
    tpu.vector_store %arg13[%swap3A_238, %swap3A_239], %mul3A_237 {strides = array<i32>} : memref<512x512xf32, #tpu.memory_space<vmem>>, vector<512x8xf32>,
    %mul3A_241 = vector.broadcast %mul3A_230 : vector<1x1xf32> to vector<512x8xf32>
    %mul3A_242 = arith.mulf %slice3A_219, %mul3A_241 : vector<512x8xf32>
    %swap3A_243 = arith.constant 0 : index
    %swap3A_244 = arith.constant 48 : index
    %swap3A_245 = vector.load %arg13[%swap3A_243, %swap3A_244] : memref<512x512xf32, #tpu.memory_space<vmem>>, vector<512x8xf32>
    tpu.vector_store %arg13[%swap3A_243, %swap3A_244], %mul3A_242 {strides = array<i32>} : memref<512x512xf32, #tpu.memory_space<vmem>>, vector<512x8xf32>,
    %broadcast_in_dim3A_246 = arith.constant 0.577350259 : f32
    %broadcast_in_dim3A_247 = vector.broadcast %broadcast_in_dim3A_246 : f32 to vector<512x1xf32>
    %swap3A_248 = arith.constant 0 : index
    %swap3A_249 = arith.constant 56 : index
    %swap3A_250 = vector.load %arg13[%swap3A_248, %swap3A_249] : memref<512x512xf32, #tpu.memory_space<vmem>>, vector<512x1xf32>
    tpu.vector_store %arg13[%swap3A_248, %swap3A_249], %broadcast_in_dim3A_247 {strides = array<i32>} : memref<512x512xf32, #tpu.memory_space<vmem>>, vector<512x1xf32>,
    %swap3A_251 = arith.constant 0 : index
    %swap3A_252 = arith.constant 0 : index
    %swap3A_253 = vector.load %arg12[%swap3A_251, %swap3A_252] : memref<512x1024xf32, #tpu.memory_space<vmem>>, vector<512x32xf32>
    tpu.vector_store %arg12[%swap3A_251, %swap3A_252], %add3A_211 {strides = array<i32>} : memref<512x1024xf32, #tpu.memory_space<vmem>>, vector<512x32xf32>,
    %swap3A_254 = arith.constant 0 : index
    %swap3A_255 = arith.constant 32 : index
    %swap3A_256 = vector.load %arg12[%swap3A_254, %swap3A_255] : memref<512x1024xf32, #tpu.memory_space<vmem>>, vector<512x8xf32>
    tpu.vector_store %arg12[%swap3A_254, %swap3A_255], %slice3A_214 {strides = array<i32>} : memref<512x1024xf32, #tpu.memory_space<vmem>>, vector<512x8xf32>,
    %swap3A_257 = arith.constant 0 : index
    %swap3A_258 = arith.constant 40 : index
    %swap3A_259 = vector.load %arg12[%swap3A_257, %swap3A_258] : memref<512x1024xf32, #tpu.memory_space<vmem>>, vector<512x8xf32>
    tpu.vector_store %arg12[%swap3A_257, %swap3A_258], %slice3A_217 {strides = array<i32>} : memref<512x1024xf32, #tpu.memory_space<vmem>>, vector<512x8xf32>,
    %swap3A_260 = arith.constant 0 : index
    %swap3A_261 = arith.constant 48 : index
    %swap3A_262 = vector.load %arg12[%swap3A_260, %swap3A_261] : memref<512x1024xf32, #tpu.memory_space<vmem>>, vector<512x8xf32>
    tpu.vector_store %arg12[%swap3A_260, %swap3A_261], %slice3A_220 {strides = array<i32>} : memref<512x1024xf32, #tpu.memory_space<vmem>>, vector<512x8xf32>,
    %mul3A_263 = arith.mulf %slice3A_214, %slice3A_214 : vector<512x8xf32>
    %mul3A_264 = arith.mulf %slice3A_217, %slice3A_217 : vector<512x8xf32>
    %add3A_265 = arith.addf %mul3A_263, %mul3A_264 : vector<512x8xf32>
    %mul3A_266 = arith.mulf %slice3A_220, %slice3A_220 : vector<512x8xf32>
    %add3A_267 = arith.addf %add3A_265, %mul3A_266 : vector<512x8xf32>
    %reduce_sum3A_268 = arith.constant dense<0.000000e+00> : vector<512xf32>
    %reduce_sum3A_269 = vector.multi_reduction <add>, %add3A_267, %reduce_sum3A_268 [1] : vector<512x8xf32> to vector<512xf32>
    %broadcast_in_dim3A_270 = vector.shape_cast %reduce_sum3A_269 : vector<512xf32> to vector<512x1xf32>
    %neg3A = arith.constant 0.000000e+00 : f32
    %neg3A_271 = vector.broadcast %neg3A : f32 to vector<1x1xf32>
    %neg3A_272 = arith.subf %neg3A_271, %slice3A_212 : vector<1x1xf32>
    %mul3A_273 = vector.broadcast %neg3A_272 : vector<1x1xf32> to vector<512x1xf32>
    %mul3A_274 = arith.mulf %mul3A_273, %broadcast_in_dim3A_270 : vector<512x1xf32>
    %swap3A_275 = arith.constant 0 : index
    %swap3A_276 = arith.constant 56 : index
    %swap3A_277 = vector.load %arg12[%swap3A_275, %swap3A_276] : memref<512x1024xf32, #tpu.memory_space<vmem>>, vector<512x1xf32>
    tpu.vector_store %arg12[%swap3A_275, %swap3A_276], %mul3A_274 {strides = array<i32>} : memref<512x1024xf32, #tpu.memory_space<vmem>>, vector<512x1xf32>,
    %swap3A_278 = arith.constant 0 : index
    %swap3A_279 = arith.constant 512 : index
    %swap3A_280 = vector.load %arg12[%swap3A_278, %swap3A_279] : memref<512x1024xf32, #tpu.memory_space<vmem>>, vector<512x32xf32>
    tpu.vector_store %arg12[%swap3A_278, %swap3A_279], %slice3A_161 {strides = array<i32>} : memref<512x1024xf32, #tpu.memory_space<vmem>>, vector<512x32xf32>,
    %swap3A_281 = arith.constant 0 : index
    %swap3A_282 = arith.constant 544 : index
    %swap3A_283 = vector.load %arg12[%swap3A_281, %swap3A_282] : memref<512x1024xf32, #tpu.memory_space<vmem>>, vector<512x8xf32>
    tpu.vector_store %arg12[%swap3A_281, %swap3A_282], %slice3A_215 {strides = array<i32>} : memref<512x1024xf32, #tpu.memory_space<vmem>>, vector<512x8xf32>,
    %swap3A_284 = arith.constant 0 : index
    %swap3A_285 = arith.constant 552 : index
    %swap3A_286 = vector.load %arg12[%swap3A_284, %swap3A_285] : memref<512x1024xf32, #tpu.memory_space<vmem>>, vector<512x8xf32>
    tpu.vector_store %arg12[%swap3A_284, %swap3A_285], %slice3A_218 {strides = array<i32>} : memref<512x1024xf32, #tpu.memory_space<vmem>>, vector<512x8xf32>,
    %swap3A_287 = arith.constant 0 : index
    %swap3A_288 = arith.constant 560 : index
    %swap3A_289 = vector.load %arg12[%swap3A_287, %swap3A_288] : memref<512x1024xf32, #tpu.memory_space<vmem>>, vector<512x8xf32>
    tpu.vector_store %arg12[%swap3A_287, %swap3A_288], %slice3A_221 {strides = array<i32>} : memref<512x1024xf32, #tpu.memory_space<vmem>>, vector<512x8xf32>,
    %slice3A_290 = vector.extract_strided_slice %dot_general3A_29 {offsets = [0, 32], sizes = [512, 32], strides = [1, 1]} : vector<512x768xf32> to vector<512x32xf32>
    %slice3A_291 = vector.extract_strided_slice %dot_general3A_29 {offsets = [0, 288], sizes = [512, 32], strides = [1, 1]} : vector<512x768xf32> to vector<512x32xf32>
    %slice3A_292 = vector.extract_strided_slice %dot_general3A_29 {offsets = [0, 544], sizes = [512, 32], strides = [1, 1]} : vector<512x768xf32> to vector<512x32xf32>
    %reduce_sum3A_293 = arith.constant dense<0.000000e+00> : vector<512xf32>
    %reduce_sum3A_294 = vector.multi_reduction <add>, %slice3A_290, %reduce_sum3A_293 [1] : vector<512x32xf32> to vector<512xf32>
    %broadcast_in_dim3A_295 = vector.shape_cast %reduce_sum3A_294 : vector<512xf32> to vector<512x1xf32>
    %div3A_296 = arith.constant 3.200000e+01 : f32
    %div3A_297 = vector.broadcast %div3A_296 : f32 to vector<512x1xf32>
    %div3A_298 = arith.divf %broadcast_in_dim3A_295, %div3A_297 : vector<512x1xf32>
    %sub3A_299 = vector.broadcast %div3A_298 : vector<512x1xf32> to vector<512x32xf32>
    %sub3A_300 = arith.subf %slice3A_290, %sub3A_299 : vector<512x32xf32>
    %mul3A_301 = arith.mulf %sub3A_300, %sub3A_300 : vector<512x32xf32>
    %reduce_sum3A_302 = arith.constant dense<0.000000e+00> : vector<512xf32>
    %reduce_sum3A_303 = vector.multi_reduction <add>, %mul3A_301, %reduce_sum3A_302 [1] : vector<512x32xf32> to vector<512xf32>
    %broadcast_in_dim3A_304 = vector.shape_cast %reduce_sum3A_303 : vector<512xf32> to vector<512x1xf32>
    %div3A_305 = arith.constant 3.200000e+01 : f32
    %div3A_306 = vector.broadcast %div3A_305 : f32 to vector<512x1xf32>
    %div3A_307 = arith.divf %broadcast_in_dim3A_304, %div3A_306 : vector<512x1xf32>
    %add3A_308 = arith.constant 9.99999974E-6 : f32
    %add3A_309 = vector.broadcast %add3A_308 : f32 to vector<512x1xf32>
    %add3A_310 = arith.addf %div3A_307, %add3A_309 : vector<512x1xf32>
    %rsqrt3A_311 = math.rsqrt %add3A_310 : vector<512x1xf32>
    %mul3A_312 = vector.broadcast %rsqrt3A_311 : vector<512x1xf32> to vector<512x32xf32>
    %mul3A_313 = arith.mulf %sub3A_300, %mul3A_312 : vector<512x32xf32>
    %mul3A_314 = vector.broadcast %get3A_149 : vector<1x32xf32> to vector<512x32xf32>
    %mul3A_315 = arith.mulf %mul3A_313, %mul3A_314 : vector<512x32xf32>
    %add3A_316 = vector.broadcast %get3A_152 : vector<1x32xf32> to vector<512x32xf32>
    %add3A_317 = arith.addf %mul3A_315, %add3A_316 : vector<512x32xf32>
    %reduce_sum3A_318 = arith.constant dense<0.000000e+00> : vector<512xf32>
    %reduce_sum3A_319 = vector.multi_reduction <add>, %slice3A_291, %reduce_sum3A_318 [1] : vector<512x32xf32> to vector<512xf32>
    %broadcast_in_dim3A_320 = vector.shape_cast %reduce_sum3A_319 : vector<512xf32> to vector<512x1xf32>
    %div3A_321 = arith.constant 3.200000e+01 : f32
    %div3A_322 = vector.broadcast %div3A_321 : f32 to vector<512x1xf32>
    %div3A_323 = arith.divf %broadcast_in_dim3A_320, %div3A_322 : vector<512x1xf32>
    %sub3A_324 = vector.broadcast %div3A_323 : vector<512x1xf32> to vector<512x32xf32>
    %sub3A_325 = arith.subf %slice3A_291, %sub3A_324 : vector<512x32xf32>
    %mul3A_326 = arith.mulf %sub3A_325, %sub3A_325 : vector<512x32xf32>
    %reduce_sum3A_327 = arith.constant dense<0.000000e+00> : vector<512xf32>
    %reduce_sum3A_328 = vector.multi_reduction <add>, %mul3A_326, %reduce_sum3A_327 [1] : vector<512x32xf32> to vector<512xf32>
    %broadcast_in_dim3A_329 = vector.shape_cast %reduce_sum3A_328 : vector<512xf32> to vector<512x1xf32>
    %div3A_330 = arith.constant 3.200000e+01 : f32
    %div3A_331 = vector.broadcast %div3A_330 : f32 to vector<512x1xf32>
    %div3A_332 = arith.divf %broadcast_in_dim3A_329, %div3A_331 : vector<512x1xf32>
    %add3A_333 = arith.constant 9.99999974E-6 : f32
    %add3A_334 = vector.broadcast %add3A_333 : f32 to vector<512x1xf32>
    %add3A_335 = arith.addf %div3A_332, %add3A_334 : vector<512x1xf32>
    %rsqrt3A_336 = math.rsqrt %add3A_335 : vector<512x1xf32>
    %mul3A_337 = vector.broadcast %rsqrt3A_336 : vector<512x1xf32> to vector<512x32xf32>
    %mul3A_338 = arith.mulf %sub3A_325, %mul3A_337 : vector<512x32xf32>
    %mul3A_339 = vector.broadcast %get3A_155 : vector<1x32xf32> to vector<512x32xf32>
    %mul3A_340 = arith.mulf %mul3A_338, %mul3A_339 : vector<512x32xf32>
    %add3A_341 = vector.broadcast %get3A_158 : vector<1x32xf32> to vector<512x32xf32>
    %add3A_342 = arith.addf %mul3A_340, %add3A_341 : vector<512x32xf32>
    %slice3A_343 = vector.extract_strided_slice %mul3A_137 {offsets = [0, 1], sizes = [1, 1], strides = [1, 1]} : vector<1x8xf32> to vector<1x1xf32>
    %slice3A_344 = vector.extract_strided_slice %add3A_108 {offsets = [0, 24], sizes = [512, 8], strides = [1, 1]} : vector<512x192xf32> to vector<512x8xf32>
    %slice3A_345 = vector.extract_strided_slice %add3A_108 {offsets = [0, 32], sizes = [512, 8], strides = [1, 1]} : vector<512x192xf32> to vector<512x8xf32>
    %slice3A_346 = vector.extract_strided_slice %add3A_108 {offsets = [0, 40], sizes = [512, 8], strides = [1, 1]} : vector<512x192xf32> to vector<512x8xf32>
    %slice3A_347 = vector.extract_strided_slice %add3A_118 {offsets = [0, 24], sizes = [512, 8], strides = [1, 1]} : vector<512x192xf32> to vector<512x8xf32>
    %slice3A_348 = vector.extract_strided_slice %add3A_118 {offsets = [0, 32], sizes = [512, 8], strides = [1, 1]} : vector<512x192xf32> to vector<512x8xf32>
    %slice3A_349 = vector.extract_strided_slice %add3A_118 {offsets = [0, 40], sizes = [512, 8], strides = [1, 1]} : vector<512x192xf32> to vector<512x8xf32>
    %slice3A_350 = vector.extract_strided_slice %add3A_128 {offsets = [0, 24], sizes = [512, 8], strides = [1, 1]} : vector<512x192xf32> to vector<512x8xf32>
    %slice3A_351 = vector.extract_strided_slice %add3A_128 {offsets = [0, 32], sizes = [512, 8], strides = [1, 1]} : vector<512x192xf32> to vector<512x8xf32>
    %slice3A_352 = vector.extract_strided_slice %add3A_128 {offsets = [0, 40], sizes = [512, 8], strides = [1, 1]} : vector<512x192xf32> to vector<512x8xf32>
    %mul3A_353 = arith.constant 0.102062076 : f32
    %mul3A_354 = vector.broadcast %mul3A_353 : f32 to vector<512x32xf32>
    %mul3A_355 = arith.mulf %add3A_317, %mul3A_354 : vector<512x32xf32>
    %swap3A_356 = arith.constant 0 : index
    %swap3A_357 = arith.constant 64 : index
    %swap3A_358 = vector.load %arg13[%swap3A_356, %swap3A_357] : memref<512x512xf32, #tpu.memory_space<vmem>>, vector<512x32xf32>
    tpu.vector_store %arg13[%swap3A_356, %swap3A_357], %mul3A_355 {strides = array<i32>} : memref<512x512xf32, #tpu.memory_space<vmem>>, vector<512x32xf32>,
    %mul3A_359 = arith.constant 1.15470052 : f32
    %mul3A_360 = vector.broadcast %mul3A_359 : f32 to vector<1x1xf32>
    %mul3A_361 = arith.mulf %mul3A_360, %slice3A_343 : vector<1x1xf32>
    %mul3A_362 = vector.broadcast %mul3A_361 : vector<1x1xf32> to vector<512x8xf32>
    %mul3A_363 = arith.mulf %slice3A_344, %mul3A_362 : vector<512x8xf32>
    %swap3A_364 = arith.constant 0 : index
    %swap3A_365 = arith.constant 96 : index
    %swap3A_366 = vector.load %arg13[%swap3A_364, %swap3A_365] : memref<512x512xf32, #tpu.memory_space<vmem>>, vector<512x8xf32>
    tpu.vector_store %arg13[%swap3A_364, %swap3A_365], %mul3A_363 {strides = array<i32>} : memref<512x512xf32, #tpu.memory_space<vmem>>, vector<512x8xf32>,
    %mul3A_367 = vector.broadcast %mul3A_361 : vector<1x1xf32> to vector<512x8xf32>
    %mul3A_368 = arith.mulf %slice3A_347, %mul3A_367 : vector<512x8xf32>
    %swap3A_369 = arith.constant 0 : index
    %swap3A_370 = arith.constant 104 : index
    %swap3A_371 = vector.load %arg13[%swap3A_369, %swap3A_370] : memref<512x512xf32, #tpu.memory_space<vmem>>, vector<512x8xf32>
    tpu.vector_store %arg13[%swap3A_369, %swap3A_370], %mul3A_368 {strides = array<i32>} : memref<512x512xf32, #tpu.memory_space<vmem>>, vector<512x8xf32>,
    %mul3A_372 = vector.broadcast %mul3A_361 : vector<1x1xf32> to vector<512x8xf32>
    %mul3A_373 = arith.mulf %slice3A_350, %mul3A_372 : vector<512x8xf32>
    %swap3A_374 = arith.constant 0 : index
    %swap3A_375 = arith.constant 112 : index
    %swap3A_376 = vector.load %arg13[%swap3A_374, %swap3A_375] : memref<512x512xf32, #tpu.memory_space<vmem>>, vector<512x8xf32>
    tpu.vector_store %arg13[%swap3A_374, %swap3A_375], %mul3A_373 {strides = array<i32>} : memref<512x512xf32, #tpu.memory_space<vmem>>, vector<512x8xf32>,
    %broadcast_in_dim3A_377 = arith.constant 0.577350259 : f32
    %broadcast_in_dim3A_378 = vector.broadcast %broadcast_in_dim3A_377 : f32 to vector<512x1xf32>
    %swap3A_379 = arith.constant 0 : index
    %swap3A_380 = arith.constant 120 : index
    %swap3A_381 = vector.load %arg13[%swap3A_379, %swap3A_380] : memref<512x512xf32, #tpu.memory_space<vmem>>, vector<512x1xf32>
    tpu.vector_store %arg13[%swap3A_379, %swap3A_380], %broadcast_in_dim3A_378 {strides = array<i32>} : memref<512x512xf32, #tpu.memory_space<vmem>>, vector<512x1xf32>,
    %swap3A_382 = arith.constant 0 : index
    %swap3A_383 = arith.constant 64 : index
    %swap3A_384 = vector.load %arg12[%swap3A_382, %swap3A_383] : memref<512x1024xf32, #tpu.memory_space<vmem>>, vector<512x32xf32>
    tpu.vector_store %arg12[%swap3A_382, %swap3A_383], %add3A_342 {strides = array<i32>} : memref<512x1024xf32, #tpu.memory_space<vmem>>, vector<512x32xf32>,
    %swap3A_385 = arith.constant 0 : index
    %swap3A_386 = arith.constant 96 : index
    %swap3A_387 = vector.load %arg12[%swap3A_385, %swap3A_386] : memref<512x1024xf32, #tpu.memory_space<vmem>>, vector<512x8xf32>
    tpu.vector_store %arg12[%swap3A_385, %swap3A_386], %slice3A_345 {strides = array<i32>} : memref<512x1024xf32, #tpu.memory_space<vmem>>, vector<512x8xf32>,
    %swap3A_388 = arith.constant 0 : index
    %swap3A_389 = arith.constant 104 : index
    %swap3A_390 = vector.load %arg12[%swap3A_388, %swap3A_389] : memref<512x1024xf32, #tpu.memory_space<vmem>>, vector<512x8xf32>
    tpu.vector_store %arg12[%swap3A_388, %swap3A_389], %slice3A_348 {strides = array<i32>} : memref<512x1024xf32, #tpu.memory_space<vmem>>, vector<512x8xf32>,
    %swap3A_391 = arith.constant 0 : index
    %swap3A_392 = arith.constant 112 : index
    %swap3A_393 = vector.load %arg12[%swap3A_391, %swap3A_392] : memref<512x1024xf32, #tpu.memory_space<vmem>>, vector<512x8xf32>
    tpu.vector_store %arg12[%swap3A_391, %swap3A_392], %slice3A_351 {strides = array<i32>} : memref<512x1024xf32, #tpu.memory_space<vmem>>, vector<512x8xf32>,
    %mul3A_394 = arith.mulf %slice3A_345, %slice3A_345 : vector<512x8xf32>
    %mul3A_395 = arith.mulf %slice3A_348, %slice3A_348 : vector<512x8xf32>
    %add3A_396 = arith.addf %mul3A_394, %mul3A_395 : vector<512x8xf32>
    %mul3A_397 = arith.mulf %slice3A_351, %slice3A_351 : vector<512x8xf32>
    %add3A_398 = arith.addf %add3A_396, %mul3A_397 : vector<512x8xf32>
    %reduce_sum3A_399 = arith.constant dense<0.000000e+00> : vector<512xf32>
    %reduce_sum3A_400 = vector.multi_reduction <add>, %add3A_398, %reduce_sum3A_399 [1] : vector<512x8xf32> to vector<512xf32>
    %broadcast_in_dim3A_401 = vector.shape_cast %reduce_sum3A_400 : vector<512xf32> to vector<512x1xf32>
    %neg3A_402 = arith.constant 0.000000e+00 : f32
    %neg3A_403 = vector.broadcast %neg3A_402 : f32 to vector<1x1xf32>
    %neg3A_404 = arith.subf %neg3A_403, %slice3A_343 : vector<1x1xf32>
    %mul3A_405 = vector.broadcast %neg3A_404 : vector<1x1xf32> to vector<512x1xf32>
    %mul3A_406 = arith.mulf %mul3A_405, %broadcast_in_dim3A_401 : vector<512x1xf32>
    %swap3A_407 = arith.constant 0 : index
    %swap3A_408 = arith.constant 120 : index
    %swap3A_409 = vector.load %arg12[%swap3A_407, %swap3A_408] : memref<512x1024xf32, #tpu.memory_space<vmem>>, vector<512x1xf32>
    tpu.vector_store %arg12[%swap3A_407, %swap3A_408], %mul3A_406 {strides = array<i32>} : memref<512x1024xf32, #tpu.memory_space<vmem>>, vector<512x1xf32>,
    %swap3A_410 = arith.constant 0 : index
    %swap3A_411 = arith.constant 576 : index
    %swap3A_412 = vector.load %arg12[%swap3A_410, %swap3A_411] : memref<512x1024xf32, #tpu.memory_space<vmem>>, vector<512x32xf32>
    tpu.vector_store %arg12[%swap3A_410, %swap3A_411], %slice3A_292 {strides = array<i32>} : memref<512x1024xf32, #tpu.memory_space<vmem>>, vector<512x32xf32>,
    %swap3A_413 = arith.constant 0 : index
    %swap3A_414 = arith.constant 608 : index
    %swap3A_415 = vector.load %arg12[%swap3A_413, %swap3A_414] : memref<512x1024xf32, #tpu.memory_space<vmem>>, vector<512x8xf32>
    tpu.vector_store %arg12[%swap3A_413, %swap3A_414], %slice3A_346 {strides = array<i32>} : memref<512x1024xf32, #tpu.memory_space<vmem>>, vector<512x8xf32>,
    %swap3A_416 = arith.constant 0 : index
    %swap3A_417 = arith.constant 616 : index
    %swap3A_418 = vector.load %arg12[%swap3A_416, %swap3A_417] : memref<512x1024xf32, #tpu.memory_space<vmem>>, vector<512x8xf32>
    tpu.vector_store %arg12[%swap3A_416, %swap3A_417], %slice3A_349 {strides = array<i32>} : memref<512x1024xf32, #tpu.memory_space<vmem>>, vector<512x8xf32>,
    %swap3A_419 = arith.constant 0 : index
    %swap3A_420 = arith.constant 624 : index
    %swap3A_421 = vector.load %arg12[%swap3A_419, %swap3A_420] : memref<512x1024xf32, #tpu.memory_space<vmem>>, vector<512x8xf32>
    tpu.vector_store %arg12[%swap3A_419, %swap3A_420], %slice3A_352 {strides = array<i32>} : memref<512x1024xf32, #tpu.memory_space<vmem>>, vector<512x8xf32>,
    %slice3A_422 = vector.extract_strided_slice %dot_general3A_29 {offsets = [0, 64], sizes = [512, 32], strides = [1, 1]} : vector<512x768xf32> to vector<512x32xf32>
    %slice3A_423 = vector.extract_strided_slice %dot_general3A_29 {offsets = [0, 320], sizes = [512, 32], strides = [1, 1]} : vector<512x768xf32> to vector<512x32xf32>
    %slice3A_424 = vector.extract_strided_slice %dot_general3A_29 {offsets = [0, 576], sizes = [512, 32], strides = [1, 1]} : vector<512x768xf32> to vector<512x32xf32>
    %reduce_sum3A_425 = arith.constant dense<0.000000e+00> : vector<512xf32>
    %reduce_sum3A_426 = vector.multi_reduction <add>, %slice3A_422, %reduce_sum3A_425 [1] : vector<512x32xf32> to vector<512xf32>
    %broadcast_in_dim3A_427 = vector.shape_cast %reduce_sum3A_426 : vector<512xf32> to vector<512x1xf32>
    %div3A_428 = arith.constant 3.200000e+01 : f32
    %div3A_429 = vector.broadcast %div3A_428 : f32 to vector<512x1xf32>
    %div3A_430 = arith.divf %broadcast_in_dim3A_427, %div3A_429 : vector<512x1xf32>
    %sub3A_431 = vector.broadcast %div3A_430 : vector<512x1xf32> to vector<512x32xf32>
    %sub3A_432 = arith.subf %slice3A_422, %sub3A_431 : vector<512x32xf32>
    %mul3A_433 = arith.mulf %sub3A_432, %sub3A_432 : vector<512x32xf32>
    %reduce_sum3A_434 = arith.constant dense<0.000000e+00> : vector<512xf32>
    %reduce_sum3A_435 = vector.multi_reduction <add>, %mul3A_433, %reduce_sum3A_434 [1] : vector<512x32xf32> to vector<512xf32>
    %broadcast_in_dim3A_436 = vector.shape_cast %reduce_sum3A_435 : vector<512xf32> to vector<512x1xf32>
    %div3A_437 = arith.constant 3.200000e+01 : f32
    %div3A_438 = vector.broadcast %div3A_437 : f32 to vector<512x1xf32>
    %div3A_439 = arith.divf %broadcast_in_dim3A_436, %div3A_438 : vector<512x1xf32>
    %add3A_440 = arith.constant 9.99999974E-6 : f32
    %add3A_441 = vector.broadcast %add3A_440 : f32 to vector<512x1xf32>
    %add3A_442 = arith.addf %div3A_439, %add3A_441 : vector<512x1xf32>
    %rsqrt3A_443 = math.rsqrt %add3A_442 : vector<512x1xf32>
    %mul3A_444 = vector.broadcast %rsqrt3A_443 : vector<512x1xf32> to vector<512x32xf32>
    %mul3A_445 = arith.mulf %sub3A_432, %mul3A_444 : vector<512x32xf32>
    %mul3A_446 = vector.broadcast %get3A_149 : vector<1x32xf32> to vector<512x32xf32>
    %mul3A_447 = arith.mulf %mul3A_445, %mul3A_446 : vector<512x32xf32>
    %add3A_448 = vector.broadcast %get3A_152 : vector<1x32xf32> to vector<512x32xf32>
    %add3A_449 = arith.addf %mul3A_447, %add3A_448 : vector<512x32xf32>
    %reduce_sum3A_450 = arith.constant dense<0.000000e+00> : vector<512xf32>
    %reduce_sum3A_451 = vector.multi_reduction <add>, %slice3A_423, %reduce_sum3A_450 [1] : vector<512x32xf32> to vector<512xf32>
    %broadcast_in_dim3A_452 = vector.shape_cast %reduce_sum3A_451 : vector<512xf32> to vector<512x1xf32>
    %div3A_453 = arith.constant 3.200000e+01 : f32
    %div3A_454 = vector.broadcast %div3A_453 : f32 to vector<512x1xf32>
    %div3A_455 = arith.divf %broadcast_in_dim3A_452, %div3A_454 : vector<512x1xf32>
    %sub3A_456 = vector.broadcast %div3A_455 : vector<512x1xf32> to vector<512x32xf32>
    %sub3A_457 = arith.subf %slice3A_423, %sub3A_456 : vector<512x32xf32>
    %mul3A_458 = arith.mulf %sub3A_457, %sub3A_457 : vector<512x32xf32>
    %reduce_sum3A_459 = arith.constant dense<0.000000e+00> : vector<512xf32>
    %reduce_sum3A_460 = vector.multi_reduction <add>, %mul3A_458, %reduce_sum3A_459 [1] : vector<512x32xf32> to vector<512xf32>
    %broadcast_in_dim3A_461 = vector.shape_cast %reduce_sum3A_460 : vector<512xf32> to vector<512x1xf32>
    %div3A_462 = arith.constant 3.200000e+01 : f32
    %div3A_463 = vector.broadcast %div3A_462 : f32 to vector<512x1xf32>
    %div3A_464 = arith.divf %broadcast_in_dim3A_461, %div3A_463 : vector<512x1xf32>
    %add3A_465 = arith.constant 9.99999974E-6 : f32
    %add3A_466 = vector.broadcast %add3A_465 : f32 to vector<512x1xf32>
    %add3A_467 = arith.addf %div3A_464, %add3A_466 : vector<512x1xf32>
    %rsqrt3A_468 = math.rsqrt %add3A_467 : vector<512x1xf32>
    %mul3A_469 = vector.broadcast %rsqrt3A_468 : vector<512x1xf32> to vector<512x32xf32>
    %mul3A_470 = arith.mulf %sub3A_457, %mul3A_469 : vector<512x32xf32>
    %mul3A_471 = vector.broadcast %get3A_155 : vector<1x32xf32> to vector<512x32xf32>
    %mul3A_472 = arith.mulf %mul3A_470, %mul3A_471 : vector<512x32xf32>
    %add3A_473 = vector.broadcast %get3A_158 : vector<1x32xf32> to vector<512x32xf32>
    %add3A_474 = arith.addf %mul3A_472, %add3A_473 : vector<512x32xf32>
    %slice3A_475 = vector.extract_strided_slice %mul3A_137 {offsets = [0, 2], sizes = [1, 1], strides = [1, 1]} : vector<1x8xf32> to vector<1x1xf32>
    %slice3A_476 = vector.extract_strided_slice %add3A_108 {offsets = [0, 48], sizes = [512, 8], strides = [1, 1]} : vector<512x192xf32> to vector<512x8xf32>
    %slice3A_477 = vector.extract_strided_slice %add3A_108 {offsets = [0, 56], sizes = [512, 8], strides = [1, 1]} : vector<512x192xf32> to vector<512x8xf32>
    %slice3A_478 = vector.extract_strided_slice %add3A_108 {offsets = [0, 64], sizes = [512, 8], strides = [1, 1]} : vector<512x192xf32> to vector<512x8xf32>
    %slice3A_479 = vector.extract_strided_slice %add3A_118 {offsets = [0, 48], sizes = [512, 8], strides = [1, 1]} : vector<512x192xf32> to vector<512x8xf32>
    %slice3A_480 = vector.extract_strided_slice %add3A_118 {offsets = [0, 56], sizes = [512, 8], strides = [1, 1]} : vector<512x192xf32> to vector<512x8xf32>
    %slice3A_481 = vector.extract_strided_slice %add3A_118 {offsets = [0, 64], sizes = [512, 8], strides = [1, 1]} : vector<512x192xf32> to vector<512x8xf32>
    %slice3A_482 = vector.extract_strided_slice %add3A_128 {offsets = [0, 48], sizes = [512, 8], strides = [1, 1]} : vector<512x192xf32> to vector<512x8xf32>
    %slice3A_483 = vector.extract_strided_slice %add3A_128 {offsets = [0, 56], sizes = [512, 8], strides = [1, 1]} : vector<512x192xf32> to vector<512x8xf32>
    %slice3A_484 = vector.extract_strided_slice %add3A_128 {offsets = [0, 64], sizes = [512, 8], strides = [1, 1]} : vector<512x192xf32> to vector<512x8xf32>
    %mul3A_485 = arith.constant 0.102062076 : f32
    %mul3A_486 = vector.broadcast %mul3A_485 : f32 to vector<512x32xf32>
    %mul3A_487 = arith.mulf %add3A_449, %mul3A_486 : vector<512x32xf32>
    %swap3A_488 = arith.constant 0 : index
    %swap3A_489 = arith.constant 128 : index
    %swap3A_490 = vector.load %arg13[%swap3A_488, %swap3A_489] : memref<512x512xf32, #tpu.memory_space<vmem>>, vector<512x32xf32>
    tpu.vector_store %arg13[%swap3A_488, %swap3A_489], %mul3A_487 {strides = array<i32>} : memref<512x512xf32, #tpu.memory_space<vmem>>, vector<512x32xf32>,
    %mul3A_491 = arith.constant 1.15470052 : f32
    %mul3A_492 = vector.broadcast %mul3A_491 : f32 to vector<1x1xf32>
    %mul3A_493 = arith.mulf %mul3A_492, %slice3A_475 : vector<1x1xf32>
    %mul3A_494 = vector.broadcast %mul3A_493 : vector<1x1xf32> to vector<512x8xf32>
    %mul3A_495 = arith.mulf %slice3A_476, %mul3A_494 : vector<512x8xf32>
    %swap3A_496 = arith.constant 0 : index
    %swap3A_497 = arith.constant 160 : index
    %swap3A_498 = vector.load %arg13[%swap3A_496, %swap3A_497] : memref<512x512xf32, #tpu.memory_space<vmem>>, vector<512x8xf32>
    tpu.vector_store %arg13[%swap3A_496, %swap3A_497], %mul3A_495 {strides = array<i32>} : memref<512x512xf32, #tpu.memory_space<vmem>>, vector<512x8xf32>,
    %mul3A_499 = vector.broadcast %mul3A_493 : vector<1x1xf32> to vector<512x8xf32>
    %mul3A_500 = arith.mulf %slice3A_479, %mul3A_499 : vector<512x8xf32>
    %swap3A_501 = arith.constant 0 : index
    %swap3A_502 = arith.constant 168 : index
    %swap3A_503 = vector.load %arg13[%swap3A_501, %swap3A_502] : memref<512x512xf32, #tpu.memory_space<vmem>>, vector<512x8xf32>
    tpu.vector_store %arg13[%swap3A_501, %swap3A_502], %mul3A_500 {strides = array<i32>} : memref<512x512xf32, #tpu.memory_space<vmem>>, vector<512x8xf32>,
    %mul3A_504 = vector.broadcast %mul3A_493 : vector<1x1xf32> to vector<512x8xf32>
    %mul3A_505 = arith.mulf %slice3A_482, %mul3A_504 : vector<512x8xf32>
    %swap3A_506 = arith.constant 0 : index
    %swap3A_507 = arith.constant 176 : index
    %swap3A_508 = vector.load %arg13[%swap3A_506, %swap3A_507] : memref<512x512xf32, #tpu.memory_space<vmem>>, vector<512x8xf32>
    tpu.vector_store %arg13[%swap3A_506, %swap3A_507], %mul3A_505 {strides = array<i32>} : memref<512x512xf32, #tpu.memory_space<vmem>>, vector<512x8xf32>,
    %broadcast_in_dim3A_509 = arith.constant 0.577350259 : f32
    %broadcast_in_dim3A_510 = vector.broadcast %broadcast_in_dim3A_509 : f32 to vector<512x1xf32>
    %swap3A_511 = arith.constant 0 : index
    %swap3A_512 = arith.constant 184 : index
    %swap3A_513 = vector.load %arg13[%swap3A_511, %swap3A_512] : memref<512x512xf32, #tpu.memory_space<vmem>>, vector<512x1xf32>
    tpu.vector_store %arg13[%swap3A_511, %swap3A_512], %broadcast_in_dim3A_510 {strides = array<i32>} : memref<512x512xf32, #tpu.memory_space<vmem>>, vector<512x1xf32>,
    %swap3A_514 = arith.constant 0 : index
    %swap3A_515 = arith.constant 128 : index
    %swap3A_516 = vector.load %arg12[%swap3A_514, %swap3A_515] : memref<512x1024xf32, #tpu.memory_space<vmem>>, vector<512x32xf32>
    tpu.vector_store %arg12[%swap3A_514, %swap3A_515], %add3A_474 {strides = array<i32>} : memref<512x1024xf32, #tpu.memory_space<vmem>>, vector<512x32xf32>,
    %swap3A_517 = arith.constant 0 : index
    %swap3A_518 = arith.constant 160 : index
    %swap3A_519 = vector.load %arg12[%swap3A_517, %swap3A_518] : memref<512x1024xf32, #tpu.memory_space<vmem>>, vector<512x8xf32>
    tpu.vector_store %arg12[%swap3A_517, %swap3A_518], %slice3A_477 {strides = array<i32>} : memref<512x1024xf32, #tpu.memory_space<vmem>>, vector<512x8xf32>,
    %swap3A_520 = arith.constant 0 : index
    %swap3A_521 = arith.constant 168 : index
    %swap3A_522 = vector.load %arg12[%swap3A_520, %swap3A_521] : memref<512x1024xf32, #tpu.memory_space<vmem>>, vector<512x8xf32>
    tpu.vector_store %arg12[%swap3A_520, %swap3A_521], %slice3A_480 {strides = array<i32>} : memref<512x1024xf32, #tpu.memory_space<vmem>>, vector<512x8xf32>,
    %swap3A_523 = arith.constant 0 : index
    %swap3A_524 = arith.constant 176 : index
    %swap3A_525 = vector.load %arg12[%swap3A_523, %swap3A_524] : memref<512x1024xf32, #tpu.memory_space<vmem>>, vector<512x8xf32>
    tpu.vector_store %arg12[%swap3A_523, %swap3A_524], %slice3A_483 {strides = array<i32>} : memref<512x1024xf32, #tpu.memory_space<vmem>>, vector<512x8xf32>,
    %mul3A_526 = arith.mulf %slice3A_477, %slice3A_477 : vector<512x8xf32>
    %mul3A_527 = arith.mulf %slice3A_480, %slice3A_480 : vector<512x8xf32>
    %add3A_528 = arith.addf %mul3A_526, %mul3A_527 : vector<512x8xf32>
    %mul3A_529 = arith.mulf %slice3A_483, %slice3A_483 : vector<512x8xf32>
    %add3A_530 = arith.addf %add3A_528, %mul3A_529 : vector<512x8xf32>
    %reduce_sum3A_531 = arith.constant dense<0.000000e+00> : vector<512xf32>
    %reduce_sum3A_532 = vector.multi_reduction <add>, %add3A_530, %reduce_sum3A_531 [1] : vector<512x8xf32> to vector<512xf32>
    %broadcast_in_dim3A_533 = vector.shape_cast %reduce_sum3A_532 : vector<512xf32> to vector<512x1xf32>
    %neg3A_534 = arith.constant 0.000000e+00 : f32
    %neg3A_535 = vector.broadcast %neg3A_534 : f32 to vector<1x1xf32>
    %neg3A_536 = arith.subf %neg3A_535, %slice3A_475 : vector<1x1xf32>
    %mul3A_537 = vector.broadcast %neg3A_536 : vector<1x1xf32> to vector<512x1xf32>
    %mul3A_538 = arith.mulf %mul3A_537, %broadcast_in_dim3A_533 : vector<512x1xf32>
    %swap3A_539 = arith.constant 0 : index
    %swap3A_540 = arith.constant 184 : index
    %swap3A_541 = vector.load %arg12[%swap3A_539, %swap3A_540] : memref<512x1024xf32, #tpu.memory_space<vmem>>, vector<512x1xf32>
    tpu.vector_store %arg12[%swap3A_539, %swap3A_540], %mul3A_538 {strides = array<i32>} : memref<512x1024xf32, #tpu.memory_space<vmem>>, vector<512x1xf32>,
    %swap3A_542 = arith.constant 0 : index
    %swap3A_543 = arith.constant 640 : index
    %swap3A_544 = vector.load %arg12[%swap3A_542, %swap3A_543] : memref<512x1024xf32, #tpu.memory_space<vmem>>, vector<512x32xf32>
    tpu.vector_store %arg12[%swap3A_542, %swap3A_543], %slice3A_424 {strides = array<i32>} : memref<512x1024xf32, #tpu.memory_space<vmem>>, vector<512x32xf32>,
    %swap3A_545 = arith.constant 0 : index
    %swap3A_546 = arith.constant 672 : index
    %swap3A_547 = vector.load %arg12[%swap3A_545, %swap3A_546] : memref<512x1024xf32, #tpu.memory_space<vmem>>, vector<512x8xf32>
    tpu.vector_store %arg12[%swap3A_545, %swap3A_546], %slice3A_478 {strides = array<i32>} : memref<512x1024xf32, #tpu.memory_space<vmem>>, vector<512x8xf32>,
    %swap3A_548 = arith.constant 0 : index
    %swap3A_549 = arith.constant 680 : index
    %swap3A_550 = vector.load %arg12[%swap3A_548, %swap3A_549] : memref<512x1024xf32, #tpu.memory_space<vmem>>, vector<512x8xf32>
    tpu.vector_store %arg12[%swap3A_548, %swap3A_549], %slice3A_481 {strides = array<i32>} : memref<512x1024xf32, #tpu.memory_space<vmem>>, vector<512x8xf32>,
    %swap3A_551 = arith.constant 0 : index
    %swap3A_552 = arith.constant 688 : index
    %swap3A_553 = vector.load %arg12[%swap3A_551, %swap3A_552] : memref<512x1024xf32, #tpu.memory_space<vmem>>, vector<512x8xf32>
    tpu.vector_store %arg12[%swap3A_551, %swap3A_552], %slice3A_484 {strides = array<i32>} : memref<512x1024xf32, #tpu.memory_space<vmem>>, vector<512x8xf32>,
    %slice3A_554 = vector.extract_strided_slice %dot_general3A_29 {offsets = [0, 96], sizes = [512, 32], strides = [1, 1]} : vector<512x768xf32> to vector<512x32xf32>
    %slice3A_555 = vector.extract_strided_slice %dot_general3A_29 {offsets = [0, 352], sizes = [512, 32], strides = [1, 1]} : vector<512x768xf32> to vector<512x32xf32>
    %slice3A_556 = vector.extract_strided_slice %dot_general3A_29 {offsets = [0, 608], sizes = [512, 32], strides = [1, 1]} : vector<512x768xf32> to vector<512x32xf32>
    %reduce_sum3A_557 = arith.constant dense<0.000000e+00> : vector<512xf32>
    %reduce_sum3A_558 = vector.multi_reduction <add>, %slice3A_554, %reduce_sum3A_557 [1] : vector<512x32xf32> to vector<512xf32>
    %broadcast_in_dim3A_559 = vector.shape_cast %reduce_sum3A_558 : vector<512xf32> to vector<512x1xf32>
    %div3A_560 = arith.constant 3.200000e+01 : f32
    %div3A_561 = vector.broadcast %div3A_560 : f32 to vector<512x1xf32>
    %div3A_562 = arith.divf %broadcast_in_dim3A_559, %div3A_561 : vector<512x1xf32>
    %sub3A_563 = vector.broadcast %div3A_562 : vector<512x1xf32> to vector<512x32xf32>
    %sub3A_564 = arith.subf %slice3A_554, %sub3A_563 : vector<512x32xf32>
    %mul3A_565 = arith.mulf %sub3A_564, %sub3A_564 : vector<512x32xf32>
    %reduce_sum3A_566 = arith.constant dense<0.000000e+00> : vector<512xf32>
    %reduce_sum3A_567 = vector.multi_reduction <add>, %mul3A_565, %reduce_sum3A_566 [1] : vector<512x32xf32> to vector<512xf32>
    %broadcast_in_dim3A_568 = vector.shape_cast %reduce_sum3A_567 : vector<512xf32> to vector<512x1xf32>
    %div3A_569 = arith.constant 3.200000e+01 : f32
    %div3A_570 = vector.broadcast %div3A_569 : f32 to vector<512x1xf32>
    %div3A_571 = arith.divf %broadcast_in_dim3A_568, %div3A_570 : vector<512x1xf32>
    %add3A_572 = arith.constant 9.99999974E-6 : f32
    %add3A_573 = vector.broadcast %add3A_572 : f32 to vector<512x1xf32>
    %add3A_574 = arith.addf %div3A_571, %add3A_573 : vector<512x1xf32>
    %rsqrt3A_575 = math.rsqrt %add3A_574 : vector<512x1xf32>
    %mul3A_576 = vector.broadcast %rsqrt3A_575 : vector<512x1xf32> to vector<512x32xf32>
    %mul3A_577 = arith.mulf %sub3A_564, %mul3A_576 : vector<512x32xf32>
    %mul3A_578 = vector.broadcast %get3A_149 : vector<1x32xf32> to vector<512x32xf32>
    %mul3A_579 = arith.mulf %mul3A_577, %mul3A_578 : vector<512x32xf32>
    %add3A_580 = vector.broadcast %get3A_152 : vector<1x32xf32> to vector<512x32xf32>
    %add3A_581 = arith.addf %mul3A_579, %add3A_580 : vector<512x32xf32>
    %reduce_sum3A_582 = arith.constant dense<0.000000e+00> : vector<512xf32>
    %reduce_sum3A_583 = vector.multi_reduction <add>, %slice3A_555, %reduce_sum3A_582 [1] : vector<512x32xf32> to vector<512xf32>
    %broadcast_in_dim3A_584 = vector.shape_cast %reduce_sum3A_583 : vector<512xf32> to vector<512x1xf32>
    %div3A_585 = arith.constant 3.200000e+01 : f32
    %div3A_586 = vector.broadcast %div3A_585 : f32 to vector<512x1xf32>
    %div3A_587 = arith.divf %broadcast_in_dim3A_584, %div3A_586 : vector<512x1xf32>
    %sub3A_588 = vector.broadcast %div3A_587 : vector<512x1xf32> to vector<512x32xf32>
    %sub3A_589 = arith.subf %slice3A_555, %sub3A_588 : vector<512x32xf32>
    %mul3A_590 = arith.mulf %sub3A_589, %sub3A_589 : vector<512x32xf32>
    %reduce_sum3A_591 = arith.constant dense<0.000000e+00> : vector<512xf32>
    %reduce_sum3A_592 = vector.multi_reduction <add>, %mul3A_590, %reduce_sum3A_591 [1] : vector<512x32xf32> to vector<512xf32>
    %broadcast_in_dim3A_593 = vector.shape_cast %reduce_sum3A_592 : vector<512xf32> to vector<512x1xf32>
    %div3A_594 = arith.constant 3.200000e+01 : f32
    %div3A_595 = vector.broadcast %div3A_594 : f32 to vector<512x1xf32>
    %div3A_596 = arith.divf %broadcast_in_dim3A_593, %div3A_595 : vector<512x1xf32>
    %add3A_597 = arith.constant 9.99999974E-6 : f32
    %add3A_598 = vector.broadcast %add3A_597 : f32 to vector<512x1xf32>
    %add3A_599 = arith.addf %div3A_596, %add3A_598 : vector<512x1xf32>
    %rsqrt3A_600 = math.rsqrt %add3A_599 : vector<512x1xf32>
    %mul3A_601 = vector.broadcast %rsqrt3A_600 : vector<512x1xf32> to vector<512x32xf32>
    %mul3A_602 = arith.mulf %sub3A_589, %mul3A_601 : vector<512x32xf32>
    %mul3A_603 = vector.broadcast %get3A_155 : vector<1x32xf32> to vector<512x32xf32>
    %mul3A_604 = arith.mulf %mul3A_602, %mul3A_603 : vector<512x32xf32>
    %add3A_605 = vector.broadcast %get3A_158 : vector<1x32xf32> to vector<512x32xf32>
    %add3A_606 = arith.addf %mul3A_604, %add3A_605 : vector<512x32xf32>
    %slice3A_607 = vector.extract_strided_slice %mul3A_137 {offsets = [0, 3], sizes = [1, 1], strides = [1, 1]} : vector<1x8xf32> to vector<1x1xf32>
    %slice3A_608 = vector.extract_strided_slice %add3A_108 {offsets = [0, 72], sizes = [512, 8], strides = [1, 1]} : vector<512x192xf32> to vector<512x8xf32>
    %slice3A_609 = vector.extract_strided_slice %add3A_108 {offsets = [0, 80], sizes = [512, 8], strides = [1, 1]} : vector<512x192xf32> to vector<512x8xf32>
    %slice3A_610 = vector.extract_strided_slice %add3A_108 {offsets = [0, 88], sizes = [512, 8], strides = [1, 1]} : vector<512x192xf32> to vector<512x8xf32>
    %slice3A_611 = vector.extract_strided_slice %add3A_118 {offsets = [0, 72], sizes = [512, 8], strides = [1, 1]} : vector<512x192xf32> to vector<512x8xf32>
    %slice3A_612 = vector.extract_strided_slice %add3A_118 {offsets = [0, 80], sizes = [512, 8], strides = [1, 1]} : vector<512x192xf32> to vector<512x8xf32>
    %slice3A_613 = vector.extract_strided_slice %add3A_118 {offsets = [0, 88], sizes = [512, 8], strides = [1, 1]} : vector<512x192xf32> to vector<512x8xf32>
    %slice3A_614 = vector.extract_strided_slice %add3A_128 {offsets = [0, 72], sizes = [512, 8], strides = [1, 1]} : vector<512x192xf32> to vector<512x8xf32>
    %slice3A_615 = vector.extract_strided_slice %add3A_128 {offsets = [0, 80], sizes = [512, 8], strides = [1, 1]} : vector<512x192xf32> to vector<512x8xf32>
    %slice3A_616 = vector.extract_strided_slice %add3A_128 {offsets = [0, 88], sizes = [512, 8], strides = [1, 1]} : vector<512x192xf32> to vector<512x8xf32>
    %mul3A_617 = arith.constant 0.102062076 : f32
    %mul3A_618 = vector.broadcast %mul3A_617 : f32 to vector<512x32xf32>
    %mul3A_619 = arith.mulf %add3A_581, %mul3A_618 : vector<512x32xf32>
    %swap3A_620 = arith.constant 0 : index
    %swap3A_621 = arith.constant 192 : index
    %swap3A_622 = vector.load %arg13[%swap3A_620, %swap3A_621] : memref<512x512xf32, #tpu.memory_space<vmem>>, vector<512x32xf32>
    tpu.vector_store %arg13[%swap3A_620, %swap3A_621], %mul3A_619 {strides = array<i32>} : memref<512x512xf32, #tpu.memory_space<vmem>>, vector<512x32xf32>,
    %mul3A_623 = arith.constant 1.15470052 : f32
    %mul3A_624 = vector.broadcast %mul3A_623 : f32 to vector<1x1xf32>
    %mul3A_625 = arith.mulf %mul3A_624, %slice3A_607 : vector<1x1xf32>
    %mul3A_626 = vector.broadcast %mul3A_625 : vector<1x1xf32> to vector<512x8xf32>
    %mul3A_627 = arith.mulf %slice3A_608, %mul3A_626 : vector<512x8xf32>
    %swap3A_628 = arith.constant 0 : index
    %swap3A_629 = arith.constant 224 : index
    %swap3A_630 = vector.load %arg13[%swap3A_628, %swap3A_629] : memref<512x512xf32, #tpu.memory_space<vmem>>, vector<512x8xf32>
    tpu.vector_store %arg13[%swap3A_628, %swap3A_629], %mul3A_627 {strides = array<i32>} : memref<512x512xf32, #tpu.memory_space<vmem>>, vector<512x8xf32>,
    %mul3A_631 = vector.broadcast %mul3A_625 : vector<1x1xf32> to vector<512x8xf32>
    %mul3A_632 = arith.mulf %slice3A_611, %mul3A_631 : vector<512x8xf32>
    %swap3A_633 = arith.constant 0 : index
    %swap3A_634 = arith.constant 232 : index
    %swap3A_635 = vector.load %arg13[%swap3A_633, %swap3A_634] : memref<512x512xf32, #tpu.memory_space<vmem>>, vector<512x8xf32>
    tpu.vector_store %arg13[%swap3A_633, %swap3A_634], %mul3A_632 {strides = array<i32>} : memref<512x512xf32, #tpu.memory_space<vmem>>, vector<512x8xf32>,
    %mul3A_636 = vector.broadcast %mul3A_625 : vector<1x1xf32> to vector<512x8xf32>
    %mul3A_637 = arith.mulf %slice3A_614, %mul3A_636 : vector<512x8xf32>
    %swap3A_638 = arith.constant 0 : index
    %swap3A_639 = arith.constant 240 : index
    %swap3A_640 = vector.load %arg13[%swap3A_638, %swap3A_639] : memref<512x512xf32, #tpu.memory_space<vmem>>, vector<512x8xf32>
    tpu.vector_store %arg13[%swap3A_638, %swap3A_639], %mul3A_637 {strides = array<i32>} : memref<512x512xf32, #tpu.memory_space<vmem>>, vector<512x8xf32>,
    %broadcast_in_dim3A_641 = arith.constant 0.577350259 : f32
    %broadcast_in_dim3A_642 = vector.broadcast %broadcast_in_dim3A_641 : f32 to vector<512x1xf32>
    %swap3A_643 = arith.constant 0 : index
    %swap3A_644 = arith.constant 248 : index
    %swap3A_645 = vector.load %arg13[%swap3A_643, %swap3A_644] : memref<512x512xf32, #tpu.memory_space<vmem>>, vector<512x1xf32>
    tpu.vector_store %arg13[%swap3A_643, %swap3A_644], %broadcast_in_dim3A_642 {strides = array<i32>} : memref<512x512xf32, #tpu.memory_space<vmem>>, vector<512x1xf32>,
    %swap3A_646 = arith.constant 0 : index
    %swap3A_647 = arith.constant 192 : index
    %swap3A_648 = vector.load %arg12[%swap3A_646, %swap3A_647] : memref<512x1024xf32, #tpu.memory_space<vmem>>, vector<512x32xf32>
    tpu.vector_store %arg12[%swap3A_646, %swap3A_647], %add3A_606 {strides = array<i32>} : memref<512x1024xf32, #tpu.memory_space<vmem>>, vector<512x32xf32>,
    %swap3A_649 = arith.constant 0 : index
    %swap3A_650 = arith.constant 224 : index
    %swap3A_651 = vector.load %arg12[%swap3A_649, %swap3A_650] : memref<512x1024xf32, #tpu.memory_space<vmem>>, vector<512x8xf32>
    tpu.vector_store %arg12[%swap3A_649, %swap3A_650], %slice3A_609 {strides = array<i32>} : memref<512x1024xf32, #tpu.memory_space<vmem>>, vector<512x8xf32>,
    %swap3A_652 = arith.constant 0 : index
    %swap3A_653 = arith.constant 232 : index
    %swap3A_654 = vector.load %arg12[%swap3A_652, %swap3A_653] : memref<512x1024xf32, #tpu.memory_space<vmem>>, vector<512x8xf32>
    tpu.vector_store %arg12[%swap3A_652, %swap3A_653], %slice3A_612 {strides = array<i32>} : memref<512x1024xf32, #tpu.memory_space<vmem>>, vector<512x8xf32>,
    %swap3A_655 = arith.constant 0 : index
    %swap3A_656 = arith.constant 240 : index
    %swap3A_657 = vector.load %arg12[%swap3A_655, %swap3A_656] : memref<512x1024xf32, #tpu.memory_space<vmem>>, vector<512x8xf32>
    tpu.vector_store %arg12[%swap3A_655, %swap3A_656], %slice3A_615 {strides = array<i32>} : memref<512x1024xf32, #tpu.memory_space<vmem>>, vector<512x8xf32>,
    %mul3A_658 = arith.mulf %slice3A_609, %slice3A_609 : vector<512x8xf32>
    %mul3A_659 = arith.mulf %slice3A_612, %slice3A_612 : vector<512x8xf32>
    %add3A_660 = arith.addf %mul3A_658, %mul3A_659 : vector<512x8xf32>
    %mul3A_661 = arith.mulf %slice3A_615, %slice3A_615 : vector<512x8xf32>
    %add3A_662 = arith.addf %add3A_660, %mul3A_661 : vector<512x8xf32>
    %reduce_sum3A_663 = arith.constant dense<0.000000e+00> : vector<512xf32>
    %reduce_sum3A_664 = vector.multi_reduction <add>, %add3A_662, %reduce_sum3A_663 [1] : vector<512x8xf32> to vector<512xf32>
    %broadcast_in_dim3A_665 = vector.shape_cast %reduce_sum3A_664 : vector<512xf32> to vector<512x1xf32>
    %neg3A_666 = arith.constant 0.000000e+00 : f32
    %neg3A_667 = vector.broadcast %neg3A_666 : f32 to vector<1x1xf32>
    %neg3A_668 = arith.subf %neg3A_667, %slice3A_607 : vector<1x1xf32>
    %mul3A_669 = vector.broadcast %neg3A_668 : vector<1x1xf32> to vector<512x1xf32>
    %mul3A_670 = arith.mulf %mul3A_669, %broadcast_in_dim3A_665 : vector<512x1xf32>
    %swap3A_671 = arith.constant 0 : index
    %swap3A_672 = arith.constant 248 : index
    %swap3A_673 = vector.load %arg12[%swap3A_671, %swap3A_672] : memref<512x1024xf32, #tpu.memory_space<vmem>>, vector<512x1xf32>
    tpu.vector_store %arg12[%swap3A_671, %swap3A_672], %mul3A_670 {strides = array<i32>} : memref<512x1024xf32, #tpu.memory_space<vmem>>, vector<512x1xf32>,
    %swap3A_674 = arith.constant 0 : index
    %swap3A_675 = arith.constant 704 : index
    %swap3A_676 = vector.load %arg12[%swap3A_674, %swap3A_675] : memref<512x1024xf32, #tpu.memory_space<vmem>>, vector<512x32xf32>
    tpu.vector_store %arg12[%swap3A_674, %swap3A_675], %slice3A_556 {strides = array<i32>} : memref<512x1024xf32, #tpu.memory_space<vmem>>, vector<512x32xf32>,
    %swap3A_677 = arith.constant 0 : index
    %swap3A_678 = arith.constant 736 : index
    %swap3A_679 = vector.load %arg12[%swap3A_677, %swap3A_678] : memref<512x1024xf32, #tpu.memory_space<vmem>>, vector<512x8xf32>
    tpu.vector_store %arg12[%swap3A_677, %swap3A_678], %slice3A_610 {strides = array<i32>} : memref<512x1024xf32, #tpu.memory_space<vmem>>, vector<512x8xf32>,
    %swap3A_680 = arith.constant 0 : index
    %swap3A_681 = arith.constant 744 : index
    %swap3A_682 = vector.load %arg12[%swap3A_680, %swap3A_681] : memref<512x1024xf32, #tpu.memory_space<vmem>>, vector<512x8xf32>
    tpu.vector_store %arg12[%swap3A_680, %swap3A_681], %slice3A_613 {strides = array<i32>} : memref<512x1024xf32, #tpu.memory_space<vmem>>, vector<512x8xf32>,
    %swap3A_683 = arith.constant 0 : index
    %swap3A_684 = arith.constant 752 : index
    %swap3A_685 = vector.load %arg12[%swap3A_683, %swap3A_684] : memref<512x1024xf32, #tpu.memory_space<vmem>>, vector<512x8xf32>
    tpu.vector_store %arg12[%swap3A_683, %swap3A_684], %slice3A_616 {strides = array<i32>} : memref<512x1024xf32, #tpu.memory_space<vmem>>, vector<512x8xf32>,
    %slice3A_686 = vector.extract_strided_slice %dot_general3A_29 {offsets = [0, 128], sizes = [512, 32], strides = [1, 1]} : vector<512x768xf32> to vector<512x32xf32>
    %slice3A_687 = vector.extract_strided_slice %dot_general3A_29 {offsets = [0, 384], sizes = [512, 32], strides = [1, 1]} : vector<512x768xf32> to vector<512x32xf32>
    %slice3A_688 = vector.extract_strided_slice %dot_general3A_29 {offsets = [0, 640], sizes = [512, 32], strides = [1, 1]} : vector<512x768xf32> to vector<512x32xf32>
    %reduce_sum3A_689 = arith.constant dense<0.000000e+00> : vector<512xf32>
    %reduce_sum3A_690 = vector.multi_reduction <add>, %slice3A_686, %reduce_sum3A_689 [1] : vector<512x32xf32> to vector<512xf32>
    %broadcast_in_dim3A_691 = vector.shape_cast %reduce_sum3A_690 : vector<512xf32> to vector<512x1xf32>
    %div3A_692 = arith.constant 3.200000e+01 : f32
    %div3A_693 = vector.broadcast %div3A_692 : f32 to vector<512x1xf32>
    %div3A_694 = arith.divf %broadcast_in_dim3A_691, %div3A_693 : vector<512x1xf32>
    %sub3A_695 = vector.broadcast %div3A_694 : vector<512x1xf32> to vector<512x32xf32>
    %sub3A_696 = arith.subf %slice3A_686, %sub3A_695 : vector<512x32xf32>
    %mul3A_697 = arith.mulf %sub3A_696, %sub3A_696 : vector<512x32xf32>
    %reduce_sum3A_698 = arith.constant dense<0.000000e+00> : vector<512xf32>
    %reduce_sum3A_699 = vector.multi_reduction <add>, %mul3A_697, %reduce_sum3A_698 [1] : vector<512x32xf32> to vector<512xf32>
    %broadcast_in_dim3A_700 = vector.shape_cast %reduce_sum3A_699 : vector<512xf32> to vector<512x1xf32>
    %div3A_701 = arith.constant 3.200000e+01 : f32
    %div3A_702 = vector.broadcast %div3A_701 : f32 to vector<512x1xf32>
    %div3A_703 = arith.divf %broadcast_in_dim3A_700, %div3A_702 : vector<512x1xf32>
    %add3A_704 = arith.constant 9.99999974E-6 : f32
    %add3A_705 = vector.broadcast %add3A_704 : f32 to vector<512x1xf32>
    %add3A_706 = arith.addf %div3A_703, %add3A_705 : vector<512x1xf32>
    %rsqrt3A_707 = math.rsqrt %add3A_706 : vector<512x1xf32>
    %mul3A_708 = vector.broadcast %rsqrt3A_707 : vector<512x1xf32> to vector<512x32xf32>
    %mul3A_709 = arith.mulf %sub3A_696, %mul3A_708 : vector<512x32xf32>
    %mul3A_710 = vector.broadcast %get3A_149 : vector<1x32xf32> to vector<512x32xf32>
    %mul3A_711 = arith.mulf %mul3A_709, %mul3A_710 : vector<512x32xf32>
    %add3A_712 = vector.broadcast %get3A_152 : vector<1x32xf32> to vector<512x32xf32>
    %add3A_713 = arith.addf %mul3A_711, %add3A_712 : vector<512x32xf32>
    %reduce_sum3A_714 = arith.constant dense<0.000000e+00> : vector<512xf32>
    %reduce_sum3A_715 = vector.multi_reduction <add>, %slice3A_687, %reduce_sum3A_714 [1] : vector<512x32xf32> to vector<512xf32>
    %broadcast_in_dim3A_716 = vector.shape_cast %reduce_sum3A_715 : vector<512xf32> to vector<512x1xf32>
    %div3A_717 = arith.constant 3.200000e+01 : f32
    %div3A_718 = vector.broadcast %div3A_717 : f32 to vector<512x1xf32>
    %div3A_719 = arith.divf %broadcast_in_dim3A_716, %div3A_718 : vector<512x1xf32>
    %sub3A_720 = vector.broadcast %div3A_719 : vector<512x1xf32> to vector<512x32xf32>
    %sub3A_721 = arith.subf %slice3A_687, %sub3A_720 : vector<512x32xf32>
    %mul3A_722 = arith.mulf %sub3A_721, %sub3A_721 : vector<512x32xf32>
    %reduce_sum3A_723 = arith.constant dense<0.000000e+00> : vector<512xf32>
    %reduce_sum3A_724 = vector.multi_reduction <add>, %mul3A_722, %reduce_sum3A_723 [1] : vector<512x32xf32> to vector<512xf32>
    %broadcast_in_dim3A_725 = vector.shape_cast %reduce_sum3A_724 : vector<512xf32> to vector<512x1xf32>
    %div3A_726 = arith.constant 3.200000e+01 : f32
    %div3A_727 = vector.broadcast %div3A_726 : f32 to vector<512x1xf32>
    %div3A_728 = arith.divf %broadcast_in_dim3A_725, %div3A_727 : vector<512x1xf32>
    %add3A_729 = arith.constant 9.99999974E-6 : f32
    %add3A_730 = vector.broadcast %add3A_729 : f32 to vector<512x1xf32>
    %add3A_731 = arith.addf %div3A_728, %add3A_730 : vector<512x1xf32>
    %rsqrt3A_732 = math.rsqrt %add3A_731 : vector<512x1xf32>
    %mul3A_733 = vector.broadcast %rsqrt3A_732 : vector<512x1xf32> to vector<512x32xf32>
    %mul3A_734 = arith.mulf %sub3A_721, %mul3A_733 : vector<512x32xf32>
    %mul3A_735 = vector.broadcast %get3A_155 : vector<1x32xf32> to vector<512x32xf32>
    %mul3A_736 = arith.mulf %mul3A_734, %mul3A_735 : vector<512x32xf32>
    %add3A_737 = vector.broadcast %get3A_158 : vector<1x32xf32> to vector<512x32xf32>
    %add3A_738 = arith.addf %mul3A_736, %add3A_737 : vector<512x32xf32>
    %slice3A_739 = vector.extract_strided_slice %mul3A_137 {offsets = [0, 4], sizes = [1, 1], strides = [1, 1]} : vector<1x8xf32> to vector<1x1xf32>
    %slice3A_740 = vector.extract_strided_slice %add3A_108 {offsets = [0, 96], sizes = [512, 8], strides = [1, 1]} : vector<512x192xf32> to vector<512x8xf32>
    %slice3A_741 = vector.extract_strided_slice %add3A_108 {offsets = [0, 104], sizes = [512, 8], strides = [1, 1]} : vector<512x192xf32> to vector<512x8xf32>
    %slice3A_742 = vector.extract_strided_slice %add3A_108 {offsets = [0, 112], sizes = [512, 8], strides = [1, 1]} : vector<512x192xf32> to vector<512x8xf32>
    %slice3A_743 = vector.extract_strided_slice %add3A_118 {offsets = [0, 96], sizes = [512, 8], strides = [1, 1]} : vector<512x192xf32> to vector<512x8xf32>
    %slice3A_744 = vector.extract_strided_slice %add3A_118 {offsets = [0, 104], sizes = [512, 8], strides = [1, 1]} : vector<512x192xf32> to vector<512x8xf32>
    %slice3A_745 = vector.extract_strided_slice %add3A_118 {offsets = [0, 112], sizes = [512, 8], strides = [1, 1]} : vector<512x192xf32> to vector<512x8xf32>
    %slice3A_746 = vector.extract_strided_slice %add3A_128 {offsets = [0, 96], sizes = [512, 8], strides = [1, 1]} : vector<512x192xf32> to vector<512x8xf32>
    %slice3A_747 = vector.extract_strided_slice %add3A_128 {offsets = [0, 104], sizes = [512, 8], strides = [1, 1]} : vector<512x192xf32> to vector<512x8xf32>
    %slice3A_748 = vector.extract_strided_slice %add3A_128 {offsets = [0, 112], sizes = [512, 8], strides = [1, 1]} : vector<512x192xf32> to vector<512x8xf32>
    %mul3A_749 = arith.constant 0.102062076 : f32
    %mul3A_750 = vector.broadcast %mul3A_749 : f32 to vector<512x32xf32>
    %mul3A_751 = arith.mulf %add3A_713, %mul3A_750 : vector<512x32xf32>
    %swap3A_752 = arith.constant 0 : index
    %swap3A_753 = arith.constant 256 : index
    %swap3A_754 = vector.load %arg13[%swap3A_752, %swap3A_753] : memref<512x512xf32, #tpu.memory_space<vmem>>, vector<512x32xf32>
    tpu.vector_store %arg13[%swap3A_752, %swap3A_753], %mul3A_751 {strides = array<i32>} : memref<512x512xf32, #tpu.memory_space<vmem>>, vector<512x32xf32>,
    %mul3A_755 = arith.constant 1.15470052 : f32
    %mul3A_756 = vector.broadcast %mul3A_755 : f32 to vector<1x1xf32>
    %mul3A_757 = arith.mulf %mul3A_756, %slice3A_739 : vector<1x1xf32>
    %mul3A_758 = vector.broadcast %mul3A_757 : vector<1x1xf32> to vector<512x8xf32>
    %mul3A_759 = arith.mulf %slice3A_740, %mul3A_758 : vector<512x8xf32>
    %swap3A_760 = arith.constant 0 : index
    %swap3A_761 = arith.constant 288 : index
    %swap3A_762 = vector.load %arg13[%swap3A_760, %swap3A_761] : memref<512x512xf32, #tpu.memory_space<vmem>>, vector<512x8xf32>
    tpu.vector_store %arg13[%swap3A_760, %swap3A_761], %mul3A_759 {strides = array<i32>} : memref<512x512xf32, #tpu.memory_space<vmem>>, vector<512x8xf32>,
    %mul3A_763 = vector.broadcast %mul3A_757 : vector<1x1xf32> to vector<512x8xf32>
    %mul3A_764 = arith.mulf %slice3A_743, %mul3A_763 : vector<512x8xf32>
    %swap3A_765 = arith.constant 0 : index
    %swap3A_766 = arith.constant 296 : index
    %swap3A_767 = vector.load %arg13[%swap3A_765, %swap3A_766] : memref<512x512xf32, #tpu.memory_space<vmem>>, vector<512x8xf32>
    tpu.vector_store %arg13[%swap3A_765, %swap3A_766], %mul3A_764 {strides = array<i32>} : memref<512x512xf32, #tpu.memory_space<vmem>>, vector<512x8xf32>,
    %mul3A_768 = vector.broadcast %mul3A_757 : vector<1x1xf32> to vector<512x8xf32>
    %mul3A_769 = arith.mulf %slice3A_746, %mul3A_768 : vector<512x8xf32>
    %swap3A_770 = arith.constant 0 : index
    %swap3A_771 = arith.constant 304 : index
    %swap3A_772 = vector.load %arg13[%swap3A_770, %swap3A_771] : memref<512x512xf32, #tpu.memory_space<vmem>>, vector<512x8xf32>
    tpu.vector_store %arg13[%swap3A_770, %swap3A_771], %mul3A_769 {strides = array<i32>} : memref<512x512xf32, #tpu.memory_space<vmem>>, vector<512x8xf32>,
    %broadcast_in_dim3A_773 = arith.constant 0.577350259 : f32
    %broadcast_in_dim3A_774 = vector.broadcast %broadcast_in_dim3A_773 : f32 to vector<512x1xf32>
    %swap3A_775 = arith.constant 0 : index
    %swap3A_776 = arith.constant 312 : index
    %swap3A_777 = vector.load %arg13[%swap3A_775, %swap3A_776] : memref<512x512xf32, #tpu.memory_space<vmem>>, vector<512x1xf32>
    tpu.vector_store %arg13[%swap3A_775, %swap3A_776], %broadcast_in_dim3A_774 {strides = array<i32>} : memref<512x512xf32, #tpu.memory_space<vmem>>, vector<512x1xf32>,
    %swap3A_778 = arith.constant 0 : index
    %swap3A_779 = arith.constant 256 : index
    %swap3A_780 = vector.load %arg12[%swap3A_778, %swap3A_779] : memref<512x1024xf32, #tpu.memory_space<vmem>>, vector<512x32xf32>
    tpu.vector_store %arg12[%swap3A_778, %swap3A_779], %add3A_738 {strides = array<i32>} : memref<512x1024xf32, #tpu.memory_space<vmem>>, vector<512x32xf32>,
    %swap3A_781 = arith.constant 0 : index
    %swap3A_782 = arith.constant 288 : index
    %swap3A_783 = vector.load %arg12[%swap3A_781, %swap3A_782] : memref<512x1024xf32, #tpu.memory_space<vmem>>, vector<512x8xf32>
    tpu.vector_store %arg12[%swap3A_781, %swap3A_782], %slice3A_741 {strides = array<i32>} : memref<512x1024xf32, #tpu.memory_space<vmem>>, vector<512x8xf32>,
    %swap3A_784 = arith.constant 0 : index
    %swap3A_785 = arith.constant 296 : index
    %swap3A_786 = vector.load %arg12[%swap3A_784, %swap3A_785] : memref<512x1024xf32, #tpu.memory_space<vmem>>, vector<512x8xf32>
    tpu.vector_store %arg12[%swap3A_784, %swap3A_785], %slice3A_744 {strides = array<i32>} : memref<512x1024xf32, #tpu.memory_space<vmem>>, vector<512x8xf32>,
    %swap3A_787 = arith.constant 0 : index
    %swap3A_788 = arith.constant 304 : index
    %swap3A_789 = vector.load %arg12[%swap3A_787, %swap3A_788] : memref<512x1024xf32, #tpu.memory_space<vmem>>, vector<512x8xf32>
    tpu.vector_store %arg12[%swap3A_787, %swap3A_788], %slice3A_747 {strides = array<i32>} : memref<512x1024xf32, #tpu.memory_space<vmem>>, vector<512x8xf32>,
    %mul3A_790 = arith.mulf %slice3A_741, %slice3A_741 : vector<512x8xf32>
    %mul3A_791 = arith.mulf %slice3A_744, %slice3A_744 : vector<512x8xf32>
    %add3A_792 = arith.addf %mul3A_790, %mul3A_791 : vector<512x8xf32>
    %mul3A_793 = arith.mulf %slice3A_747, %slice3A_747 : vector<512x8xf32>
    %add3A_794 = arith.addf %add3A_792, %mul3A_793 : vector<512x8xf32>
    %reduce_sum3A_795 = arith.constant dense<0.000000e+00> : vector<512xf32>
    %reduce_sum3A_796 = vector.multi_reduction <add>, %add3A_794, %reduce_sum3A_795 [1] : vector<512x8xf32> to vector<512xf32>
    %broadcast_in_dim3A_797 = vector.shape_cast %reduce_sum3A_796 : vector<512xf32> to vector<512x1xf32>
    %neg3A_798 = arith.constant 0.000000e+00 : f32
    %neg3A_799 = vector.broadcast %neg3A_798 : f32 to vector<1x1xf32>
    %neg3A_800 = arith.subf %neg3A_799, %slice3A_739 : vector<1x1xf32>
    %mul3A_801 = vector.broadcast %neg3A_800 : vector<1x1xf32> to vector<512x1xf32>
    %mul3A_802 = arith.mulf %mul3A_801, %broadcast_in_dim3A_797 : vector<512x1xf32>
    %swap3A_803 = arith.constant 0 : index
    %swap3A_804 = arith.constant 312 : index
    %swap3A_805 = vector.load %arg12[%swap3A_803, %swap3A_804] : memref<512x1024xf32, #tpu.memory_space<vmem>>, vector<512x1xf32>
    tpu.vector_store %arg12[%swap3A_803, %swap3A_804], %mul3A_802 {strides = array<i32>} : memref<512x1024xf32, #tpu.memory_space<vmem>>, vector<512x1xf32>,
    %swap3A_806 = arith.constant 0 : index
    %swap3A_807 = arith.constant 768 : index
    %swap3A_808 = vector.load %arg12[%swap3A_806, %swap3A_807] : memref<512x1024xf32, #tpu.memory_space<vmem>>, vector<512x32xf32>
    tpu.vector_store %arg12[%swap3A_806, %swap3A_807], %slice3A_688 {strides = array<i32>} : memref<512x1024xf32, #tpu.memory_space<vmem>>, vector<512x32xf32>,
    %swap3A_809 = arith.constant 0 : index
    %swap3A_810 = arith.constant 800 : index
    %swap3A_811 = vector.load %arg12[%swap3A_809, %swap3A_810] : memref<512x1024xf32, #tpu.memory_space<vmem>>, vector<512x8xf32>
    tpu.vector_store %arg12[%swap3A_809, %swap3A_810], %slice3A_742 {strides = array<i32>} : memref<512x1024xf32, #tpu.memory_space<vmem>>, vector<512x8xf32>,
    %swap3A_812 = arith.constant 0 : index
    %swap3A_813 = arith.constant 808 : index
    %swap3A_814 = vector.load %arg12[%swap3A_812, %swap3A_813] : memref<512x1024xf32, #tpu.memory_space<vmem>>, vector<512x8xf32>
    tpu.vector_store %arg12[%swap3A_812, %swap3A_813], %slice3A_745 {strides = array<i32>} : memref<512x1024xf32, #tpu.memory_space<vmem>>, vector<512x8xf32>,
    %swap3A_815 = arith.constant 0 : index
    %swap3A_816 = arith.constant 816 : index
    %swap3A_817 = vector.load %arg12[%swap3A_815, %swap3A_816] : memref<512x1024xf32, #tpu.memory_space<vmem>>, vector<512x8xf32>
    tpu.vector_store %arg12[%swap3A_815, %swap3A_816], %slice3A_748 {strides = array<i32>} : memref<512x1024xf32, #tpu.memory_space<vmem>>, vector<512x8xf32>,
    %slice3A_818 = vector.extract_strided_slice %dot_general3A_29 {offsets = [0, 160], sizes = [512, 32], strides = [1, 1]} : vector<512x768xf32> to vector<512x32xf32>
    %slice3A_819 = vector.extract_strided_slice %dot_general3A_29 {offsets = [0, 416], sizes = [512, 32], strides = [1, 1]} : vector<512x768xf32> to vector<512x32xf32>
    %slice3A_820 = vector.extract_strided_slice %dot_general3A_29 {offsets = [0, 672], sizes = [512, 32], strides = [1, 1]} : vector<512x768xf32> to vector<512x32xf32>
    %reduce_sum3A_821 = arith.constant dense<0.000000e+00> : vector<512xf32>
    %reduce_sum3A_822 = vector.multi_reduction <add>, %slice3A_818, %reduce_sum3A_821 [1] : vector<512x32xf32> to vector<512xf32>
    %broadcast_in_dim3A_823 = vector.shape_cast %reduce_sum3A_822 : vector<512xf32> to vector<512x1xf32>
    %div3A_824 = arith.constant 3.200000e+01 : f32
    %div3A_825 = vector.broadcast %div3A_824 : f32 to vector<512x1xf32>
    %div3A_826 = arith.divf %broadcast_in_dim3A_823, %div3A_825 : vector<512x1xf32>
    %sub3A_827 = vector.broadcast %div3A_826 : vector<512x1xf32> to vector<512x32xf32>
    %sub3A_828 = arith.subf %slice3A_818, %sub3A_827 : vector<512x32xf32>
    %mul3A_829 = arith.mulf %sub3A_828, %sub3A_828 : vector<512x32xf32>
    %reduce_sum3A_830 = arith.constant dense<0.000000e+00> : vector<512xf32>
    %reduce_sum3A_831 = vector.multi_reduction <add>, %mul3A_829, %reduce_sum3A_830 [1] : vector<512x32xf32> to vector<512xf32>
    %broadcast_in_dim3A_832 = vector.shape_cast %reduce_sum3A_831 : vector<512xf32> to vector<512x1xf32>
    %div3A_833 = arith.constant 3.200000e+01 : f32
    %div3A_834 = vector.broadcast %div3A_833 : f32 to vector<512x1xf32>
    %div3A_835 = arith.divf %broadcast_in_dim3A_832, %div3A_834 : vector<512x1xf32>
    %add3A_836 = arith.constant 9.99999974E-6 : f32
    %add3A_837 = vector.broadcast %add3A_836 : f32 to vector<512x1xf32>
    %add3A_838 = arith.addf %div3A_835, %add3A_837 : vector<512x1xf32>
    %rsqrt3A_839 = math.rsqrt %add3A_838 : vector<512x1xf32>
    %mul3A_840 = vector.broadcast %rsqrt3A_839 : vector<512x1xf32> to vector<512x32xf32>
    %mul3A_841 = arith.mulf %sub3A_828, %mul3A_840 : vector<512x32xf32>
    %mul3A_842 = vector.broadcast %get3A_149 : vector<1x32xf32> to vector<512x32xf32>
    %mul3A_843 = arith.mulf %mul3A_841, %mul3A_842 : vector<512x32xf32>
    %add3A_844 = vector.broadcast %get3A_152 : vector<1x32xf32> to vector<512x32xf32>
    %add3A_845 = arith.addf %mul3A_843, %add3A_844 : vector<512x32xf32>
    %reduce_sum3A_846 = arith.constant dense<0.000000e+00> : vector<512xf32>
    %reduce_sum3A_847 = vector.multi_reduction <add>, %slice3A_819, %reduce_sum3A_846 [1] : vector<512x32xf32> to vector<512xf32>
    %broadcast_in_dim3A_848 = vector.shape_cast %reduce_sum3A_847 : vector<512xf32> to vector<512x1xf32>
    %div3A_849 = arith.constant 3.200000e+01 : f32
    %div3A_850 = vector.broadcast %div3A_849 : f32 to vector<512x1xf32>
    %div3A_851 = arith.divf %broadcast_in_dim3A_848, %div3A_850 : vector<512x1xf32>
    %sub3A_852 = vector.broadcast %div3A_851 : vector<512x1xf32> to vector<512x32xf32>
    %sub3A_853 = arith.subf %slice3A_819, %sub3A_852 : vector<512x32xf32>
    %mul3A_854 = arith.mulf %sub3A_853, %sub3A_853 : vector<512x32xf32>
    %reduce_sum3A_855 = arith.constant dense<0.000000e+00> : vector<512xf32>
    %reduce_sum3A_856 = vector.multi_reduction <add>, %mul3A_854, %reduce_sum3A_855 [1] : vector<512x32xf32> to vector<512xf32>
    %broadcast_in_dim3A_857 = vector.shape_cast %reduce_sum3A_856 : vector<512xf32> to vector<512x1xf32>
    %div3A_858 = arith.constant 3.200000e+01 : f32
    %div3A_859 = vector.broadcast %div3A_858 : f32 to vector<512x1xf32>
    %div3A_860 = arith.divf %broadcast_in_dim3A_857, %div3A_859 : vector<512x1xf32>
    %add3A_861 = arith.constant 9.99999974E-6 : f32
    %add3A_862 = vector.broadcast %add3A_861 : f32 to vector<512x1xf32>
    %add3A_863 = arith.addf %div3A_860, %add3A_862 : vector<512x1xf32>
    %rsqrt3A_864 = math.rsqrt %add3A_863 : vector<512x1xf32>
    %mul3A_865 = vector.broadcast %rsqrt3A_864 : vector<512x1xf32> to vector<512x32xf32>
    %mul3A_866 = arith.mulf %sub3A_853, %mul3A_865 : vector<512x32xf32>
    %mul3A_867 = vector.broadcast %get3A_155 : vector<1x32xf32> to vector<512x32xf32>
    %mul3A_868 = arith.mulf %mul3A_866, %mul3A_867 : vector<512x32xf32>
    %add3A_869 = vector.broadcast %get3A_158 : vector<1x32xf32> to vector<512x32xf32>
    %add3A_870 = arith.addf %mul3A_868, %add3A_869 : vector<512x32xf32>
    %slice3A_871 = vector.extract_strided_slice %mul3A_137 {offsets = [0, 5], sizes = [1, 1], strides = [1, 1]} : vector<1x8xf32> to vector<1x1xf32>
    %slice3A_872 = vector.extract_strided_slice %add3A_108 {offsets = [0, 120], sizes = [512, 8], strides = [1, 1]} : vector<512x192xf32> to vector<512x8xf32>
    %slice3A_873 = vector.extract_strided_slice %add3A_108 {offsets = [0, 128], sizes = [512, 8], strides = [1, 1]} : vector<512x192xf32> to vector<512x8xf32>
    %slice3A_874 = vector.extract_strided_slice %add3A_108 {offsets = [0, 136], sizes = [512, 8], strides = [1, 1]} : vector<512x192xf32> to vector<512x8xf32>
    %slice3A_875 = vector.extract_strided_slice %add3A_118 {offsets = [0, 120], sizes = [512, 8], strides = [1, 1]} : vector<512x192xf32> to vector<512x8xf32>
    %slice3A_876 = vector.extract_strided_slice %add3A_118 {offsets = [0, 128], sizes = [512, 8], strides = [1, 1]} : vector<512x192xf32> to vector<512x8xf32>
    %slice3A_877 = vector.extract_strided_slice %add3A_118 {offsets = [0, 136], sizes = [512, 8], strides = [1, 1]} : vector<512x192xf32> to vector<512x8xf32>
    %slice3A_878 = vector.extract_strided_slice %add3A_128 {offsets = [0, 120], sizes = [512, 8], strides = [1, 1]} : vector<512x192xf32> to vector<512x8xf32>
    %slice3A_879 = vector.extract_strided_slice %add3A_128 {offsets = [0, 128], sizes = [512, 8], strides = [1, 1]} : vector<512x192xf32> to vector<512x8xf32>
    %slice3A_880 = vector.extract_strided_slice %add3A_128 {offsets = [0, 136], sizes = [512, 8], strides = [1, 1]} : vector<512x192xf32> to vector<512x8xf32>
    %mul3A_881 = arith.constant 0.102062076 : f32
    %mul3A_882 = vector.broadcast %mul3A_881 : f32 to vector<512x32xf32>
    %mul3A_883 = arith.mulf %add3A_845, %mul3A_882 : vector<512x32xf32>
    %swap3A_884 = arith.constant 0 : index
    %swap3A_885 = arith.constant 320 : index
    %swap3A_886 = vector.load %arg13[%swap3A_884, %swap3A_885] : memref<512x512xf32, #tpu.memory_space<vmem>>, vector<512x32xf32>
    tpu.vector_store %arg13[%swap3A_884, %swap3A_885], %mul3A_883 {strides = array<i32>} : memref<512x512xf32, #tpu.memory_space<vmem>>, vector<512x32xf32>,
    %mul3A_887 = arith.constant 1.15470052 : f32
    %mul3A_888 = vector.broadcast %mul3A_887 : f32 to vector<1x1xf32>
    %mul3A_889 = arith.mulf %mul3A_888, %slice3A_871 : vector<1x1xf32>
    %mul3A_890 = vector.broadcast %mul3A_889 : vector<1x1xf32> to vector<512x8xf32>
    %mul3A_891 = arith.mulf %slice3A_872, %mul3A_890 : vector<512x8xf32>
    %swap3A_892 = arith.constant 0 : index
    %swap3A_893 = arith.constant 352 : index
    %swap3A_894 = vector.load %arg13[%swap3A_892, %swap3A_893] : memref<512x512xf32, #tpu.memory_space<vmem>>, vector<512x8xf32>
    tpu.vector_store %arg13[%swap3A_892, %swap3A_893], %mul3A_891 {strides = array<i32>} : memref<512x512xf32, #tpu.memory_space<vmem>>, vector<512x8xf32>,
    %mul3A_895 = vector.broadcast %mul3A_889 : vector<1x1xf32> to vector<512x8xf32>
    %mul3A_896 = arith.mulf %slice3A_875, %mul3A_895 : vector<512x8xf32>
    %swap3A_897 = arith.constant 0 : index
    %swap3A_898 = arith.constant 360 : index
    %swap3A_899 = vector.load %arg13[%swap3A_897, %swap3A_898] : memref<512x512xf32, #tpu.memory_space<vmem>>, vector<512x8xf32>
    tpu.vector_store %arg13[%swap3A_897, %swap3A_898], %mul3A_896 {strides = array<i32>} : memref<512x512xf32, #tpu.memory_space<vmem>>, vector<512x8xf32>,
    %mul3A_900 = vector.broadcast %mul3A_889 : vector<1x1xf32> to vector<512x8xf32>
    %mul3A_901 = arith.mulf %slice3A_878, %mul3A_900 : vector<512x8xf32>
    %swap3A_902 = arith.constant 0 : index
    %swap3A_903 = arith.constant 368 : index
    %swap3A_904 = vector.load %arg13[%swap3A_902, %swap3A_903] : memref<512x512xf32, #tpu.memory_space<vmem>>, vector<512x8xf32>
    tpu.vector_store %arg13[%swap3A_902, %swap3A_903], %mul3A_901 {strides = array<i32>} : memref<512x512xf32, #tpu.memory_space<vmem>>, vector<512x8xf32>,
    %broadcast_in_dim3A_905 = arith.constant 0.577350259 : f32
    %broadcast_in_dim3A_906 = vector.broadcast %broadcast_in_dim3A_905 : f32 to vector<512x1xf32>
    %swap3A_907 = arith.constant 0 : index
    %swap3A_908 = arith.constant 376 : index
    %swap3A_909 = vector.load %arg13[%swap3A_907, %swap3A_908] : memref<512x512xf32, #tpu.memory_space<vmem>>, vector<512x1xf32>
    tpu.vector_store %arg13[%swap3A_907, %swap3A_908], %broadcast_in_dim3A_906 {strides = array<i32>} : memref<512x512xf32, #tpu.memory_space<vmem>>, vector<512x1xf32>,
    %swap3A_910 = arith.constant 0 : index
    %swap3A_911 = arith.constant 320 : index
    %swap3A_912 = vector.load %arg12[%swap3A_910, %swap3A_911] : memref<512x1024xf32, #tpu.memory_space<vmem>>, vector<512x32xf32>
    tpu.vector_store %arg12[%swap3A_910, %swap3A_911], %add3A_870 {strides = array<i32>} : memref<512x1024xf32, #tpu.memory_space<vmem>>, vector<512x32xf32>,
    %swap3A_913 = arith.constant 0 : index
    %swap3A_914 = arith.constant 352 : index
    %swap3A_915 = vector.load %arg12[%swap3A_913, %swap3A_914] : memref<512x1024xf32, #tpu.memory_space<vmem>>, vector<512x8xf32>
    tpu.vector_store %arg12[%swap3A_913, %swap3A_914], %slice3A_873 {strides = array<i32>} : memref<512x1024xf32, #tpu.memory_space<vmem>>, vector<512x8xf32>,
    %swap3A_916 = arith.constant 0 : index
    %swap3A_917 = arith.constant 360 : index
    %swap3A_918 = vector.load %arg12[%swap3A_916, %swap3A_917] : memref<512x1024xf32, #tpu.memory_space<vmem>>, vector<512x8xf32>
    tpu.vector_store %arg12[%swap3A_916, %swap3A_917], %slice3A_876 {strides = array<i32>} : memref<512x1024xf32, #tpu.memory_space<vmem>>, vector<512x8xf32>,
    %swap3A_919 = arith.constant 0 : index
    %swap3A_920 = arith.constant 368 : index
    %swap3A_921 = vector.load %arg12[%swap3A_919, %swap3A_920] : memref<512x1024xf32, #tpu.memory_space<vmem>>, vector<512x8xf32>
    tpu.vector_store %arg12[%swap3A_919, %swap3A_920], %slice3A_879 {strides = array<i32>} : memref<512x1024xf32, #tpu.memory_space<vmem>>, vector<512x8xf32>,
    %mul3A_922 = arith.mulf %slice3A_873, %slice3A_873 : vector<512x8xf32>
    %mul3A_923 = arith.mulf %slice3A_876, %slice3A_876 : vector<512x8xf32>
    %add3A_924 = arith.addf %mul3A_922, %mul3A_923 : vector<512x8xf32>
    %mul3A_925 = arith.mulf %slice3A_879, %slice3A_879 : vector<512x8xf32>
    %add3A_926 = arith.addf %add3A_924, %mul3A_925 : vector<512x8xf32>
    %reduce_sum3A_927 = arith.constant dense<0.000000e+00> : vector<512xf32>
    %reduce_sum3A_928 = vector.multi_reduction <add>, %add3A_926, %reduce_sum3A_927 [1] : vector<512x8xf32> to vector<512xf32>
    %broadcast_in_dim3A_929 = vector.shape_cast %reduce_sum3A_928 : vector<512xf32> to vector<512x1xf32>
    %neg3A_930 = arith.constant 0.000000e+00 : f32
    %neg3A_931 = vector.broadcast %neg3A_930 : f32 to vector<1x1xf32>
    %neg3A_932 = arith.subf %neg3A_931, %slice3A_871 : vector<1x1xf32>
    %mul3A_933 = vector.broadcast %neg3A_932 : vector<1x1xf32> to vector<512x1xf32>
    %mul3A_934 = arith.mulf %mul3A_933, %broadcast_in_dim3A_929 : vector<512x1xf32>
    %swap3A_935 = arith.constant 0 : index
    %swap3A_936 = arith.constant 376 : index
    %swap3A_937 = vector.load %arg12[%swap3A_935, %swap3A_936] : memref<512x1024xf32, #tpu.memory_space<vmem>>, vector<512x1xf32>
    tpu.vector_store %arg12[%swap3A_935, %swap3A_936], %mul3A_934 {strides = array<i32>} : memref<512x1024xf32, #tpu.memory_space<vmem>>, vector<512x1xf32>,
    %swap3A_938 = arith.constant 0 : index
    %swap3A_939 = arith.constant 832 : index
    %swap3A_940 = vector.load %arg12[%swap3A_938, %swap3A_939] : memref<512x1024xf32, #tpu.memory_space<vmem>>, vector<512x32xf32>
    tpu.vector_store %arg12[%swap3A_938, %swap3A_939], %slice3A_820 {strides = array<i32>} : memref<512x1024xf32, #tpu.memory_space<vmem>>, vector<512x32xf32>,
    %swap3A_941 = arith.constant 0 : index
    %swap3A_942 = arith.constant 864 : index
    %swap3A_943 = vector.load %arg12[%swap3A_941, %swap3A_942] : memref<512x1024xf32, #tpu.memory_space<vmem>>, vector<512x8xf32>
    tpu.vector_store %arg12[%swap3A_941, %swap3A_942], %slice3A_874 {strides = array<i32>} : memref<512x1024xf32, #tpu.memory_space<vmem>>, vector<512x8xf32>,
    %swap3A_944 = arith.constant 0 : index
    %swap3A_945 = arith.constant 872 : index
    %swap3A_946 = vector.load %arg12[%swap3A_944, %swap3A_945] : memref<512x1024xf32, #tpu.memory_space<vmem>>, vector<512x8xf32>
    tpu.vector_store %arg12[%swap3A_944, %swap3A_945], %slice3A_877 {strides = array<i32>} : memref<512x1024xf32, #tpu.memory_space<vmem>>, vector<512x8xf32>,
    %swap3A_947 = arith.constant 0 : index
    %swap3A_948 = arith.constant 880 : index
    %swap3A_949 = vector.load %arg12[%swap3A_947, %swap3A_948] : memref<512x1024xf32, #tpu.memory_space<vmem>>, vector<512x8xf32>
    tpu.vector_store %arg12[%swap3A_947, %swap3A_948], %slice3A_880 {strides = array<i32>} : memref<512x1024xf32, #tpu.memory_space<vmem>>, vector<512x8xf32>,
    %slice3A_950 = vector.extract_strided_slice %dot_general3A_29 {offsets = [0, 192], sizes = [512, 32], strides = [1, 1]} : vector<512x768xf32> to vector<512x32xf32>
    %slice3A_951 = vector.extract_strided_slice %dot_general3A_29 {offsets = [0, 448], sizes = [512, 32], strides = [1, 1]} : vector<512x768xf32> to vector<512x32xf32>
    %slice3A_952 = vector.extract_strided_slice %dot_general3A_29 {offsets = [0, 704], sizes = [512, 32], strides = [1, 1]} : vector<512x768xf32> to vector<512x32xf32>
    %reduce_sum3A_953 = arith.constant dense<0.000000e+00> : vector<512xf32>
    %reduce_sum3A_954 = vector.multi_reduction <add>, %slice3A_950, %reduce_sum3A_953 [1] : vector<512x32xf32> to vector<512xf32>
    %broadcast_in_dim3A_955 = vector.shape_cast %reduce_sum3A_954 : vector<512xf32> to vector<512x1xf32>
    %div3A_956 = arith.constant 3.200000e+01 : f32
    %div3A_957 = vector.broadcast %div3A_956 : f32 to vector<512x1xf32>
    %div3A_958 = arith.divf %broadcast_in_dim3A_955, %div3A_957 : vector<512x1xf32>
    %sub3A_959 = vector.broadcast %div3A_958 : vector<512x1xf32> to vector<512x32xf32>
    %sub3A_960 = arith.subf %slice3A_950, %sub3A_959 : vector<512x32xf32>
    %mul3A_961 = arith.mulf %sub3A_960, %sub3A_960 : vector<512x32xf32>
    %reduce_sum3A_962 = arith.constant dense<0.000000e+00> : vector<512xf32>
    %reduce_sum3A_963 = vector.multi_reduction <add>, %mul3A_961, %reduce_sum3A_962 [1] : vector<512x32xf32> to vector<512xf32>
    %broadcast_in_dim3A_964 = vector.shape_cast %reduce_sum3A_963 : vector<512xf32> to vector<512x1xf32>
    %div3A_965 = arith.constant 3.200000e+01 : f32
    %div3A_966 = vector.broadcast %div3A_965 : f32 to vector<512x1xf32>
    %div3A_967 = arith.divf %broadcast_in_dim3A_964, %div3A_966 : vector<512x1xf32>
    %add3A_968 = arith.constant 9.99999974E-6 : f32
    %add3A_969 = vector.broadcast %add3A_968 : f32 to vector<512x1xf32>
    %add3A_970 = arith.addf %div3A_967, %add3A_969 : vector<512x1xf32>
    %rsqrt3A_971 = math.rsqrt %add3A_970 : vector<512x1xf32>
    %mul3A_972 = vector.broadcast %rsqrt3A_971 : vector<512x1xf32> to vector<512x32xf32>
    %mul3A_973 = arith.mulf %sub3A_960, %mul3A_972 : vector<512x32xf32>
    %mul3A_974 = vector.broadcast %get3A_149 : vector<1x32xf32> to vector<512x32xf32>
    %mul3A_975 = arith.mulf %mul3A_973, %mul3A_974 : vector<512x32xf32>
    %add3A_976 = vector.broadcast %get3A_152 : vector<1x32xf32> to vector<512x32xf32>
    %add3A_977 = arith.addf %mul3A_975, %add3A_976 : vector<512x32xf32>
    %reduce_sum3A_978 = arith.constant dense<0.000000e+00> : vector<512xf32>
    %reduce_sum3A_979 = vector.multi_reduction <add>, %slice3A_951, %reduce_sum3A_978 [1] : vector<512x32xf32> to vector<512xf32>
    %broadcast_in_dim3A_980 = vector.shape_cast %reduce_sum3A_979 : vector<512xf32> to vector<512x1xf32>
    %div3A_981 = arith.constant 3.200000e+01 : f32
    %div3A_982 = vector.broadcast %div3A_981 : f32 to vector<512x1xf32>
    %div3A_983 = arith.divf %broadcast_in_dim3A_980, %div3A_982 : vector<512x1xf32>
    %sub3A_984 = vector.broadcast %div3A_983 : vector<512x1xf32> to vector<512x32xf32>
    %sub3A_985 = arith.subf %slice3A_951, %sub3A_984 : vector<512x32xf32>
    %mul3A_986 = arith.mulf %sub3A_985, %sub3A_985 : vector<512x32xf32>
    %reduce_sum3A_987 = arith.constant dense<0.000000e+00> : vector<512xf32>
    %reduce_sum3A_988 = vector.multi_reduction <add>, %mul3A_986, %reduce_sum3A_987 [1] : vector<512x32xf32> to vector<512xf32>
    %broadcast_in_dim3A_989 = vector.shape_cast %reduce_sum3A_988 : vector<512xf32> to vector<512x1xf32>
    %div3A_990 = arith.constant 3.200000e+01 : f32
    %div3A_991 = vector.broadcast %div3A_990 : f32 to vector<512x1xf32>
    %div3A_992 = arith.divf %broadcast_in_dim3A_989, %div3A_991 : vector<512x1xf32>
    %add3A_993 = arith.constant 9.99999974E-6 : f32
    %add3A_994 = vector.broadcast %add3A_993 : f32 to vector<512x1xf32>
    %add3A_995 = arith.addf %div3A_992, %add3A_994 : vector<512x1xf32>
    %rsqrt3A_996 = math.rsqrt %add3A_995 : vector<512x1xf32>
    %mul3A_997 = vector.broadcast %rsqrt3A_996 : vector<512x1xf32> to vector<512x32xf32>
    %mul3A_998 = arith.mulf %sub3A_985, %mul3A_997 : vector<512x32xf32>
    %mul3A_999 = vector.broadcast %get3A_155 : vector<1x32xf32> to vector<512x32xf32>
    %mul3A_1000 = arith.mulf %mul3A_998, %mul3A_999 : vector<512x32xf32>
    %add3A_1001 = vector.broadcast %get3A_158 : vector<1x32xf32> to vector<512x32xf32>
    %add3A_1002 = arith.addf %mul3A_1000, %add3A_1001 : vector<512x32xf32>
    %slice3A_1003 = vector.extract_strided_slice %mul3A_137 {offsets = [0, 6], sizes = [1, 1], strides = [1, 1]} : vector<1x8xf32> to vector<1x1xf32>
    %slice3A_1004 = vector.extract_strided_slice %add3A_108 {offsets = [0, 144], sizes = [512, 8], strides = [1, 1]} : vector<512x192xf32> to vector<512x8xf32>
    %slice3A_1005 = vector.extract_strided_slice %add3A_108 {offsets = [0, 152], sizes = [512, 8], strides = [1, 1]} : vector<512x192xf32> to vector<512x8xf32>
    %slice3A_1006 = vector.extract_strided_slice %add3A_108 {offsets = [0, 160], sizes = [512, 8], strides = [1, 1]} : vector<512x192xf32> to vector<512x8xf32>
    %slice3A_1007 = vector.extract_strided_slice %add3A_118 {offsets = [0, 144], sizes = [512, 8], strides = [1, 1]} : vector<512x192xf32> to vector<512x8xf32>
    %slice3A_1008 = vector.extract_strided_slice %add3A_118 {offsets = [0, 152], sizes = [512, 8], strides = [1, 1]} : vector<512x192xf32> to vector<512x8xf32>
    %slice3A_1009 = vector.extract_strided_slice %add3A_118 {offsets = [0, 160], sizes = [512, 8], strides = [1, 1]} : vector<512x192xf32> to vector<512x8xf32>
    %slice3A_1010 = vector.extract_strided_slice %add3A_128 {offsets = [0, 144], sizes = [512, 8], strides = [1, 1]} : vector<512x192xf32> to vector<512x8xf32>
    %slice3A_1011 = vector.extract_strided_slice %add3A_128 {offsets = [0, 152], sizes = [512, 8], strides = [1, 1]} : vector<512x192xf32> to vector<512x8xf32>
    %slice3A_1012 = vector.extract_strided_slice %add3A_128 {offsets = [0, 160], sizes = [512, 8], strides = [1, 1]} : vector<512x192xf32> to vector<512x8xf32>
    %mul3A_1013 = arith.constant 0.102062076 : f32
    %mul3A_1014 = vector.broadcast %mul3A_1013 : f32 to vector<512x32xf32>
    %mul3A_1015 = arith.mulf %add3A_977, %mul3A_1014 : vector<512x32xf32>
    %swap3A_1016 = arith.constant 0 : index
    %swap3A_1017 = arith.constant 384 : index
    %swap3A_1018 = vector.load %arg13[%swap3A_1016, %swap3A_1017] : memref<512x512xf32, #tpu.memory_space<vmem>>, vector<512x32xf32>
    tpu.vector_store %arg13[%swap3A_1016, %swap3A_1017], %mul3A_1015 {strides = array<i32>} : memref<512x512xf32, #tpu.memory_space<vmem>>, vector<512x32xf32>,
    %mul3A_1019 = arith.constant 1.15470052 : f32
    %mul3A_1020 = vector.broadcast %mul3A_1019 : f32 to vector<1x1xf32>
    %mul3A_1021 = arith.mulf %mul3A_1020, %slice3A_1003 : vector<1x1xf32>
    %mul3A_1022 = vector.broadcast %mul3A_1021 : vector<1x1xf32> to vector<512x8xf32>
    %mul3A_1023 = arith.mulf %slice3A_1004, %mul3A_1022 : vector<512x8xf32>
    %swap3A_1024 = arith.constant 0 : index
    %swap3A_1025 = arith.constant 416 : index
    %swap3A_1026 = vector.load %arg13[%swap3A_1024, %swap3A_1025] : memref<512x512xf32, #tpu.memory_space<vmem>>, vector<512x8xf32>
    tpu.vector_store %arg13[%swap3A_1024, %swap3A_1025], %mul3A_1023 {strides = array<i32>} : memref<512x512xf32, #tpu.memory_space<vmem>>, vector<512x8xf32>,
    %mul3A_1027 = vector.broadcast %mul3A_1021 : vector<1x1xf32> to vector<512x8xf32>
    %mul3A_1028 = arith.mulf %slice3A_1007, %mul3A_1027 : vector<512x8xf32>
    %swap3A_1029 = arith.constant 0 : index
    %swap3A_1030 = arith.constant 424 : index
    %swap3A_1031 = vector.load %arg13[%swap3A_1029, %swap3A_1030] : memref<512x512xf32, #tpu.memory_space<vmem>>, vector<512x8xf32>
    tpu.vector_store %arg13[%swap3A_1029, %swap3A_1030], %mul3A_1028 {strides = array<i32>} : memref<512x512xf32, #tpu.memory_space<vmem>>, vector<512x8xf32>,
    %mul3A_1032 = vector.broadcast %mul3A_1021 : vector<1x1xf32> to vector<512x8xf32>
    %mul3A_1033 = arith.mulf %slice3A_1010, %mul3A_1032 : vector<512x8xf32>
    %swap3A_1034 = arith.constant 0 : index
    %swap3A_1035 = arith.constant 432 : index
    %swap3A_1036 = vector.load %arg13[%swap3A_1034, %swap3A_1035] : memref<512x512xf32, #tpu.memory_space<vmem>>, vector<512x8xf32>
    tpu.vector_store %arg13[%swap3A_1034, %swap3A_1035], %mul3A_1033 {strides = array<i32>} : memref<512x512xf32, #tpu.memory_space<vmem>>, vector<512x8xf32>,
    %broadcast_in_dim3A_1037 = arith.constant 0.577350259 : f32
    %broadcast_in_dim3A_1038 = vector.broadcast %broadcast_in_dim3A_1037 : f32 to vector<512x1xf32>
    %swap3A_1039 = arith.constant 0 : index
    %swap3A_1040 = arith.constant 440 : index
    %swap3A_1041 = vector.load %arg13[%swap3A_1039, %swap3A_1040] : memref<512x512xf32, #tpu.memory_space<vmem>>, vector<512x1xf32>
    tpu.vector_store %arg13[%swap3A_1039, %swap3A_1040], %broadcast_in_dim3A_1038 {strides = array<i32>} : memref<512x512xf32, #tpu.memory_space<vmem>>, vector<512x1xf32>,
    %swap3A_1042 = arith.constant 0 : index
    %swap3A_1043 = arith.constant 384 : index
    %swap3A_1044 = vector.load %arg12[%swap3A_1042, %swap3A_1043] : memref<512x1024xf32, #tpu.memory_space<vmem>>, vector<512x32xf32>
    tpu.vector_store %arg12[%swap3A_1042, %swap3A_1043], %add3A_1002 {strides = array<i32>} : memref<512x1024xf32, #tpu.memory_space<vmem>>, vector<512x32xf32>,
    %swap3A_1045 = arith.constant 0 : index
    %swap3A_1046 = arith.constant 416 : index
    %swap3A_1047 = vector.load %arg12[%swap3A_1045, %swap3A_1046] : memref<512x1024xf32, #tpu.memory_space<vmem>>, vector<512x8xf32>
    tpu.vector_store %arg12[%swap3A_1045, %swap3A_1046], %slice3A_1005 {strides = array<i32>} : memref<512x1024xf32, #tpu.memory_space<vmem>>, vector<512x8xf32>,
    %swap3A_1048 = arith.constant 0 : index
    %swap3A_1049 = arith.constant 424 : index
    %swap3A_1050 = vector.load %arg12[%swap3A_1048, %swap3A_1049] : memref<512x1024xf32, #tpu.memory_space<vmem>>, vector<512x8xf32>
    tpu.vector_store %arg12[%swap3A_1048, %swap3A_1049], %slice3A_1008 {strides = array<i32>} : memref<512x1024xf32, #tpu.memory_space<vmem>>, vector<512x8xf32>,
    %swap3A_1051 = arith.constant 0 : index
    %swap3A_1052 = arith.constant 432 : index
    %swap3A_1053 = vector.load %arg12[%swap3A_1051, %swap3A_1052] : memref<512x1024xf32, #tpu.memory_space<vmem>>, vector<512x8xf32>
    tpu.vector_store %arg12[%swap3A_1051, %swap3A_1052], %slice3A_1011 {strides = array<i32>} : memref<512x1024xf32, #tpu.memory_space<vmem>>, vector<512x8xf32>,
    %mul3A_1054 = arith.mulf %slice3A_1005, %slice3A_1005 : vector<512x8xf32>
    %mul3A_1055 = arith.mulf %slice3A_1008, %slice3A_1008 : vector<512x8xf32>
    %add3A_1056 = arith.addf %mul3A_1054, %mul3A_1055 : vector<512x8xf32>
    %mul3A_1057 = arith.mulf %slice3A_1011, %slice3A_1011 : vector<512x8xf32>
    %add3A_1058 = arith.addf %add3A_1056, %mul3A_1057 : vector<512x8xf32>
    %reduce_sum3A_1059 = arith.constant dense<0.000000e+00> : vector<512xf32>
    %reduce_sum3A_1060 = vector.multi_reduction <add>, %add3A_1058, %reduce_sum3A_1059 [1] : vector<512x8xf32> to vector<512xf32>
    %broadcast_in_dim3A_1061 = vector.shape_cast %reduce_sum3A_1060 : vector<512xf32> to vector<512x1xf32>
    %neg3A_1062 = arith.constant 0.000000e+00 : f32
    %neg3A_1063 = vector.broadcast %neg3A_1062 : f32 to vector<1x1xf32>
    %neg3A_1064 = arith.subf %neg3A_1063, %slice3A_1003 : vector<1x1xf32>
    %mul3A_1065 = vector.broadcast %neg3A_1064 : vector<1x1xf32> to vector<512x1xf32>
    %mul3A_1066 = arith.mulf %mul3A_1065, %broadcast_in_dim3A_1061 : vector<512x1xf32>
    %swap3A_1067 = arith.constant 0 : index
    %swap3A_1068 = arith.constant 440 : index
    %swap3A_1069 = vector.load %arg12[%swap3A_1067, %swap3A_1068] : memref<512x1024xf32, #tpu.memory_space<vmem>>, vector<512x1xf32>
    tpu.vector_store %arg12[%swap3A_1067, %swap3A_1068], %mul3A_1066 {strides = array<i32>} : memref<512x1024xf32, #tpu.memory_space<vmem>>, vector<512x1xf32>,
    %swap3A_1070 = arith.constant 0 : index
    %swap3A_1071 = arith.constant 896 : index
    %swap3A_1072 = vector.load %arg12[%swap3A_1070, %swap3A_1071] : memref<512x1024xf32, #tpu.memory_space<vmem>>, vector<512x32xf32>
    tpu.vector_store %arg12[%swap3A_1070, %swap3A_1071], %slice3A_952 {strides = array<i32>} : memref<512x1024xf32, #tpu.memory_space<vmem>>, vector<512x32xf32>,
    %swap3A_1073 = arith.constant 0 : index
    %swap3A_1074 = arith.constant 928 : index
    %swap3A_1075 = vector.load %arg12[%swap3A_1073, %swap3A_1074] : memref<512x1024xf32, #tpu.memory_space<vmem>>, vector<512x8xf32>
    tpu.vector_store %arg12[%swap3A_1073, %swap3A_1074], %slice3A_1006 {strides = array<i32>} : memref<512x1024xf32, #tpu.memory_space<vmem>>, vector<512x8xf32>,
    %swap3A_1076 = arith.constant 0 : index
    %swap3A_1077 = arith.constant 936 : index
    %swap3A_1078 = vector.load %arg12[%swap3A_1076, %swap3A_1077] : memref<512x1024xf32, #tpu.memory_space<vmem>>, vector<512x8xf32>
    tpu.vector_store %arg12[%swap3A_1076, %swap3A_1077], %slice3A_1009 {strides = array<i32>} : memref<512x1024xf32, #tpu.memory_space<vmem>>, vector<512x8xf32>,
    %swap3A_1079 = arith.constant 0 : index
    %swap3A_1080 = arith.constant 944 : index
    %swap3A_1081 = vector.load %arg12[%swap3A_1079, %swap3A_1080] : memref<512x1024xf32, #tpu.memory_space<vmem>>, vector<512x8xf32>
    tpu.vector_store %arg12[%swap3A_1079, %swap3A_1080], %slice3A_1012 {strides = array<i32>} : memref<512x1024xf32, #tpu.memory_space<vmem>>, vector<512x8xf32>,
    %slice3A_1082 = vector.extract_strided_slice %dot_general3A_29 {offsets = [0, 224], sizes = [512, 32], strides = [1, 1]} : vector<512x768xf32> to vector<512x32xf32>
    %slice3A_1083 = vector.extract_strided_slice %dot_general3A_29 {offsets = [0, 480], sizes = [512, 32], strides = [1, 1]} : vector<512x768xf32> to vector<512x32xf32>
    %slice3A_1084 = vector.extract_strided_slice %dot_general3A_29 {offsets = [0, 736], sizes = [512, 32], strides = [1, 1]} : vector<512x768xf32> to vector<512x32xf32>
    %reduce_sum3A_1085 = arith.constant dense<0.000000e+00> : vector<512xf32>
    %reduce_sum3A_1086 = vector.multi_reduction <add>, %slice3A_1082, %reduce_sum3A_1085 [1] : vector<512x32xf32> to vector<512xf32>
    %broadcast_in_dim3A_1087 = vector.shape_cast %reduce_sum3A_1086 : vector<512xf32> to vector<512x1xf32>
    %div3A_1088 = arith.constant 3.200000e+01 : f32
    %div3A_1089 = vector.broadcast %div3A_1088 : f32 to vector<512x1xf32>
    %div3A_1090 = arith.divf %broadcast_in_dim3A_1087, %div3A_1089 : vector<512x1xf32>
    %sub3A_1091 = vector.broadcast %div3A_1090 : vector<512x1xf32> to vector<512x32xf32>
    %sub3A_1092 = arith.subf %slice3A_1082, %sub3A_1091 : vector<512x32xf32>
    %mul3A_1093 = arith.mulf %sub3A_1092, %sub3A_1092 : vector<512x32xf32>
    %reduce_sum3A_1094 = arith.constant dense<0.000000e+00> : vector<512xf32>
    %reduce_sum3A_1095 = vector.multi_reduction <add>, %mul3A_1093, %reduce_sum3A_1094 [1] : vector<512x32xf32> to vector<512xf32>
    %broadcast_in_dim3A_1096 = vector.shape_cast %reduce_sum3A_1095 : vector<512xf32> to vector<512x1xf32>
    %div3A_1097 = arith.constant 3.200000e+01 : f32
    %div3A_1098 = vector.broadcast %div3A_1097 : f32 to vector<512x1xf32>
    %div3A_1099 = arith.divf %broadcast_in_dim3A_1096, %div3A_1098 : vector<512x1xf32>
    %add3A_1100 = arith.constant 9.99999974E-6 : f32
    %add3A_1101 = vector.broadcast %add3A_1100 : f32 to vector<512x1xf32>
    %add3A_1102 = arith.addf %div3A_1099, %add3A_1101 : vector<512x1xf32>
    %rsqrt3A_1103 = math.rsqrt %add3A_1102 : vector<512x1xf32>
    %mul3A_1104 = vector.broadcast %rsqrt3A_1103 : vector<512x1xf32> to vector<512x32xf32>
    %mul3A_1105 = arith.mulf %sub3A_1092, %mul3A_1104 : vector<512x32xf32>
    %mul3A_1106 = vector.broadcast %get3A_149 : vector<1x32xf32> to vector<512x32xf32>
    %mul3A_1107 = arith.mulf %mul3A_1105, %mul3A_1106 : vector<512x32xf32>
    %add3A_1108 = vector.broadcast %get3A_152 : vector<1x32xf32> to vector<512x32xf32>
    %add3A_1109 = arith.addf %mul3A_1107, %add3A_1108 : vector<512x32xf32>
    %reduce_sum3A_1110 = arith.constant dense<0.000000e+00> : vector<512xf32>
    %reduce_sum3A_1111 = vector.multi_reduction <add>, %slice3A_1083, %reduce_sum3A_1110 [1] : vector<512x32xf32> to vector<512xf32>
    %broadcast_in_dim3A_1112 = vector.shape_cast %reduce_sum3A_1111 : vector<512xf32> to vector<512x1xf32>
    %div3A_1113 = arith.constant 3.200000e+01 : f32
    %div3A_1114 = vector.broadcast %div3A_1113 : f32 to vector<512x1xf32>
    %div3A_1115 = arith.divf %broadcast_in_dim3A_1112, %div3A_1114 : vector<512x1xf32>
    %sub3A_1116 = vector.broadcast %div3A_1115 : vector<512x1xf32> to vector<512x32xf32>
    %sub3A_1117 = arith.subf %slice3A_1083, %sub3A_1116 : vector<512x32xf32>
    %mul3A_1118 = arith.mulf %sub3A_1117, %sub3A_1117 : vector<512x32xf32>
    %reduce_sum3A_1119 = arith.constant dense<0.000000e+00> : vector<512xf32>
    %reduce_sum3A_1120 = vector.multi_reduction <add>, %mul3A_1118, %reduce_sum3A_1119 [1] : vector<512x32xf32> to vector<512xf32>
    %broadcast_in_dim3A_1121 = vector.shape_cast %reduce_sum3A_1120 : vector<512xf32> to vector<512x1xf32>
    %div3A_1122 = arith.constant 3.200000e+01 : f32
    %div3A_1123 = vector.broadcast %div3A_1122 : f32 to vector<512x1xf32>
    %div3A_1124 = arith.divf %broadcast_in_dim3A_1121, %div3A_1123 : vector<512x1xf32>
    %add3A_1125 = arith.constant 9.99999974E-6 : f32
    %add3A_1126 = vector.broadcast %add3A_1125 : f32 to vector<512x1xf32>
    %add3A_1127 = arith.addf %div3A_1124, %add3A_1126 : vector<512x1xf32>
    %rsqrt3A_1128 = math.rsqrt %add3A_1127 : vector<512x1xf32>
    %mul3A_1129 = vector.broadcast %rsqrt3A_1128 : vector<512x1xf32> to vector<512x32xf32>
    %mul3A_1130 = arith.mulf %sub3A_1117, %mul3A_1129 : vector<512x32xf32>
    %mul3A_1131 = vector.broadcast %get3A_155 : vector<1x32xf32> to vector<512x32xf32>
    %mul3A_1132 = arith.mulf %mul3A_1130, %mul3A_1131 : vector<512x32xf32>
    %add3A_1133 = vector.broadcast %get3A_158 : vector<1x32xf32> to vector<512x32xf32>
    %add3A_1134 = arith.addf %mul3A_1132, %add3A_1133 : vector<512x32xf32>
    %slice3A_1135 = vector.extract_strided_slice %mul3A_137 {offsets = [0, 7], sizes = [1, 1], strides = [1, 1]} : vector<1x8xf32> to vector<1x1xf32>
    %slice3A_1136 = vector.extract_strided_slice %add3A_108 {offsets = [0, 168], sizes = [512, 8], strides = [1, 1]} : vector<512x192xf32> to vector<512x8xf32>
    %slice3A_1137 = vector.extract_strided_slice %add3A_108 {offsets = [0, 176], sizes = [512, 8], strides = [1, 1]} : vector<512x192xf32> to vector<512x8xf32>
    %slice3A_1138 = vector.extract_strided_slice %add3A_108 {offsets = [0, 184], sizes = [512, 8], strides = [1, 1]} : vector<512x192xf32> to vector<512x8xf32>
    %slice3A_1139 = vector.extract_strided_slice %add3A_118 {offsets = [0, 168], sizes = [512, 8], strides = [1, 1]} : vector<512x192xf32> to vector<512x8xf32>
    %slice3A_1140 = vector.extract_strided_slice %add3A_118 {offsets = [0, 176], sizes = [512, 8], strides = [1, 1]} : vector<512x192xf32> to vector<512x8xf32>
    %slice3A_1141 = vector.extract_strided_slice %add3A_118 {offsets = [0, 184], sizes = [512, 8], strides = [1, 1]} : vector<512x192xf32> to vector<512x8xf32>
    %slice3A_1142 = vector.extract_strided_slice %add3A_128 {offsets = [0, 168], sizes = [512, 8], strides = [1, 1]} : vector<512x192xf32> to vector<512x8xf32>
    %slice3A_1143 = vector.extract_strided_slice %add3A_128 {offsets = [0, 176], sizes = [512, 8], strides = [1, 1]} : vector<512x192xf32> to vector<512x8xf32>
    %slice3A_1144 = vector.extract_strided_slice %add3A_128 {offsets = [0, 184], sizes = [512, 8], strides = [1, 1]} : vector<512x192xf32> to vector<512x8xf32>
    %mul3A_1145 = arith.constant 0.102062076 : f32
    %mul3A_1146 = vector.broadcast %mul3A_1145 : f32 to vector<512x32xf32>
    %mul3A_1147 = arith.mulf %add3A_1109, %mul3A_1146 : vector<512x32xf32>
    %swap3A_1148 = arith.constant 0 : index
    %swap3A_1149 = arith.constant 448 : index
    %swap3A_1150 = vector.load %arg13[%swap3A_1148, %swap3A_1149] : memref<512x512xf32, #tpu.memory_space<vmem>>, vector<512x32xf32>
    tpu.vector_store %arg13[%swap3A_1148, %swap3A_1149], %mul3A_1147 {strides = array<i32>} : memref<512x512xf32, #tpu.memory_space<vmem>>, vector<512x32xf32>,
    %mul3A_1151 = arith.constant 1.15470052 : f32
    %mul3A_1152 = vector.broadcast %mul3A_1151 : f32 to vector<1x1xf32>
    %mul3A_1153 = arith.mulf %mul3A_1152, %slice3A_1135 : vector<1x1xf32>
    %mul3A_1154 = vector.broadcast %mul3A_1153 : vector<1x1xf32> to vector<512x8xf32>
    %mul3A_1155 = arith.mulf %slice3A_1136, %mul3A_1154 : vector<512x8xf32>
    %swap3A_1156 = arith.constant 0 : index
    %swap3A_1157 = arith.constant 480 : index
    %swap3A_1158 = vector.load %arg13[%swap3A_1156, %swap3A_1157] : memref<512x512xf32, #tpu.memory_space<vmem>>, vector<512x8xf32>
    tpu.vector_store %arg13[%swap3A_1156, %swap3A_1157], %mul3A_1155 {strides = array<i32>} : memref<512x512xf32, #tpu.memory_space<vmem>>, vector<512x8xf32>,
    %mul3A_1159 = vector.broadcast %mul3A_1153 : vector<1x1xf32> to vector<512x8xf32>
    %mul3A_1160 = arith.mulf %slice3A_1139, %mul3A_1159 : vector<512x8xf32>
    %swap3A_1161 = arith.constant 0 : index
    %swap3A_1162 = arith.constant 488 : index
    %swap3A_1163 = vector.load %arg13[%swap3A_1161, %swap3A_1162] : memref<512x512xf32, #tpu.memory_space<vmem>>, vector<512x8xf32>
    tpu.vector_store %arg13[%swap3A_1161, %swap3A_1162], %mul3A_1160 {strides = array<i32>} : memref<512x512xf32, #tpu.memory_space<vmem>>, vector<512x8xf32>,
    %mul3A_1164 = vector.broadcast %mul3A_1153 : vector<1x1xf32> to vector<512x8xf32>
    %mul3A_1165 = arith.mulf %slice3A_1142, %mul3A_1164 : vector<512x8xf32>
    %swap3A_1166 = arith.constant 0 : index
    %swap3A_1167 = arith.constant 496 : index
    %swap3A_1168 = vector.load %arg13[%swap3A_1166, %swap3A_1167] : memref<512x512xf32, #tpu.memory_space<vmem>>, vector<512x8xf32>
    tpu.vector_store %arg13[%swap3A_1166, %swap3A_1167], %mul3A_1165 {strides = array<i32>} : memref<512x512xf32, #tpu.memory_space<vmem>>, vector<512x8xf32>,
    %broadcast_in_dim3A_1169 = arith.constant 0.577350259 : f32
    %broadcast_in_dim3A_1170 = vector.broadcast %broadcast_in_dim3A_1169 : f32 to vector<512x1xf32>
    %swap3A_1171 = arith.constant 0 : index
    %swap3A_1172 = arith.constant 504 : index
    %swap3A_1173 = vector.load %arg13[%swap3A_1171, %swap3A_1172] : memref<512x512xf32, #tpu.memory_space<vmem>>, vector<512x1xf32>
    tpu.vector_store %arg13[%swap3A_1171, %swap3A_1172], %broadcast_in_dim3A_1170 {strides = array<i32>} : memref<512x512xf32, #tpu.memory_space<vmem>>, vector<512x1xf32>,
    %swap3A_1174 = arith.constant 0 : index
    %swap3A_1175 = arith.constant 448 : index
    %swap3A_1176 = vector.load %arg12[%swap3A_1174, %swap3A_1175] : memref<512x1024xf32, #tpu.memory_space<vmem>>, vector<512x32xf32>
    tpu.vector_store %arg12[%swap3A_1174, %swap3A_1175], %add3A_1134 {strides = array<i32>} : memref<512x1024xf32, #tpu.memory_space<vmem>>, vector<512x32xf32>,
    %swap3A_1177 = arith.constant 0 : index
    %swap3A_1178 = arith.constant 480 : index
    %swap3A_1179 = vector.load %arg12[%swap3A_1177, %swap3A_1178] : memref<512x1024xf32, #tpu.memory_space<vmem>>, vector<512x8xf32>
    tpu.vector_store %arg12[%swap3A_1177, %swap3A_1178], %slice3A_1137 {strides = array<i32>} : memref<512x1024xf32, #tpu.memory_space<vmem>>, vector<512x8xf32>,
    %swap3A_1180 = arith.constant 0 : index
    %swap3A_1181 = arith.constant 488 : index
    %swap3A_1182 = vector.load %arg12[%swap3A_1180, %swap3A_1181] : memref<512x1024xf32, #tpu.memory_space<vmem>>, vector<512x8xf32>
    tpu.vector_store %arg12[%swap3A_1180, %swap3A_1181], %slice3A_1140 {strides = array<i32>} : memref<512x1024xf32, #tpu.memory_space<vmem>>, vector<512x8xf32>,
    %swap3A_1183 = arith.constant 0 : index
    %swap3A_1184 = arith.constant 496 : index
    %swap3A_1185 = vector.load %arg12[%swap3A_1183, %swap3A_1184] : memref<512x1024xf32, #tpu.memory_space<vmem>>, vector<512x8xf32>
    tpu.vector_store %arg12[%swap3A_1183, %swap3A_1184], %slice3A_1143 {strides = array<i32>} : memref<512x1024xf32, #tpu.memory_space<vmem>>, vector<512x8xf32>,
    %mul3A_1186 = arith.mulf %slice3A_1137, %slice3A_1137 : vector<512x8xf32>
    %mul3A_1187 = arith.mulf %slice3A_1140, %slice3A_1140 : vector<512x8xf32>
    %add3A_1188 = arith.addf %mul3A_1186, %mul3A_1187 : vector<512x8xf32>
    %mul3A_1189 = arith.mulf %slice3A_1143, %slice3A_1143 : vector<512x8xf32>
    %add3A_1190 = arith.addf %add3A_1188, %mul3A_1189 : vector<512x8xf32>
    %reduce_sum3A_1191 = arith.constant dense<0.000000e+00> : vector<512xf32>
    %reduce_sum3A_1192 = vector.multi_reduction <add>, %add3A_1190, %reduce_sum3A_1191 [1] : vector<512x8xf32> to vector<512xf32>
    %broadcast_in_dim3A_1193 = vector.shape_cast %reduce_sum3A_1192 : vector<512xf32> to vector<512x1xf32>
    %neg3A_1194 = arith.constant 0.000000e+00 : f32
    %neg3A_1195 = vector.broadcast %neg3A_1194 : f32 to vector<1x1xf32>
    %neg3A_1196 = arith.subf %neg3A_1195, %slice3A_1135 : vector<1x1xf32>
    %mul3A_1197 = vector.broadcast %neg3A_1196 : vector<1x1xf32> to vector<512x1xf32>
    %mul3A_1198 = arith.mulf %mul3A_1197, %broadcast_in_dim3A_1193 : vector<512x1xf32>
    %swap3A_1199 = arith.constant 0 : index
    %swap3A_1200 = arith.constant 504 : index
    %swap3A_1201 = vector.load %arg12[%swap3A_1199, %swap3A_1200] : memref<512x1024xf32, #tpu.memory_space<vmem>>, vector<512x1xf32>
    tpu.vector_store %arg12[%swap3A_1199, %swap3A_1200], %mul3A_1198 {strides = array<i32>} : memref<512x1024xf32, #tpu.memory_space<vmem>>, vector<512x1xf32>,
    %swap3A_1202 = arith.constant 0 : index
    %swap3A_1203 = arith.constant 960 : index
    %swap3A_1204 = vector.load %arg12[%swap3A_1202, %swap3A_1203] : memref<512x1024xf32, #tpu.memory_space<vmem>>, vector<512x32xf32>
    tpu.vector_store %arg12[%swap3A_1202, %swap3A_1203], %slice3A_1084 {strides = array<i32>} : memref<512x1024xf32, #tpu.memory_space<vmem>>, vector<512x32xf32>,
    %swap3A_1205 = arith.constant 0 : index
    %swap3A_1206 = arith.constant 992 : index
    %swap3A_1207 = vector.load %arg12[%swap3A_1205, %swap3A_1206] : memref<512x1024xf32, #tpu.memory_space<vmem>>, vector<512x8xf32>
    tpu.vector_store %arg12[%swap3A_1205, %swap3A_1206], %slice3A_1138 {strides = array<i32>} : memref<512x1024xf32, #tpu.memory_space<vmem>>, vector<512x8xf32>,
    %swap3A_1208 = arith.constant 0 : index
    %swap3A_1209 = arith.constant 1000 : index
    %swap3A_1210 = vector.load %arg12[%swap3A_1208, %swap3A_1209] : memref<512x1024xf32, #tpu.memory_space<vmem>>, vector<512x8xf32>
    tpu.vector_store %arg12[%swap3A_1208, %swap3A_1209], %slice3A_1141 {strides = array<i32>} : memref<512x1024xf32, #tpu.memory_space<vmem>>, vector<512x8xf32>,
    %swap3A_1211 = arith.constant 0 : index
    %swap3A_1212 = arith.constant 1008 : index
    %swap3A_1213 = vector.load %arg12[%swap3A_1211, %swap3A_1212] : memref<512x1024xf32, #tpu.memory_space<vmem>>, vector<512x8xf32>
    tpu.vector_store %arg12[%swap3A_1211, %swap3A_1212], %slice3A_1144 {strides = array<i32>} : memref<512x1024xf32, #tpu.memory_space<vmem>>, vector<512x8xf32>,
    %broadcast_in_dim3A_1214 = arith.constant 0.000000e+00 : f32
    %broadcast_in_dim3A_1215 = vector.broadcast %broadcast_in_dim3A_1214 : f32 to vector<512x16xf32>
    %swap3A_1216 = arith.constant 0 : index
    %swap3A_1217 = arith.constant 0 : index
    %swap3A_1218 = vector.load %arg14[%swap3A_1216, %swap3A_1217] : memref<512x16xf32, #tpu.memory_space<vmem>>, vector<512x16xf32>
    tpu.vector_store %arg14[%swap3A_1216, %swap3A_1217], %broadcast_in_dim3A_1215 {strides = array<i32>} : memref<512x16xf32, #tpu.memory_space<vmem>>, vector<512x16xf32>,
    %swap3A_1219 = arith.constant 0 : index
    %swap3A_1220 = arith.constant 0 : index
    %swap3A_1221 = vector.load %arg14[%swap3A_1219, %swap3A_1220] : memref<512x16xf32, #tpu.memory_space<vmem>>, vector<512x1xf32>
    tpu.vector_store %arg14[%swap3A_1219, %swap3A_1220], %mul3A_58 {strides = array<i32>} : memref<512x16xf32, #tpu.memory_space<vmem>>, vector<512x1xf32>,
    %swap3A_1222 = arith.constant 0 : index
    %swap3A_1223 = arith.constant 1 : index
    %swap3A_1224 = vector.load %arg14[%swap3A_1222, %swap3A_1223] : memref<512x16xf32, #tpu.memory_space<vmem>>, vector<512x1xf32>
    tpu.vector_store %arg14[%swap3A_1222, %swap3A_1223], %mul3A_59 {strides = array<i32>} : memref<512x16xf32, #tpu.memory_space<vmem>>, vector<512x1xf32>,
    %swap3A_1225 = arith.constant 0 : index
    %swap3A_1226 = arith.constant 2 : index
    %swap3A_1227 = vector.load %arg14[%swap3A_1225, %swap3A_1226] : memref<512x16xf32, #tpu.memory_space<vmem>>, vector<512x1xf32>
    tpu.vector_store %arg14[%swap3A_1225, %swap3A_1226], %mul3A_60 {strides = array<i32>} : memref<512x16xf32, #tpu.memory_space<vmem>>, vector<512x1xf32>,
    %swap3A_1228 = arith.constant 0 : index
    %swap3A_1229 = arith.constant 3 : index
    %swap3A_1230 = vector.load %arg14[%swap3A_1228, %swap3A_1229] : memref<512x16xf32, #tpu.memory_space<vmem>>, vector<512x1xf32>
    tpu.vector_store %arg14[%swap3A_1228, %swap3A_1229], %mul3A_84 {strides = array<i32>} : memref<512x16xf32, #tpu.memory_space<vmem>>, vector<512x1xf32>,
    %swap3A_1231 = arith.constant 0 : index
    %swap3A_1232 = arith.constant 4 : index
    %swap3A_1233 = vector.load %arg14[%swap3A_1231, %swap3A_1232] : memref<512x16xf32, #tpu.memory_space<vmem>>, vector<512x1xf32>
    tpu.vector_store %arg14[%swap3A_1231, %swap3A_1232], %mul3A_85 {strides = array<i32>} : memref<512x16xf32, #tpu.memory_space<vmem>>, vector<512x1xf32>,
    %swap3A_1234 = arith.constant 0 : index
    %swap3A_1235 = arith.constant 5 : index
    %swap3A_1236 = vector.load %arg14[%swap3A_1234, %swap3A_1235] : memref<512x16xf32, #tpu.memory_space<vmem>>, vector<512x1xf32>
    tpu.vector_store %arg14[%swap3A_1234, %swap3A_1235], %mul3A_86 {strides = array<i32>} : memref<512x16xf32, #tpu.memory_space<vmem>>, vector<512x1xf32>,
    %swap3A_1237 = arith.constant 0 : index
    %swap3A_1238 = arith.constant 6 : index
    %swap3A_1239 = vector.load %arg14[%swap3A_1237, %swap3A_1238] : memref<512x16xf32, #tpu.memory_space<vmem>>, vector<512x1xf32>
    tpu.vector_store %arg14[%swap3A_1237, %swap3A_1238], %sub3A_89 {strides = array<i32>} : memref<512x16xf32, #tpu.memory_space<vmem>>, vector<512x1xf32>,
    %swap3A_1240 = arith.constant 0 : index
    %swap3A_1241 = arith.constant 7 : index
    %swap3A_1242 = vector.load %arg14[%swap3A_1240, %swap3A_1241] : memref<512x16xf32, #tpu.memory_space<vmem>>, vector<512x1xf32>
    tpu.vector_store %arg14[%swap3A_1240, %swap3A_1241], %sub3A_92 {strides = array<i32>} : memref<512x16xf32, #tpu.memory_space<vmem>>, vector<512x1xf32>,
    %swap3A_1243 = arith.constant 0 : index
    %swap3A_1244 = arith.constant 8 : index
    %swap3A_1245 = vector.load %arg14[%swap3A_1243, %swap3A_1244] : memref<512x16xf32, #tpu.memory_space<vmem>>, vector<512x1xf32>
    tpu.vector_store %arg14[%swap3A_1243, %swap3A_1244], %sub3A_95 {strides = array<i32>} : memref<512x16xf32, #tpu.memory_space<vmem>>, vector<512x1xf32>,
    %swap3A_1246 = arith.constant 0 : index
    %swap3A_1247 = arith.constant 9 : index
    %swap3A_1248 = vector.load %arg14[%swap3A_1246, %swap3A_1247] : memref<512x16xf32, #tpu.memory_space<vmem>>, vector<512x1xf32>
    tpu.vector_store %arg14[%swap3A_1246, %swap3A_1247], %slice3A_40 {strides = array<i32>} : memref<512x16xf32, #tpu.memory_space<vmem>>, vector<512x1xf32>,
    %swap3A_1249 = arith.constant 0 : index
    %swap3A_1250 = arith.constant 10 : index
    %swap3A_1251 = vector.load %arg14[%swap3A_1249, %swap3A_1250] : memref<512x16xf32, #tpu.memory_space<vmem>>, vector<512x1xf32>
    tpu.vector_store %arg14[%swap3A_1249, %swap3A_1250], %slice3A_41 {strides = array<i32>} : memref<512x16xf32, #tpu.memory_space<vmem>>, vector<512x1xf32>,
    %swap3A_1252 = arith.constant 0 : index
    %swap3A_1253 = arith.constant 11 : index
    %swap3A_1254 = vector.load %arg14[%swap3A_1252, %swap3A_1253] : memref<512x16xf32, #tpu.memory_space<vmem>>, vector<512x1xf32>
    tpu.vector_store %arg14[%swap3A_1252, %swap3A_1253], %slice3A_42 {strides = array<i32>} : memref<512x16xf32, #tpu.memory_space<vmem>>, vector<512x1xf32>,
    return
  }
  func.func @transform_0(%arg0: i32) -> (i32, i32) {
    %c0_i32 = arith.constant 0 : i32
    %c0_i32_0 = arith.constant 0 : i32
    return %arg0, %c0_i32 : i32, i32
  }
  func.func @transform_1(%arg0: i32) -> (i32, i32) {
    %c0_i32 = arith.constant 0 : i32
    %c0_i32_0 = arith.constant 0 : i32
    return %arg0, %c0_i32 : i32, i32
  }
  func.func @transform_2(%arg0: i32) -> (i32, i32) {
    %c0_i32 = arith.constant 0 : i32
    %c0_i32_0 = arith.constant 0 : i32
    %c0_i32_1 = arith.constant 0 : i32
    return %c0_i32, %c0_i32_0 : i32, i32
  }
  func.func @transform_3(%arg0: i32) -> (i32, i32) {
    %c0_i32 = arith.constant 0 : i32
    %c0_i32_0 = arith.constant 0 : i32
    %c0_i32_1 = arith.constant 0 : i32
    return %c0_i32, %c0_i32_0 : i32, i32
  }
  func.func @transform_4(%arg0: i32) -> (i32, i32) {
    %c0_i32 = arith.constant 0 : i32
    %c0_i32_0 = arith.constant 0 : i32
    %c0_i32_1 = arith.constant 0 : i32
    return %c0_i32, %c0_i32_0 : i32, i32
  }
  func.func @transform_5(%arg0: i32) -> (i32, i32) {
    %c0_i32 = arith.constant 0 : i32
    %c0_i32_0 = arith.constant 0 : i32
    %c0_i32_1 = arith.constant 0 : i32
    return %c0_i32, %c0_i32_0 : i32, i32
  }
  func.func @transform_6(%arg0: i32) -> (i32, i32) {
    %c0_i32 = arith.constant 0 : i32
    %c0_i32_0 = arith.constant 0 : i32
    %c0_i32_1 = arith.constant 0 : i32
    return %c0_i32, %c0_i32_0 : i32, i32
  }
  func.func @transform_7(%arg0: i32) -> (i32, i32) {
    %c0_i32 = arith.constant 0 : i32
    %c0_i32_0 = arith.constant 0 : i32
    %c0_i32_1 = arith.constant 0 : i32
    return %c0_i32, %c0_i32_0 : i32, i32
  }
  func.func @transform_8(%arg0: i32) -> (i32, i32) {
    %c0_i32 = arith.constant 0 : i32
    %c0_i32_0 = arith.constant 0 : i32
    %c0_i32_1 = arith.constant 0 : i32
    return %c0_i32, %c0_i32_0 : i32, i32
  }
  func.func @transform_9(%arg0: i32) -> (i32, i32) {
    %c0_i32 = arith.constant 0 : i32
    %c0_i32_0 = arith.constant 0 : i32
    %c0_i32_1 = arith.constant 0 : i32
    return %c0_i32, %c0_i32_0 : i32, i32
  }
  func.func @transform_10(%arg0: i32) -> (i32, i32) {
    %c0_i32 = arith.constant 0 : i32
    %c0_i32_0 = arith.constant 0 : i32
    %c0_i32_1 = arith.constant 0 : i32
    return %c0_i32, %c0_i32_0 : i32, i32
  }
  func.func @transform_11(%arg0: i32) -> (i32, i32) {
    %c0_i32 = arith.constant 0 : i32
    %c0_i32_0 = arith.constant 0 : i32
    return %arg0, %c0_i32 : i32, i32
  }
  func.func @transform_12(%arg0: i32) -> (i32, i32) {
    %c0_i32 = arith.constant 0 : i32
    %c0_i32_0 = arith.constant 0 : i32
    return %arg0, %c0_i32 : i32, i32
  }
  func.func @transform_13(%arg0: i32) -> (i32, i32) {
    %c0_i32 = arith.constant 0 : i32
    %c0_i32_0 = arith.constant 0 : i32
    return %arg0, %c0_i32 : i32, i32
  }
}

module attributes {stable_mosaic.version = 14 : i64} {
  func.func @_k3_body(%arg0: i32, %arg1: memref<2048x1024xf32, #tpu.memory_space<vmem>>, %arg2: memref<2048x128xf32, #tpu.memory_space<vmem>>, %arg3: memref<64x512xf32, #tpu.memory_space<vmem>>, %arg4: memref<64x16xf32, #tpu.memory_space<vmem>>, %arg5: memref<2048x1xf32, #tpu.memory_space<vmem>>, %arg6: memref<2048x1xi32, #tpu.memory_space<vmem>>, %arg7: memref<128x8xf32, #tpu.memory_space<vmem>>, %arg8: memref<512x8xf32, #tpu.memory_space<vmem>>, %arg9: memref<2048x64xf32, #tpu.memory_space<vmem>>, %arg10: memref<1536x256xf32, #tpu.memory_space<vmem>>, %arg11: memref<1x256xf32, #tpu.memory_space<vmem>>, %arg12: memref<64x256xf32, #tpu.memory_space<vmem>>, %arg13: memref<64x1536xf32, #tpu.memory_space<vmem>>) attributes {dimension_semantics = [#tpu.dimension_semantics<arbitrary>], iteration_bounds = array<i64: 64>, scalar_prefetch = 0 : i64, scratch_operands = 1 : i64, tpu.core_type = #tpu.core_type<tc>, window_params = [{transform_indices = @transform_0, window_bounds = array<i64: 2048, 1024>}, {transform_indices = @transform_1, window_bounds = array<i64: 2048, 128>}, {transform_indices = @transform_2, window_bounds = array<i64: 64, 512>}, {transform_indices = @transform_3, window_bounds = array<i64: 64, 16>}, {transform_indices = @transform_4, window_bounds = array<i64: 2048, 1>}, {transform_indices = @transform_5, window_bounds = array<i64: 2048, 1>}, {pipeline_mode = #tpu.pipeline_mode<synchronous>, transform_indices = @transform_6, window_bounds = array<i64: 128, 8>}, {pipeline_mode = #tpu.pipeline_mode<synchronous>, transform_indices = @transform_7, window_bounds = array<i64: 512, 8>}, {pipeline_mode = #tpu.pipeline_mode<synchronous>, transform_indices = @transform_8, window_bounds = array<i64: 2048, 64>}, {pipeline_mode = #tpu.pipeline_mode<synchronous>, transform_indices = @transform_9, window_bounds = array<i64: 1536, 256>}, {pipeline_mode = #tpu.pipeline_mode<synchronous>, transform_indices = @transform_10, window_bounds = array<i64: 1, 256>}, {transform_indices = @transform_11, window_bounds = array<i64: 64, 256>}]} {
    %get3A = arith.constant 0 : index
    %get3A_0 = arith.constant 0 : index
    %get3A_1 = vector.load %arg3[%get3A, %get3A_0] : memref<64x512xf32, #tpu.memory_space<vmem>>, vector<64x512xf32>
    %reshape3A = vector.shape_cast %get3A_1 : vector<64x512xf32> to vector<64x1x512xf32>
    %broadcast_in_dim3A = vector.shape_cast %reshape3A : vector<64x1x512xf32> to vector<64x1x512xf32>
    %broadcast_in_dim3A_2 = vector.broadcast %broadcast_in_dim3A : vector<64x1x512xf32> to vector<64x32x512xf32>
    %reshape3A_3 = vector.shape_cast %broadcast_in_dim3A_2 : vector<64x32x512xf32> to vector<2048x512xf32>
    %get3A_4 = arith.constant 0 : index
    %get3A_5 = arith.constant 0 : index
    %get3A_6 = vector.load %arg1[%get3A_4, %get3A_5] : memref<2048x1024xf32, #tpu.memory_space<vmem>>, vector<2048x512xf32>
    %mul3A = arith.mulf %get3A_6, %reshape3A_3 : vector<2048x512xf32>
    %get3A_7 = arith.constant 0 : index
    %get3A_8 = arith.constant 0 : index
    %get3A_9 = vector.load %arg8[%get3A_7, %get3A_8] : memref<512x8xf32, #tpu.memory_space<vmem>>, vector<512x8xf32>
    %dot_general3A = arith.constant dense<0.000000e+00> : vector<2048x8xf32>
    %dot_general3A_10 = tpu.matmul %mul3A, %get3A_9, %dot_general3A {dimension_numbers = #tpu.dot_dimension_numbers<[1], [0], [0], [1], [0, 0, 1, 1], [], []>, precision = #tpu.contract_precision<fp32>, transpose_lhs_hint = false} : vector<2048x512xf32>, vector<512x8xf32>, vector<2048x8xf32> -> vector<2048x8xf32>
    %get3A_11 = arith.constant 0 : index
    %get3A_12 = arith.constant 0 : index
    %get3A_13 = vector.load %arg2[%get3A_11, %get3A_12] : memref<2048x128xf32, #tpu.memory_space<vmem>>, vector<2048x128xf32>
    %get3A_14 = arith.constant 0 : index
    %get3A_15 = arith.constant 0 : index
    %get3A_16 = vector.load %arg7[%get3A_14, %get3A_15] : memref<128x8xf32, #tpu.memory_space<vmem>>, vector<128x8xf32>
    %dot_general3A_17 = arith.constant dense<0.000000e+00> : vector<2048x8xf32>
    %dot_general3A_18 = tpu.matmul %get3A_13, %get3A_16, %dot_general3A_17 {dimension_numbers = #tpu.dot_dimension_numbers<[1], [0], [0], [1], [0, 0, 1, 1], [], []>, precision = #tpu.contract_precision<fp32>, transpose_lhs_hint = false} : vector<2048x128xf32>, vector<128x8xf32>, vector<2048x8xf32> -> vector<2048x8xf32>
    %add3A = arith.addf %dot_general3A_10, %dot_general3A_18 : vector<2048x8xf32>
    %get3A_19 = arith.constant 0 : index
    %get3A_20 = arith.constant 0 : index
    %get3A_21 = vector.load %arg5[%get3A_19, %get3A_20] : memref<2048x1xf32, #tpu.memory_space<vmem>>, vector<2048x1xf32>
    %get3A_22 = arith.constant 0 : index
    %get3A_23 = arith.constant 0 : index
    %get3A_24 = vector.load %arg6[%get3A_22, %get3A_23] : memref<2048x1xi32, #tpu.memory_space<vmem>>, vector<2048x1xi32>
    %ne3A = arith.constant -1 : i32
    %ne3A_25 = vector.broadcast %ne3A : i32 to vector<2048x1xi32>
    %ne3A_26 = arith.cmpi ne, %get3A_24, %ne3A_25 : vector<2048x1xi32>
    %convert_element_type3A = arith.extui %ne3A_26 : vector<2048x1xi1> to vector<2048x1xi32>
    %convert_element_type3A_27 = arith.sitofp %convert_element_type3A : vector<2048x1xi32> to vector<2048x1xf32>
    %mul3A_28 = arith.mulf %get3A_21, %convert_element_type3A_27 : vector<2048x1xf32>
    %sub3A = arith.constant 1.000000e+00 : f32
    %sub3A_29 = vector.broadcast %sub3A : f32 to vector<2048x1xf32>
    %sub3A_30 = arith.subf %mul3A_28, %sub3A_29 : vector<2048x1xf32>
    %mul3A_31 = arith.constant 1.000000e+09 : f32
    %mul3A_32 = vector.broadcast %mul3A_31 : f32 to vector<2048x1xf32>
    %mul3A_33 = arith.mulf %sub3A_30, %mul3A_32 : vector<2048x1xf32>
    %add3A_34 = vector.broadcast %mul3A_33 : vector<2048x1xf32> to vector<2048x8xf32>
    %add3A_35 = arith.addf %add3A, %add3A_34 : vector<2048x8xf32>
    %reshape3A_36 = vector.shape_cast %add3A_35 : vector<2048x8xf32> to vector<64x32x8xf32>
    %reduce_max3A = arith.constant dense<0xFF800000> : vector<64x8xf32>
    %reduce_max3A_37 = vector.multi_reduction <maximumf>, %reshape3A_36, %reduce_max3A [1] : vector<64x32x8xf32> to vector<64x8xf32>
    %broadcast_in_dim3A_38 = vector.shape_cast %reduce_max3A_37 : vector<64x8xf32> to vector<64x1x8xf32>
    %sub3A_39 = vector.broadcast %broadcast_in_dim3A_38 : vector<64x1x8xf32> to vector<64x32x8xf32>
    %sub3A_40 = arith.subf %reshape3A_36, %sub3A_39 : vector<64x32x8xf32>
    %exp3A = math.exp %sub3A_40 : vector<64x32x8xf32>
    %reshape3A_41 = vector.shape_cast %mul3A_28 : vector<2048x1xf32> to vector<64x32x1xf32>
    %mul3A_42 = vector.broadcast %reshape3A_41 : vector<64x32x1xf32> to vector<64x32x8xf32>
    %mul3A_43 = arith.mulf %exp3A, %mul3A_42 : vector<64x32x8xf32>
    %reduce_sum3A = arith.constant dense<0.000000e+00> : vector<64x8xf32>
    %reduce_sum3A_44 = vector.multi_reduction <add>, %mul3A_43, %reduce_sum3A [1] : vector<64x32x8xf32> to vector<64x8xf32>
    %broadcast_in_dim3A_45 = vector.shape_cast %reduce_sum3A_44 : vector<64x8xf32> to vector<64x1x8xf32>
    %max3A = arith.constant 9.99999968E-21 : f32
    %max3A_46 = vector.broadcast %max3A : f32 to vector<64x1x8xf32>
    %max3A_47 = arith.maximumf %broadcast_in_dim3A_45, %max3A_46 : vector<64x1x8xf32>
    %div3A = vector.broadcast %max3A_47 : vector<64x1x8xf32> to vector<64x32x8xf32>
    %div3A_48 = arith.divf %mul3A_43, %div3A : vector<64x32x8xf32>
    %reshape3A_49 = vector.shape_cast %div3A_48 : vector<64x32x8xf32> to vector<2048x8xf32>
    %get3A_50 = arith.constant 0 : index
    %get3A_51 = arith.constant 0 : index
    %get3A_52 = vector.load %arg4[%get3A_50, %get3A_51] : memref<64x16xf32, #tpu.memory_space<vmem>>, vector<64x16xf32>
    %slice3A = vector.extract_strided_slice %get3A_52 {offsets = [0, 0], sizes = [64, 1], strides = [1, 1]} : vector<64x16xf32> to vector<64x1xf32>
    %slice3A_53 = vector.extract_strided_slice %get3A_52 {offsets = [0, 1], sizes = [64, 1], strides = [1, 1]} : vector<64x16xf32> to vector<64x1xf32>
    %slice3A_54 = vector.extract_strided_slice %get3A_52 {offsets = [0, 2], sizes = [64, 1], strides = [1, 1]} : vector<64x16xf32> to vector<64x1xf32>
    %slice3A_55 = vector.extract_strided_slice %get3A_52 {offsets = [0, 3], sizes = [64, 1], strides = [1, 1]} : vector<64x16xf32> to vector<64x1xf32>
    %slice3A_56 = vector.extract_strided_slice %get3A_52 {offsets = [0, 4], sizes = [64, 1], strides = [1, 1]} : vector<64x16xf32> to vector<64x1xf32>
    %slice3A_57 = vector.extract_strided_slice %get3A_52 {offsets = [0, 5], sizes = [64, 1], strides = [1, 1]} : vector<64x16xf32> to vector<64x1xf32>
    %slice3A_58 = vector.extract_strided_slice %get3A_52 {offsets = [0, 6], sizes = [64, 1], strides = [1, 1]} : vector<64x16xf32> to vector<64x1xf32>
    %slice3A_59 = vector.extract_strided_slice %get3A_52 {offsets = [0, 7], sizes = [64, 1], strides = [1, 1]} : vector<64x16xf32> to vector<64x1xf32>
    %slice3A_60 = vector.extract_strided_slice %get3A_52 {offsets = [0, 8], sizes = [64, 1], strides = [1, 1]} : vector<64x16xf32> to vector<64x1xf32>
    %slice3A_61 = vector.extract_strided_slice %get3A_52 {offsets = [0, 9], sizes = [64, 1], strides = [1, 1]} : vector<64x16xf32> to vector<64x1xf32>
    %slice3A_62 = vector.extract_strided_slice %get3A_52 {offsets = [0, 10], sizes = [64, 1], strides = [1, 1]} : vector<64x16xf32> to vector<64x1xf32>
    %slice3A_63 = vector.extract_strided_slice %get3A_52 {offsets = [0, 11], sizes = [64, 1], strides = [1, 1]} : vector<64x16xf32> to vector<64x1xf32>
    %get3A_64 = arith.constant 0 : index
    %get3A_65 = arith.constant 0 : index
    %get3A_66 = vector.load %arg9[%get3A_64, %get3A_65] : memref<2048x64xf32, #tpu.memory_space<vmem>>, vector<2048x64xf32>
    %get3A_67 = arith.constant 0 : index
    %get3A_68 = arith.constant 0 : index
    %get3A_69 = vector.load %arg2[%get3A_67, %get3A_68] : memref<2048x128xf32, #tpu.memory_space<vmem>>, vector<2048x128xf32>
    %slice3A_70 = vector.extract_strided_slice %reshape3A_49 {offsets = [0, 0], sizes = [2048, 1], strides = [1, 1]} : vector<2048x8xf32> to vector<2048x1xf32>
    %mul3A_71 = vector.broadcast %slice3A_70 : vector<2048x1xf32> to vector<2048x64xf32>
    %mul3A_72 = arith.mulf %mul3A_71, %get3A_66 : vector<2048x64xf32>
    %dot_general3A_73 = arith.constant dense<0.000000e+00> : vector<64x128xf32>
    %dot_general3A_74 = tpu.matmul %mul3A_72, %get3A_69, %dot_general3A_73 {dimension_numbers = #tpu.dot_dimension_numbers<[0], [0], [1], [1], [0, 1, 1, 1], [], []>, transpose_lhs_hint = false} : vector<2048x64xf32>, vector<2048x128xf32>, vector<64x128xf32> -> vector<64x128xf32>
    %swap3A = arith.constant 0 : index
    %swap3A_75 = arith.constant 0 : index
    %swap3A_76 = vector.load %arg13[%swap3A, %swap3A_75] : memref<64x1536xf32, #tpu.memory_space<vmem>>, vector<64x128xf32>
    tpu.vector_store %arg13[%swap3A, %swap3A_75], %dot_general3A_74 {strides = array<i32>} : memref<64x1536xf32, #tpu.memory_space<vmem>>, vector<64x128xf32>,
    %get3A_77 = arith.constant 0 : index
    %get3A_78 = arith.constant 512 : index
    %get3A_79 = vector.load %arg1[%get3A_77, %get3A_78] : memref<2048x1024xf32, #tpu.memory_space<vmem>>, vector<2048x64xf32>
    %dot_general3A_80 = arith.constant dense<0.000000e+00> : vector<64x64xf32>
    %dot_general3A_81 = tpu.matmul %mul3A_72, %get3A_79, %dot_general3A_80 {dimension_numbers = #tpu.dot_dimension_numbers<[0], [0], [1], [1], [0, 1, 1, 1], [], []>, transpose_lhs_hint = false} : vector<2048x64xf32>, vector<2048x64xf32>, vector<64x64xf32> -> vector<64x64xf32>
    %slice3A_82 = vector.extract_strided_slice %dot_general3A_81 {offsets = [0, 0], sizes = [64, 32], strides = [1, 1]} : vector<64x64xf32> to vector<64x32xf32>
    %swap3A_83 = arith.constant 0 : index
    %swap3A_84 = arith.constant 1024 : index
    %swap3A_85 = vector.load %arg13[%swap3A_83, %swap3A_84] : memref<64x1536xf32, #tpu.memory_space<vmem>>, vector<64x32xf32>
    tpu.vector_store %arg13[%swap3A_83, %swap3A_84], %slice3A_82 {strides = array<i32>} : memref<64x1536xf32, #tpu.memory_space<vmem>>, vector<64x32xf32>,
    %slice3A_86 = vector.extract_strided_slice %dot_general3A_81 {offsets = [0, 32], sizes = [64, 8], strides = [1, 1]} : vector<64x64xf32> to vector<64x8xf32>
    %sub3A_87 = vector.broadcast %slice3A_61 : vector<64x1xf32> to vector<64x8xf32>
    %sub3A_88 = arith.subf %slice3A_86, %sub3A_87 : vector<64x8xf32>
    %slice3A_89 = vector.extract_strided_slice %dot_general3A_81 {offsets = [0, 40], sizes = [64, 8], strides = [1, 1]} : vector<64x64xf32> to vector<64x8xf32>
    %sub3A_90 = vector.broadcast %slice3A_62 : vector<64x1xf32> to vector<64x8xf32>
    %sub3A_91 = arith.subf %slice3A_89, %sub3A_90 : vector<64x8xf32>
    %slice3A_92 = vector.extract_strided_slice %dot_general3A_81 {offsets = [0, 48], sizes = [64, 8], strides = [1, 1]} : vector<64x64xf32> to vector<64x8xf32>
    %sub3A_93 = vector.broadcast %slice3A_63 : vector<64x1xf32> to vector<64x8xf32>
    %sub3A_94 = arith.subf %slice3A_92, %sub3A_93 : vector<64x8xf32>
    %mul3A_95 = vector.broadcast %slice3A : vector<64x1xf32> to vector<64x8xf32>
    %mul3A_96 = arith.mulf %mul3A_95, %sub3A_88 : vector<64x8xf32>
    %mul3A_97 = vector.broadcast %slice3A_53 : vector<64x1xf32> to vector<64x8xf32>
    %mul3A_98 = arith.mulf %mul3A_97, %sub3A_91 : vector<64x8xf32>
    %add3A_99 = arith.addf %mul3A_96, %mul3A_98 : vector<64x8xf32>
    %mul3A_100 = vector.broadcast %slice3A_54 : vector<64x1xf32> to vector<64x8xf32>
    %mul3A_101 = arith.mulf %mul3A_100, %sub3A_94 : vector<64x8xf32>
    %add3A_102 = arith.addf %add3A_99, %mul3A_101 : vector<64x8xf32>
    %mul3A_103 = vector.broadcast %slice3A_55 : vector<64x1xf32> to vector<64x8xf32>
    %mul3A_104 = arith.mulf %mul3A_103, %sub3A_88 : vector<64x8xf32>
    %mul3A_105 = vector.broadcast %slice3A_56 : vector<64x1xf32> to vector<64x8xf32>
    %mul3A_106 = arith.mulf %mul3A_105, %sub3A_91 : vector<64x8xf32>
    %add3A_107 = arith.addf %mul3A_104, %mul3A_106 : vector<64x8xf32>
    %mul3A_108 = vector.broadcast %slice3A_57 : vector<64x1xf32> to vector<64x8xf32>
    %mul3A_109 = arith.mulf %mul3A_108, %sub3A_94 : vector<64x8xf32>
    %add3A_110 = arith.addf %add3A_107, %mul3A_109 : vector<64x8xf32>
    %mul3A_111 = vector.broadcast %slice3A_58 : vector<64x1xf32> to vector<64x8xf32>
    %mul3A_112 = arith.mulf %mul3A_111, %sub3A_88 : vector<64x8xf32>
    %mul3A_113 = vector.broadcast %slice3A_59 : vector<64x1xf32> to vector<64x8xf32>
    %mul3A_114 = arith.mulf %mul3A_113, %sub3A_91 : vector<64x8xf32>
    %add3A_115 = arith.addf %mul3A_112, %mul3A_114 : vector<64x8xf32>
    %mul3A_116 = vector.broadcast %slice3A_60 : vector<64x1xf32> to vector<64x8xf32>
    %mul3A_117 = arith.mulf %mul3A_116, %sub3A_94 : vector<64x8xf32>
    %add3A_118 = arith.addf %add3A_115, %mul3A_117 : vector<64x8xf32>
    %swap3A_119 = arith.constant 0 : index
    %swap3A_120 = arith.constant 1280 : index
    %swap3A_121 = vector.load %arg13[%swap3A_119, %swap3A_120] : memref<64x1536xf32, #tpu.memory_space<vmem>>, vector<64x8xf32>
    tpu.vector_store %arg13[%swap3A_119, %swap3A_120], %add3A_102 {strides = array<i32>} : memref<64x1536xf32, #tpu.memory_space<vmem>>, vector<64x8xf32>,
    %swap3A_122 = arith.constant 0 : index
    %swap3A_123 = arith.constant 1288 : index
    %swap3A_124 = vector.load %arg13[%swap3A_122, %swap3A_123] : memref<64x1536xf32, #tpu.memory_space<vmem>>, vector<64x8xf32>
    tpu.vector_store %arg13[%swap3A_122, %swap3A_123], %add3A_110 {strides = array<i32>} : memref<64x1536xf32, #tpu.memory_space<vmem>>, vector<64x8xf32>,
    %swap3A_125 = arith.constant 0 : index
    %swap3A_126 = arith.constant 1296 : index
    %swap3A_127 = vector.load %arg13[%swap3A_125, %swap3A_126] : memref<64x1536xf32, #tpu.memory_space<vmem>>, vector<64x8xf32>
    tpu.vector_store %arg13[%swap3A_125, %swap3A_126], %add3A_118 {strides = array<i32>} : memref<64x1536xf32, #tpu.memory_space<vmem>>, vector<64x8xf32>,
    %mul3A_128 = arith.mulf %add3A_102, %add3A_102 : vector<64x8xf32>
    %mul3A_129 = arith.mulf %add3A_110, %add3A_110 : vector<64x8xf32>
    %add3A_130 = arith.addf %mul3A_128, %mul3A_129 : vector<64x8xf32>
    %mul3A_131 = arith.mulf %add3A_118, %add3A_118 : vector<64x8xf32>
    %add3A_132 = arith.addf %add3A_130, %mul3A_131 : vector<64x8xf32>
    %max3A_133 = arith.constant 9.99999997E-7 : f32
    %max3A_134 = vector.broadcast %max3A_133 : f32 to vector<64x8xf32>
    %max3A_135 = arith.maximumf %add3A_132, %max3A_134 : vector<64x8xf32>
    %sqrt3A = math.sqrt %max3A_135 : vector<64x8xf32>
    %swap3A_136 = arith.constant 0 : index
    %swap3A_137 = arith.constant 1472 : index
    %swap3A_138 = vector.load %arg13[%swap3A_136, %swap3A_137] : memref<64x1536xf32, #tpu.memory_space<vmem>>, vector<64x8xf32>
    tpu.vector_store %arg13[%swap3A_136, %swap3A_137], %sqrt3A {strides = array<i32>} : memref<64x1536xf32, #tpu.memory_space<vmem>>, vector<64x8xf32>,
    %slice3A_139 = vector.extract_strided_slice %reshape3A_49 {offsets = [0, 1], sizes = [2048, 1], strides = [1, 1]} : vector<2048x8xf32> to vector<2048x1xf32>
    %mul3A_140 = vector.broadcast %slice3A_139 : vector<2048x1xf32> to vector<2048x64xf32>
    %mul3A_141 = arith.mulf %mul3A_140, %get3A_66 : vector<2048x64xf32>
    %dot_general3A_142 = arith.constant dense<0.000000e+00> : vector<64x128xf32>
    %dot_general3A_143 = tpu.matmul %mul3A_141, %get3A_69, %dot_general3A_142 {dimension_numbers = #tpu.dot_dimension_numbers<[0], [0], [1], [1], [0, 1, 1, 1], [], []>, transpose_lhs_hint = false} : vector<2048x64xf32>, vector<2048x128xf32>, vector<64x128xf32> -> vector<64x128xf32>
    %swap3A_144 = arith.constant 0 : index
    %swap3A_145 = arith.constant 128 : index
    %swap3A_146 = vector.load %arg13[%swap3A_144, %swap3A_145] : memref<64x1536xf32, #tpu.memory_space<vmem>>, vector<64x128xf32>
    tpu.vector_store %arg13[%swap3A_144, %swap3A_145], %dot_general3A_143 {strides = array<i32>} : memref<64x1536xf32, #tpu.memory_space<vmem>>, vector<64x128xf32>,
    %get3A_147 = arith.constant 0 : index
    %get3A_148 = arith.constant 576 : index
    %get3A_149 = vector.load %arg1[%get3A_147, %get3A_148] : memref<2048x1024xf32, #tpu.memory_space<vmem>>, vector<2048x64xf32>
    %dot_general3A_150 = arith.constant dense<0.000000e+00> : vector<64x64xf32>
    %dot_general3A_151 = tpu.matmul %mul3A_141, %get3A_149, %dot_general3A_150 {dimension_numbers = #tpu.dot_dimension_numbers<[0], [0], [1], [1], [0, 1, 1, 1], [], []>, transpose_lhs_hint = false} : vector<2048x64xf32>, vector<2048x64xf32>, vector<64x64xf32> -> vector<64x64xf32>
    %slice3A_152 = vector.extract_strided_slice %dot_general3A_151 {offsets = [0, 0], sizes = [64, 32], strides = [1, 1]} : vector<64x64xf32> to vector<64x32xf32>
    %swap3A_153 = arith.constant 0 : index
    %swap3A_154 = arith.constant 1056 : index
    %swap3A_155 = vector.load %arg13[%swap3A_153, %swap3A_154] : memref<64x1536xf32, #tpu.memory_space<vmem>>, vector<64x32xf32>
    tpu.vector_store %arg13[%swap3A_153, %swap3A_154], %slice3A_152 {strides = array<i32>} : memref<64x1536xf32, #tpu.memory_space<vmem>>, vector<64x32xf32>,
    %slice3A_156 = vector.extract_strided_slice %dot_general3A_151 {offsets = [0, 32], sizes = [64, 8], strides = [1, 1]} : vector<64x64xf32> to vector<64x8xf32>
    %sub3A_157 = vector.broadcast %slice3A_61 : vector<64x1xf32> to vector<64x8xf32>
    %sub3A_158 = arith.subf %slice3A_156, %sub3A_157 : vector<64x8xf32>
    %slice3A_159 = vector.extract_strided_slice %dot_general3A_151 {offsets = [0, 40], sizes = [64, 8], strides = [1, 1]} : vector<64x64xf32> to vector<64x8xf32>
    %sub3A_160 = vector.broadcast %slice3A_62 : vector<64x1xf32> to vector<64x8xf32>
    %sub3A_161 = arith.subf %slice3A_159, %sub3A_160 : vector<64x8xf32>
    %slice3A_162 = vector.extract_strided_slice %dot_general3A_151 {offsets = [0, 48], sizes = [64, 8], strides = [1, 1]} : vector<64x64xf32> to vector<64x8xf32>
    %sub3A_163 = vector.broadcast %slice3A_63 : vector<64x1xf32> to vector<64x8xf32>
    %sub3A_164 = arith.subf %slice3A_162, %sub3A_163 : vector<64x8xf32>
    %mul3A_165 = vector.broadcast %slice3A : vector<64x1xf32> to vector<64x8xf32>
    %mul3A_166 = arith.mulf %mul3A_165, %sub3A_158 : vector<64x8xf32>
    %mul3A_167 = vector.broadcast %slice3A_53 : vector<64x1xf32> to vector<64x8xf32>
    %mul3A_168 = arith.mulf %mul3A_167, %sub3A_161 : vector<64x8xf32>
    %add3A_169 = arith.addf %mul3A_166, %mul3A_168 : vector<64x8xf32>
    %mul3A_170 = vector.broadcast %slice3A_54 : vector<64x1xf32> to vector<64x8xf32>
    %mul3A_171 = arith.mulf %mul3A_170, %sub3A_164 : vector<64x8xf32>
    %add3A_172 = arith.addf %add3A_169, %mul3A_171 : vector<64x8xf32>
    %mul3A_173 = vector.broadcast %slice3A_55 : vector<64x1xf32> to vector<64x8xf32>
    %mul3A_174 = arith.mulf %mul3A_173, %sub3A_158 : vector<64x8xf32>
    %mul3A_175 = vector.broadcast %slice3A_56 : vector<64x1xf32> to vector<64x8xf32>
    %mul3A_176 = arith.mulf %mul3A_175, %sub3A_161 : vector<64x8xf32>
    %add3A_177 = arith.addf %mul3A_174, %mul3A_176 : vector<64x8xf32>
    %mul3A_178 = vector.broadcast %slice3A_57 : vector<64x1xf32> to vector<64x8xf32>
    %mul3A_179 = arith.mulf %mul3A_178, %sub3A_164 : vector<64x8xf32>
    %add3A_180 = arith.addf %add3A_177, %mul3A_179 : vector<64x8xf32>
    %mul3A_181 = vector.broadcast %slice3A_58 : vector<64x1xf32> to vector<64x8xf32>
    %mul3A_182 = arith.mulf %mul3A_181, %sub3A_158 : vector<64x8xf32>
    %mul3A_183 = vector.broadcast %slice3A_59 : vector<64x1xf32> to vector<64x8xf32>
    %mul3A_184 = arith.mulf %mul3A_183, %sub3A_161 : vector<64x8xf32>
    %add3A_185 = arith.addf %mul3A_182, %mul3A_184 : vector<64x8xf32>
    %mul3A_186 = vector.broadcast %slice3A_60 : vector<64x1xf32> to vector<64x8xf32>
    %mul3A_187 = arith.mulf %mul3A_186, %sub3A_164 : vector<64x8xf32>
    %add3A_188 = arith.addf %add3A_185, %mul3A_187 : vector<64x8xf32>
    %swap3A_189 = arith.constant 0 : index
    %swap3A_190 = arith.constant 1304 : index
    %swap3A_191 = vector.load %arg13[%swap3A_189, %swap3A_190] : memref<64x1536xf32, #tpu.memory_space<vmem>>, vector<64x8xf32>
    tpu.vector_store %arg13[%swap3A_189, %swap3A_190], %add3A_172 {strides = array<i32>} : memref<64x1536xf32, #tpu.memory_space<vmem>>, vector<64x8xf32>,
    %swap3A_192 = arith.constant 0 : index
    %swap3A_193 = arith.constant 1312 : index
    %swap3A_194 = vector.load %arg13[%swap3A_192, %swap3A_193] : memref<64x1536xf32, #tpu.memory_space<vmem>>, vector<64x8xf32>
    tpu.vector_store %arg13[%swap3A_192, %swap3A_193], %add3A_180 {strides = array<i32>} : memref<64x1536xf32, #tpu.memory_space<vmem>>, vector<64x8xf32>,
    %swap3A_195 = arith.constant 0 : index
    %swap3A_196 = arith.constant 1320 : index
    %swap3A_197 = vector.load %arg13[%swap3A_195, %swap3A_196] : memref<64x1536xf32, #tpu.memory_space<vmem>>, vector<64x8xf32>
    tpu.vector_store %arg13[%swap3A_195, %swap3A_196], %add3A_188 {strides = array<i32>} : memref<64x1536xf32, #tpu.memory_space<vmem>>, vector<64x8xf32>,
    %mul3A_198 = arith.mulf %add3A_172, %add3A_172 : vector<64x8xf32>
    %mul3A_199 = arith.mulf %add3A_180, %add3A_180 : vector<64x8xf32>
    %add3A_200 = arith.addf %mul3A_198, %mul3A_199 : vector<64x8xf32>
    %mul3A_201 = arith.mulf %add3A_188, %add3A_188 : vector<64x8xf32>
    %add3A_202 = arith.addf %add3A_200, %mul3A_201 : vector<64x8xf32>
    %max3A_203 = arith.constant 9.99999997E-7 : f32
    %max3A_204 = vector.broadcast %max3A_203 : f32 to vector<64x8xf32>
    %max3A_205 = arith.maximumf %add3A_202, %max3A_204 : vector<64x8xf32>
    %sqrt3A_206 = math.sqrt %max3A_205 : vector<64x8xf32>
    %swap3A_207 = arith.constant 0 : index
    %swap3A_208 = arith.constant 1480 : index
    %swap3A_209 = vector.load %arg13[%swap3A_207, %swap3A_208] : memref<64x1536xf32, #tpu.memory_space<vmem>>, vector<64x8xf32>
    tpu.vector_store %arg13[%swap3A_207, %swap3A_208], %sqrt3A_206 {strides = array<i32>} : memref<64x1536xf32, #tpu.memory_space<vmem>>, vector<64x8xf32>,
    %slice3A_210 = vector.extract_strided_slice %reshape3A_49 {offsets = [0, 2], sizes = [2048, 1], strides = [1, 1]} : vector<2048x8xf32> to vector<2048x1xf32>
    %mul3A_211 = vector.broadcast %slice3A_210 : vector<2048x1xf32> to vector<2048x64xf32>
    %mul3A_212 = arith.mulf %mul3A_211, %get3A_66 : vector<2048x64xf32>
    %dot_general3A_213 = arith.constant dense<0.000000e+00> : vector<64x128xf32>
    %dot_general3A_214 = tpu.matmul %mul3A_212, %get3A_69, %dot_general3A_213 {dimension_numbers = #tpu.dot_dimension_numbers<[0], [0], [1], [1], [0, 1, 1, 1], [], []>, transpose_lhs_hint = false} : vector<2048x64xf32>, vector<2048x128xf32>, vector<64x128xf32> -> vector<64x128xf32>
    %swap3A_215 = arith.constant 0 : index
    %swap3A_216 = arith.constant 256 : index
    %swap3A_217 = vector.load %arg13[%swap3A_215, %swap3A_216] : memref<64x1536xf32, #tpu.memory_space<vmem>>, vector<64x128xf32>
    tpu.vector_store %arg13[%swap3A_215, %swap3A_216], %dot_general3A_214 {strides = array<i32>} : memref<64x1536xf32, #tpu.memory_space<vmem>>, vector<64x128xf32>,
    %get3A_218 = arith.constant 0 : index
    %get3A_219 = arith.constant 640 : index
    %get3A_220 = vector.load %arg1[%get3A_218, %get3A_219] : memref<2048x1024xf32, #tpu.memory_space<vmem>>, vector<2048x64xf32>
    %dot_general3A_221 = arith.constant dense<0.000000e+00> : vector<64x64xf32>
    %dot_general3A_222 = tpu.matmul %mul3A_212, %get3A_220, %dot_general3A_221 {dimension_numbers = #tpu.dot_dimension_numbers<[0], [0], [1], [1], [0, 1, 1, 1], [], []>, transpose_lhs_hint = false} : vector<2048x64xf32>, vector<2048x64xf32>, vector<64x64xf32> -> vector<64x64xf32>
    %slice3A_223 = vector.extract_strided_slice %dot_general3A_222 {offsets = [0, 0], sizes = [64, 32], strides = [1, 1]} : vector<64x64xf32> to vector<64x32xf32>
    %swap3A_224 = arith.constant 0 : index
    %swap3A_225 = arith.constant 1088 : index
    %swap3A_226 = vector.load %arg13[%swap3A_224, %swap3A_225] : memref<64x1536xf32, #tpu.memory_space<vmem>>, vector<64x32xf32>
    tpu.vector_store %arg13[%swap3A_224, %swap3A_225], %slice3A_223 {strides = array<i32>} : memref<64x1536xf32, #tpu.memory_space<vmem>>, vector<64x32xf32>,
    %slice3A_227 = vector.extract_strided_slice %dot_general3A_222 {offsets = [0, 32], sizes = [64, 8], strides = [1, 1]} : vector<64x64xf32> to vector<64x8xf32>
    %sub3A_228 = vector.broadcast %slice3A_61 : vector<64x1xf32> to vector<64x8xf32>
    %sub3A_229 = arith.subf %slice3A_227, %sub3A_228 : vector<64x8xf32>
    %slice3A_230 = vector.extract_strided_slice %dot_general3A_222 {offsets = [0, 40], sizes = [64, 8], strides = [1, 1]} : vector<64x64xf32> to vector<64x8xf32>
    %sub3A_231 = vector.broadcast %slice3A_62 : vector<64x1xf32> to vector<64x8xf32>
    %sub3A_232 = arith.subf %slice3A_230, %sub3A_231 : vector<64x8xf32>
    %slice3A_233 = vector.extract_strided_slice %dot_general3A_222 {offsets = [0, 48], sizes = [64, 8], strides = [1, 1]} : vector<64x64xf32> to vector<64x8xf32>
    %sub3A_234 = vector.broadcast %slice3A_63 : vector<64x1xf32> to vector<64x8xf32>
    %sub3A_235 = arith.subf %slice3A_233, %sub3A_234 : vector<64x8xf32>
    %mul3A_236 = vector.broadcast %slice3A : vector<64x1xf32> to vector<64x8xf32>
    %mul3A_237 = arith.mulf %mul3A_236, %sub3A_229 : vector<64x8xf32>
    %mul3A_238 = vector.broadcast %slice3A_53 : vector<64x1xf32> to vector<64x8xf32>
    %mul3A_239 = arith.mulf %mul3A_238, %sub3A_232 : vector<64x8xf32>
    %add3A_240 = arith.addf %mul3A_237, %mul3A_239 : vector<64x8xf32>
    %mul3A_241 = vector.broadcast %slice3A_54 : vector<64x1xf32> to vector<64x8xf32>
    %mul3A_242 = arith.mulf %mul3A_241, %sub3A_235 : vector<64x8xf32>
    %add3A_243 = arith.addf %add3A_240, %mul3A_242 : vector<64x8xf32>
    %mul3A_244 = vector.broadcast %slice3A_55 : vector<64x1xf32> to vector<64x8xf32>
    %mul3A_245 = arith.mulf %mul3A_244, %sub3A_229 : vector<64x8xf32>
    %mul3A_246 = vector.broadcast %slice3A_56 : vector<64x1xf32> to vector<64x8xf32>
    %mul3A_247 = arith.mulf %mul3A_246, %sub3A_232 : vector<64x8xf32>
    %add3A_248 = arith.addf %mul3A_245, %mul3A_247 : vector<64x8xf32>
    %mul3A_249 = vector.broadcast %slice3A_57 : vector<64x1xf32> to vector<64x8xf32>
    %mul3A_250 = arith.mulf %mul3A_249, %sub3A_235 : vector<64x8xf32>
    %add3A_251 = arith.addf %add3A_248, %mul3A_250 : vector<64x8xf32>
    %mul3A_252 = vector.broadcast %slice3A_58 : vector<64x1xf32> to vector<64x8xf32>
    %mul3A_253 = arith.mulf %mul3A_252, %sub3A_229 : vector<64x8xf32>
    %mul3A_254 = vector.broadcast %slice3A_59 : vector<64x1xf32> to vector<64x8xf32>
    %mul3A_255 = arith.mulf %mul3A_254, %sub3A_232 : vector<64x8xf32>
    %add3A_256 = arith.addf %mul3A_253, %mul3A_255 : vector<64x8xf32>
    %mul3A_257 = vector.broadcast %slice3A_60 : vector<64x1xf32> to vector<64x8xf32>
    %mul3A_258 = arith.mulf %mul3A_257, %sub3A_235 : vector<64x8xf32>
    %add3A_259 = arith.addf %add3A_256, %mul3A_258 : vector<64x8xf32>
    %swap3A_260 = arith.constant 0 : index
    %swap3A_261 = arith.constant 1328 : index
    %swap3A_262 = vector.load %arg13[%swap3A_260, %swap3A_261] : memref<64x1536xf32, #tpu.memory_space<vmem>>, vector<64x8xf32>
    tpu.vector_store %arg13[%swap3A_260, %swap3A_261], %add3A_243 {strides = array<i32>} : memref<64x1536xf32, #tpu.memory_space<vmem>>, vector<64x8xf32>,
    %swap3A_263 = arith.constant 0 : index
    %swap3A_264 = arith.constant 1336 : index
    %swap3A_265 = vector.load %arg13[%swap3A_263, %swap3A_264] : memref<64x1536xf32, #tpu.memory_space<vmem>>, vector<64x8xf32>
    tpu.vector_store %arg13[%swap3A_263, %swap3A_264], %add3A_251 {strides = array<i32>} : memref<64x1536xf32, #tpu.memory_space<vmem>>, vector<64x8xf32>,
    %swap3A_266 = arith.constant 0 : index
    %swap3A_267 = arith.constant 1344 : index
    %swap3A_268 = vector.load %arg13[%swap3A_266, %swap3A_267] : memref<64x1536xf32, #tpu.memory_space<vmem>>, vector<64x8xf32>
    tpu.vector_store %arg13[%swap3A_266, %swap3A_267], %add3A_259 {strides = array<i32>} : memref<64x1536xf32, #tpu.memory_space<vmem>>, vector<64x8xf32>,
    %mul3A_269 = arith.mulf %add3A_243, %add3A_243 : vector<64x8xf32>
    %mul3A_270 = arith.mulf %add3A_251, %add3A_251 : vector<64x8xf32>
    %add3A_271 = arith.addf %mul3A_269, %mul3A_270 : vector<64x8xf32>
    %mul3A_272 = arith.mulf %add3A_259, %add3A_259 : vector<64x8xf32>
    %add3A_273 = arith.addf %add3A_271, %mul3A_272 : vector<64x8xf32>
    %max3A_274 = arith.constant 9.99999997E-7 : f32
    %max3A_275 = vector.broadcast %max3A_274 : f32 to vector<64x8xf32>
    %max3A_276 = arith.maximumf %add3A_273, %max3A_275 : vector<64x8xf32>
    %sqrt3A_277 = math.sqrt %max3A_276 : vector<64x8xf32>
    %swap3A_278 = arith.constant 0 : index
    %swap3A_279 = arith.constant 1488 : index
    %swap3A_280 = vector.load %arg13[%swap3A_278, %swap3A_279] : memref<64x1536xf32, #tpu.memory_space<vmem>>, vector<64x8xf32>
    tpu.vector_store %arg13[%swap3A_278, %swap3A_279], %sqrt3A_277 {strides = array<i32>} : memref<64x1536xf32, #tpu.memory_space<vmem>>, vector<64x8xf32>,
    %slice3A_281 = vector.extract_strided_slice %reshape3A_49 {offsets = [0, 3], sizes = [2048, 1], strides = [1, 1]} : vector<2048x8xf32> to vector<2048x1xf32>
    %mul3A_282 = vector.broadcast %slice3A_281 : vector<2048x1xf32> to vector<2048x64xf32>
    %mul3A_283 = arith.mulf %mul3A_282, %get3A_66 : vector<2048x64xf32>
    %dot_general3A_284 = arith.constant dense<0.000000e+00> : vector<64x128xf32>
    %dot_general3A_285 = tpu.matmul %mul3A_283, %get3A_69, %dot_general3A_284 {dimension_numbers = #tpu.dot_dimension_numbers<[0], [0], [1], [1], [0, 1, 1, 1], [], []>, transpose_lhs_hint = false} : vector<2048x64xf32>, vector<2048x128xf32>, vector<64x128xf32> -> vector<64x128xf32>
    %swap3A_286 = arith.constant 0 : index
    %swap3A_287 = arith.constant 384 : index
    %swap3A_288 = vector.load %arg13[%swap3A_286, %swap3A_287] : memref<64x1536xf32, #tpu.memory_space<vmem>>, vector<64x128xf32>
    tpu.vector_store %arg13[%swap3A_286, %swap3A_287], %dot_general3A_285 {strides = array<i32>} : memref<64x1536xf32, #tpu.memory_space<vmem>>, vector<64x128xf32>,
    %get3A_289 = arith.constant 0 : index
    %get3A_290 = arith.constant 704 : index
    %get3A_291 = vector.load %arg1[%get3A_289, %get3A_290] : memref<2048x1024xf32, #tpu.memory_space<vmem>>, vector<2048x64xf32>
    %dot_general3A_292 = arith.constant dense<0.000000e+00> : vector<64x64xf32>
    %dot_general3A_293 = tpu.matmul %mul3A_283, %get3A_291, %dot_general3A_292 {dimension_numbers = #tpu.dot_dimension_numbers<[0], [0], [1], [1], [0, 1, 1, 1], [], []>, transpose_lhs_hint = false} : vector<2048x64xf32>, vector<2048x64xf32>, vector<64x64xf32> -> vector<64x64xf32>
    %slice3A_294 = vector.extract_strided_slice %dot_general3A_293 {offsets = [0, 0], sizes = [64, 32], strides = [1, 1]} : vector<64x64xf32> to vector<64x32xf32>
    %swap3A_295 = arith.constant 0 : index
    %swap3A_296 = arith.constant 1120 : index
    %swap3A_297 = vector.load %arg13[%swap3A_295, %swap3A_296] : memref<64x1536xf32, #tpu.memory_space<vmem>>, vector<64x32xf32>
    tpu.vector_store %arg13[%swap3A_295, %swap3A_296], %slice3A_294 {strides = array<i32>} : memref<64x1536xf32, #tpu.memory_space<vmem>>, vector<64x32xf32>,
    %slice3A_298 = vector.extract_strided_slice %dot_general3A_293 {offsets = [0, 32], sizes = [64, 8], strides = [1, 1]} : vector<64x64xf32> to vector<64x8xf32>
    %sub3A_299 = vector.broadcast %slice3A_61 : vector<64x1xf32> to vector<64x8xf32>
    %sub3A_300 = arith.subf %slice3A_298, %sub3A_299 : vector<64x8xf32>
    %slice3A_301 = vector.extract_strided_slice %dot_general3A_293 {offsets = [0, 40], sizes = [64, 8], strides = [1, 1]} : vector<64x64xf32> to vector<64x8xf32>
    %sub3A_302 = vector.broadcast %slice3A_62 : vector<64x1xf32> to vector<64x8xf32>
    %sub3A_303 = arith.subf %slice3A_301, %sub3A_302 : vector<64x8xf32>
    %slice3A_304 = vector.extract_strided_slice %dot_general3A_293 {offsets = [0, 48], sizes = [64, 8], strides = [1, 1]} : vector<64x64xf32> to vector<64x8xf32>
    %sub3A_305 = vector.broadcast %slice3A_63 : vector<64x1xf32> to vector<64x8xf32>
    %sub3A_306 = arith.subf %slice3A_304, %sub3A_305 : vector<64x8xf32>
    %mul3A_307 = vector.broadcast %slice3A : vector<64x1xf32> to vector<64x8xf32>
    %mul3A_308 = arith.mulf %mul3A_307, %sub3A_300 : vector<64x8xf32>
    %mul3A_309 = vector.broadcast %slice3A_53 : vector<64x1xf32> to vector<64x8xf32>
    %mul3A_310 = arith.mulf %mul3A_309, %sub3A_303 : vector<64x8xf32>
    %add3A_311 = arith.addf %mul3A_308, %mul3A_310 : vector<64x8xf32>
    %mul3A_312 = vector.broadcast %slice3A_54 : vector<64x1xf32> to vector<64x8xf32>
    %mul3A_313 = arith.mulf %mul3A_312, %sub3A_306 : vector<64x8xf32>
    %add3A_314 = arith.addf %add3A_311, %mul3A_313 : vector<64x8xf32>
    %mul3A_315 = vector.broadcast %slice3A_55 : vector<64x1xf32> to vector<64x8xf32>
    %mul3A_316 = arith.mulf %mul3A_315, %sub3A_300 : vector<64x8xf32>
    %mul3A_317 = vector.broadcast %slice3A_56 : vector<64x1xf32> to vector<64x8xf32>
    %mul3A_318 = arith.mulf %mul3A_317, %sub3A_303 : vector<64x8xf32>
    %add3A_319 = arith.addf %mul3A_316, %mul3A_318 : vector<64x8xf32>
    %mul3A_320 = vector.broadcast %slice3A_57 : vector<64x1xf32> to vector<64x8xf32>
    %mul3A_321 = arith.mulf %mul3A_320, %sub3A_306 : vector<64x8xf32>
    %add3A_322 = arith.addf %add3A_319, %mul3A_321 : vector<64x8xf32>
    %mul3A_323 = vector.broadcast %slice3A_58 : vector<64x1xf32> to vector<64x8xf32>
    %mul3A_324 = arith.mulf %mul3A_323, %sub3A_300 : vector<64x8xf32>
    %mul3A_325 = vector.broadcast %slice3A_59 : vector<64x1xf32> to vector<64x8xf32>
    %mul3A_326 = arith.mulf %mul3A_325, %sub3A_303 : vector<64x8xf32>
    %add3A_327 = arith.addf %mul3A_324, %mul3A_326 : vector<64x8xf32>
    %mul3A_328 = vector.broadcast %slice3A_60 : vector<64x1xf32> to vector<64x8xf32>
    %mul3A_329 = arith.mulf %mul3A_328, %sub3A_306 : vector<64x8xf32>
    %add3A_330 = arith.addf %add3A_327, %mul3A_329 : vector<64x8xf32>
    %swap3A_331 = arith.constant 0 : index
    %swap3A_332 = arith.constant 1352 : index
    %swap3A_333 = vector.load %arg13[%swap3A_331, %swap3A_332] : memref<64x1536xf32, #tpu.memory_space<vmem>>, vector<64x8xf32>
    tpu.vector_store %arg13[%swap3A_331, %swap3A_332], %add3A_314 {strides = array<i32>} : memref<64x1536xf32, #tpu.memory_space<vmem>>, vector<64x8xf32>,
    %swap3A_334 = arith.constant 0 : index
    %swap3A_335 = arith.constant 1360 : index
    %swap3A_336 = vector.load %arg13[%swap3A_334, %swap3A_335] : memref<64x1536xf32, #tpu.memory_space<vmem>>, vector<64x8xf32>
    tpu.vector_store %arg13[%swap3A_334, %swap3A_335], %add3A_322 {strides = array<i32>} : memref<64x1536xf32, #tpu.memory_space<vmem>>, vector<64x8xf32>,
    %swap3A_337 = arith.constant 0 : index
    %swap3A_338 = arith.constant 1368 : index
    %swap3A_339 = vector.load %arg13[%swap3A_337, %swap3A_338] : memref<64x1536xf32, #tpu.memory_space<vmem>>, vector<64x8xf32>
    tpu.vector_store %arg13[%swap3A_337, %swap3A_338], %add3A_330 {strides = array<i32>} : memref<64x1536xf32, #tpu.memory_space<vmem>>, vector<64x8xf32>,
    %mul3A_340 = arith.mulf %add3A_314, %add3A_314 : vector<64x8xf32>
    %mul3A_341 = arith.mulf %add3A_322, %add3A_322 : vector<64x8xf32>
    %add3A_342 = arith.addf %mul3A_340, %mul3A_341 : vector<64x8xf32>
    %mul3A_343 = arith.mulf %add3A_330, %add3A_330 : vector<64x8xf32>
    %add3A_344 = arith.addf %add3A_342, %mul3A_343 : vector<64x8xf32>
    %max3A_345 = arith.constant 9.99999997E-7 : f32
    %max3A_346 = vector.broadcast %max3A_345 : f32 to vector<64x8xf32>
    %max3A_347 = arith.maximumf %add3A_344, %max3A_346 : vector<64x8xf32>
    %sqrt3A_348 = math.sqrt %max3A_347 : vector<64x8xf32>
    %swap3A_349 = arith.constant 0 : index
    %swap3A_350 = arith.constant 1496 : index
    %swap3A_351 = vector.load %arg13[%swap3A_349, %swap3A_350] : memref<64x1536xf32, #tpu.memory_space<vmem>>, vector<64x8xf32>
    tpu.vector_store %arg13[%swap3A_349, %swap3A_350], %sqrt3A_348 {strides = array<i32>} : memref<64x1536xf32, #tpu.memory_space<vmem>>, vector<64x8xf32>,
    %slice3A_352 = vector.extract_strided_slice %reshape3A_49 {offsets = [0, 4], sizes = [2048, 1], strides = [1, 1]} : vector<2048x8xf32> to vector<2048x1xf32>
    %mul3A_353 = vector.broadcast %slice3A_352 : vector<2048x1xf32> to vector<2048x64xf32>
    %mul3A_354 = arith.mulf %mul3A_353, %get3A_66 : vector<2048x64xf32>
    %dot_general3A_355 = arith.constant dense<0.000000e+00> : vector<64x128xf32>
    %dot_general3A_356 = tpu.matmul %mul3A_354, %get3A_69, %dot_general3A_355 {dimension_numbers = #tpu.dot_dimension_numbers<[0], [0], [1], [1], [0, 1, 1, 1], [], []>, transpose_lhs_hint = false} : vector<2048x64xf32>, vector<2048x128xf32>, vector<64x128xf32> -> vector<64x128xf32>
    %swap3A_357 = arith.constant 0 : index
    %swap3A_358 = arith.constant 512 : index
    %swap3A_359 = vector.load %arg13[%swap3A_357, %swap3A_358] : memref<64x1536xf32, #tpu.memory_space<vmem>>, vector<64x128xf32>
    tpu.vector_store %arg13[%swap3A_357, %swap3A_358], %dot_general3A_356 {strides = array<i32>} : memref<64x1536xf32, #tpu.memory_space<vmem>>, vector<64x128xf32>,
    %get3A_360 = arith.constant 0 : index
    %get3A_361 = arith.constant 768 : index
    %get3A_362 = vector.load %arg1[%get3A_360, %get3A_361] : memref<2048x1024xf32, #tpu.memory_space<vmem>>, vector<2048x64xf32>
    %dot_general3A_363 = arith.constant dense<0.000000e+00> : vector<64x64xf32>
    %dot_general3A_364 = tpu.matmul %mul3A_354, %get3A_362, %dot_general3A_363 {dimension_numbers = #tpu.dot_dimension_numbers<[0], [0], [1], [1], [0, 1, 1, 1], [], []>, transpose_lhs_hint = false} : vector<2048x64xf32>, vector<2048x64xf32>, vector<64x64xf32> -> vector<64x64xf32>
    %slice3A_365 = vector.extract_strided_slice %dot_general3A_364 {offsets = [0, 0], sizes = [64, 32], strides = [1, 1]} : vector<64x64xf32> to vector<64x32xf32>
    %swap3A_366 = arith.constant 0 : index
    %swap3A_367 = arith.constant 1152 : index
    %swap3A_368 = vector.load %arg13[%swap3A_366, %swap3A_367] : memref<64x1536xf32, #tpu.memory_space<vmem>>, vector<64x32xf32>
    tpu.vector_store %arg13[%swap3A_366, %swap3A_367], %slice3A_365 {strides = array<i32>} : memref<64x1536xf32, #tpu.memory_space<vmem>>, vector<64x32xf32>,
    %slice3A_369 = vector.extract_strided_slice %dot_general3A_364 {offsets = [0, 32], sizes = [64, 8], strides = [1, 1]} : vector<64x64xf32> to vector<64x8xf32>
    %sub3A_370 = vector.broadcast %slice3A_61 : vector<64x1xf32> to vector<64x8xf32>
    %sub3A_371 = arith.subf %slice3A_369, %sub3A_370 : vector<64x8xf32>
    %slice3A_372 = vector.extract_strided_slice %dot_general3A_364 {offsets = [0, 40], sizes = [64, 8], strides = [1, 1]} : vector<64x64xf32> to vector<64x8xf32>
    %sub3A_373 = vector.broadcast %slice3A_62 : vector<64x1xf32> to vector<64x8xf32>
    %sub3A_374 = arith.subf %slice3A_372, %sub3A_373 : vector<64x8xf32>
    %slice3A_375 = vector.extract_strided_slice %dot_general3A_364 {offsets = [0, 48], sizes = [64, 8], strides = [1, 1]} : vector<64x64xf32> to vector<64x8xf32>
    %sub3A_376 = vector.broadcast %slice3A_63 : vector<64x1xf32> to vector<64x8xf32>
    %sub3A_377 = arith.subf %slice3A_375, %sub3A_376 : vector<64x8xf32>
    %mul3A_378 = vector.broadcast %slice3A : vector<64x1xf32> to vector<64x8xf32>
    %mul3A_379 = arith.mulf %mul3A_378, %sub3A_371 : vector<64x8xf32>
    %mul3A_380 = vector.broadcast %slice3A_53 : vector<64x1xf32> to vector<64x8xf32>
    %mul3A_381 = arith.mulf %mul3A_380, %sub3A_374 : vector<64x8xf32>
    %add3A_382 = arith.addf %mul3A_379, %mul3A_381 : vector<64x8xf32>
    %mul3A_383 = vector.broadcast %slice3A_54 : vector<64x1xf32> to vector<64x8xf32>
    %mul3A_384 = arith.mulf %mul3A_383, %sub3A_377 : vector<64x8xf32>
    %add3A_385 = arith.addf %add3A_382, %mul3A_384 : vector<64x8xf32>
    %mul3A_386 = vector.broadcast %slice3A_55 : vector<64x1xf32> to vector<64x8xf32>
    %mul3A_387 = arith.mulf %mul3A_386, %sub3A_371 : vector<64x8xf32>
    %mul3A_388 = vector.broadcast %slice3A_56 : vector<64x1xf32> to vector<64x8xf32>
    %mul3A_389 = arith.mulf %mul3A_388, %sub3A_374 : vector<64x8xf32>
    %add3A_390 = arith.addf %mul3A_387, %mul3A_389 : vector<64x8xf32>
    %mul3A_391 = vector.broadcast %slice3A_57 : vector<64x1xf32> to vector<64x8xf32>
    %mul3A_392 = arith.mulf %mul3A_391, %sub3A_377 : vector<64x8xf32>
    %add3A_393 = arith.addf %add3A_390, %mul3A_392 : vector<64x8xf32>
    %mul3A_394 = vector.broadcast %slice3A_58 : vector<64x1xf32> to vector<64x8xf32>
    %mul3A_395 = arith.mulf %mul3A_394, %sub3A_371 : vector<64x8xf32>
    %mul3A_396 = vector.broadcast %slice3A_59 : vector<64x1xf32> to vector<64x8xf32>
    %mul3A_397 = arith.mulf %mul3A_396, %sub3A_374 : vector<64x8xf32>
    %add3A_398 = arith.addf %mul3A_395, %mul3A_397 : vector<64x8xf32>
    %mul3A_399 = vector.broadcast %slice3A_60 : vector<64x1xf32> to vector<64x8xf32>
    %mul3A_400 = arith.mulf %mul3A_399, %sub3A_377 : vector<64x8xf32>
    %add3A_401 = arith.addf %add3A_398, %mul3A_400 : vector<64x8xf32>
    %swap3A_402 = arith.constant 0 : index
    %swap3A_403 = arith.constant 1376 : index
    %swap3A_404 = vector.load %arg13[%swap3A_402, %swap3A_403] : memref<64x1536xf32, #tpu.memory_space<vmem>>, vector<64x8xf32>
    tpu.vector_store %arg13[%swap3A_402, %swap3A_403], %add3A_385 {strides = array<i32>} : memref<64x1536xf32, #tpu.memory_space<vmem>>, vector<64x8xf32>,
    %swap3A_405 = arith.constant 0 : index
    %swap3A_406 = arith.constant 1384 : index
    %swap3A_407 = vector.load %arg13[%swap3A_405, %swap3A_406] : memref<64x1536xf32, #tpu.memory_space<vmem>>, vector<64x8xf32>
    tpu.vector_store %arg13[%swap3A_405, %swap3A_406], %add3A_393 {strides = array<i32>} : memref<64x1536xf32, #tpu.memory_space<vmem>>, vector<64x8xf32>,
    %swap3A_408 = arith.constant 0 : index
    %swap3A_409 = arith.constant 1392 : index
    %swap3A_410 = vector.load %arg13[%swap3A_408, %swap3A_409] : memref<64x1536xf32, #tpu.memory_space<vmem>>, vector<64x8xf32>
    tpu.vector_store %arg13[%swap3A_408, %swap3A_409], %add3A_401 {strides = array<i32>} : memref<64x1536xf32, #tpu.memory_space<vmem>>, vector<64x8xf32>,
    %mul3A_411 = arith.mulf %add3A_385, %add3A_385 : vector<64x8xf32>
    %mul3A_412 = arith.mulf %add3A_393, %add3A_393 : vector<64x8xf32>
    %add3A_413 = arith.addf %mul3A_411, %mul3A_412 : vector<64x8xf32>
    %mul3A_414 = arith.mulf %add3A_401, %add3A_401 : vector<64x8xf32>
    %add3A_415 = arith.addf %add3A_413, %mul3A_414 : vector<64x8xf32>
    %max3A_416 = arith.constant 9.99999997E-7 : f32
    %max3A_417 = vector.broadcast %max3A_416 : f32 to vector<64x8xf32>
    %max3A_418 = arith.maximumf %add3A_415, %max3A_417 : vector<64x8xf32>
    %sqrt3A_419 = math.sqrt %max3A_418 : vector<64x8xf32>
    %swap3A_420 = arith.constant 0 : index
    %swap3A_421 = arith.constant 1504 : index
    %swap3A_422 = vector.load %arg13[%swap3A_420, %swap3A_421] : memref<64x1536xf32, #tpu.memory_space<vmem>>, vector<64x8xf32>
    tpu.vector_store %arg13[%swap3A_420, %swap3A_421], %sqrt3A_419 {strides = array<i32>} : memref<64x1536xf32, #tpu.memory_space<vmem>>, vector<64x8xf32>,
    %slice3A_423 = vector.extract_strided_slice %reshape3A_49 {offsets = [0, 5], sizes = [2048, 1], strides = [1, 1]} : vector<2048x8xf32> to vector<2048x1xf32>
    %mul3A_424 = vector.broadcast %slice3A_423 : vector<2048x1xf32> to vector<2048x64xf32>
    %mul3A_425 = arith.mulf %mul3A_424, %get3A_66 : vector<2048x64xf32>
    %dot_general3A_426 = arith.constant dense<0.000000e+00> : vector<64x128xf32>
    %dot_general3A_427 = tpu.matmul %mul3A_425, %get3A_69, %dot_general3A_426 {dimension_numbers = #tpu.dot_dimension_numbers<[0], [0], [1], [1], [0, 1, 1, 1], [], []>, transpose_lhs_hint = false} : vector<2048x64xf32>, vector<2048x128xf32>, vector<64x128xf32> -> vector<64x128xf32>
    %swap3A_428 = arith.constant 0 : index
    %swap3A_429 = arith.constant 640 : index
    %swap3A_430 = vector.load %arg13[%swap3A_428, %swap3A_429] : memref<64x1536xf32, #tpu.memory_space<vmem>>, vector<64x128xf32>
    tpu.vector_store %arg13[%swap3A_428, %swap3A_429], %dot_general3A_427 {strides = array<i32>} : memref<64x1536xf32, #tpu.memory_space<vmem>>, vector<64x128xf32>,
    %get3A_431 = arith.constant 0 : index
    %get3A_432 = arith.constant 832 : index
    %get3A_433 = vector.load %arg1[%get3A_431, %get3A_432] : memref<2048x1024xf32, #tpu.memory_space<vmem>>, vector<2048x64xf32>
    %dot_general3A_434 = arith.constant dense<0.000000e+00> : vector<64x64xf32>
    %dot_general3A_435 = tpu.matmul %mul3A_425, %get3A_433, %dot_general3A_434 {dimension_numbers = #tpu.dot_dimension_numbers<[0], [0], [1], [1], [0, 1, 1, 1], [], []>, transpose_lhs_hint = false} : vector<2048x64xf32>, vector<2048x64xf32>, vector<64x64xf32> -> vector<64x64xf32>
    %slice3A_436 = vector.extract_strided_slice %dot_general3A_435 {offsets = [0, 0], sizes = [64, 32], strides = [1, 1]} : vector<64x64xf32> to vector<64x32xf32>
    %swap3A_437 = arith.constant 0 : index
    %swap3A_438 = arith.constant 1184 : index
    %swap3A_439 = vector.load %arg13[%swap3A_437, %swap3A_438] : memref<64x1536xf32, #tpu.memory_space<vmem>>, vector<64x32xf32>
    tpu.vector_store %arg13[%swap3A_437, %swap3A_438], %slice3A_436 {strides = array<i32>} : memref<64x1536xf32, #tpu.memory_space<vmem>>, vector<64x32xf32>,
    %slice3A_440 = vector.extract_strided_slice %dot_general3A_435 {offsets = [0, 32], sizes = [64, 8], strides = [1, 1]} : vector<64x64xf32> to vector<64x8xf32>
    %sub3A_441 = vector.broadcast %slice3A_61 : vector<64x1xf32> to vector<64x8xf32>
    %sub3A_442 = arith.subf %slice3A_440, %sub3A_441 : vector<64x8xf32>
    %slice3A_443 = vector.extract_strided_slice %dot_general3A_435 {offsets = [0, 40], sizes = [64, 8], strides = [1, 1]} : vector<64x64xf32> to vector<64x8xf32>
    %sub3A_444 = vector.broadcast %slice3A_62 : vector<64x1xf32> to vector<64x8xf32>
    %sub3A_445 = arith.subf %slice3A_443, %sub3A_444 : vector<64x8xf32>
    %slice3A_446 = vector.extract_strided_slice %dot_general3A_435 {offsets = [0, 48], sizes = [64, 8], strides = [1, 1]} : vector<64x64xf32> to vector<64x8xf32>
    %sub3A_447 = vector.broadcast %slice3A_63 : vector<64x1xf32> to vector<64x8xf32>
    %sub3A_448 = arith.subf %slice3A_446, %sub3A_447 : vector<64x8xf32>
    %mul3A_449 = vector.broadcast %slice3A : vector<64x1xf32> to vector<64x8xf32>
    %mul3A_450 = arith.mulf %mul3A_449, %sub3A_442 : vector<64x8xf32>
    %mul3A_451 = vector.broadcast %slice3A_53 : vector<64x1xf32> to vector<64x8xf32>
    %mul3A_452 = arith.mulf %mul3A_451, %sub3A_445 : vector<64x8xf32>
    %add3A_453 = arith.addf %mul3A_450, %mul3A_452 : vector<64x8xf32>
    %mul3A_454 = vector.broadcast %slice3A_54 : vector<64x1xf32> to vector<64x8xf32>
    %mul3A_455 = arith.mulf %mul3A_454, %sub3A_448 : vector<64x8xf32>
    %add3A_456 = arith.addf %add3A_453, %mul3A_455 : vector<64x8xf32>
    %mul3A_457 = vector.broadcast %slice3A_55 : vector<64x1xf32> to vector<64x8xf32>
    %mul3A_458 = arith.mulf %mul3A_457, %sub3A_442 : vector<64x8xf32>
    %mul3A_459 = vector.broadcast %slice3A_56 : vector<64x1xf32> to vector<64x8xf32>
    %mul3A_460 = arith.mulf %mul3A_459, %sub3A_445 : vector<64x8xf32>
    %add3A_461 = arith.addf %mul3A_458, %mul3A_460 : vector<64x8xf32>
    %mul3A_462 = vector.broadcast %slice3A_57 : vector<64x1xf32> to vector<64x8xf32>
    %mul3A_463 = arith.mulf %mul3A_462, %sub3A_448 : vector<64x8xf32>
    %add3A_464 = arith.addf %add3A_461, %mul3A_463 : vector<64x8xf32>
    %mul3A_465 = vector.broadcast %slice3A_58 : vector<64x1xf32> to vector<64x8xf32>
    %mul3A_466 = arith.mulf %mul3A_465, %sub3A_442 : vector<64x8xf32>
    %mul3A_467 = vector.broadcast %slice3A_59 : vector<64x1xf32> to vector<64x8xf32>
    %mul3A_468 = arith.mulf %mul3A_467, %sub3A_445 : vector<64x8xf32>
    %add3A_469 = arith.addf %mul3A_466, %mul3A_468 : vector<64x8xf32>
    %mul3A_470 = vector.broadcast %slice3A_60 : vector<64x1xf32> to vector<64x8xf32>
    %mul3A_471 = arith.mulf %mul3A_470, %sub3A_448 : vector<64x8xf32>
    %add3A_472 = arith.addf %add3A_469, %mul3A_471 : vector<64x8xf32>
    %swap3A_473 = arith.constant 0 : index
    %swap3A_474 = arith.constant 1400 : index
    %swap3A_475 = vector.load %arg13[%swap3A_473, %swap3A_474] : memref<64x1536xf32, #tpu.memory_space<vmem>>, vector<64x8xf32>
    tpu.vector_store %arg13[%swap3A_473, %swap3A_474], %add3A_456 {strides = array<i32>} : memref<64x1536xf32, #tpu.memory_space<vmem>>, vector<64x8xf32>,
    %swap3A_476 = arith.constant 0 : index
    %swap3A_477 = arith.constant 1408 : index
    %swap3A_478 = vector.load %arg13[%swap3A_476, %swap3A_477] : memref<64x1536xf32, #tpu.memory_space<vmem>>, vector<64x8xf32>
    tpu.vector_store %arg13[%swap3A_476, %swap3A_477], %add3A_464 {strides = array<i32>} : memref<64x1536xf32, #tpu.memory_space<vmem>>, vector<64x8xf32>,
    %swap3A_479 = arith.constant 0 : index
    %swap3A_480 = arith.constant 1416 : index
    %swap3A_481 = vector.load %arg13[%swap3A_479, %swap3A_480] : memref<64x1536xf32, #tpu.memory_space<vmem>>, vector<64x8xf32>
    tpu.vector_store %arg13[%swap3A_479, %swap3A_480], %add3A_472 {strides = array<i32>} : memref<64x1536xf32, #tpu.memory_space<vmem>>, vector<64x8xf32>,
    %mul3A_482 = arith.mulf %add3A_456, %add3A_456 : vector<64x8xf32>
    %mul3A_483 = arith.mulf %add3A_464, %add3A_464 : vector<64x8xf32>
    %add3A_484 = arith.addf %mul3A_482, %mul3A_483 : vector<64x8xf32>
    %mul3A_485 = arith.mulf %add3A_472, %add3A_472 : vector<64x8xf32>
    %add3A_486 = arith.addf %add3A_484, %mul3A_485 : vector<64x8xf32>
    %max3A_487 = arith.constant 9.99999997E-7 : f32
    %max3A_488 = vector.broadcast %max3A_487 : f32 to vector<64x8xf32>
    %max3A_489 = arith.maximumf %add3A_486, %max3A_488 : vector<64x8xf32>
    %sqrt3A_490 = math.sqrt %max3A_489 : vector<64x8xf32>
    %swap3A_491 = arith.constant 0 : index
    %swap3A_492 = arith.constant 1512 : index
    %swap3A_493 = vector.load %arg13[%swap3A_491, %swap3A_492] : memref<64x1536xf32, #tpu.memory_space<vmem>>, vector<64x8xf32>
    tpu.vector_store %arg13[%swap3A_491, %swap3A_492], %sqrt3A_490 {strides = array<i32>} : memref<64x1536xf32, #tpu.memory_space<vmem>>, vector<64x8xf32>,
    %slice3A_494 = vector.extract_strided_slice %reshape3A_49 {offsets = [0, 6], sizes = [2048, 1], strides = [1, 1]} : vector<2048x8xf32> to vector<2048x1xf32>
    %mul3A_495 = vector.broadcast %slice3A_494 : vector<2048x1xf32> to vector<2048x64xf32>
    %mul3A_496 = arith.mulf %mul3A_495, %get3A_66 : vector<2048x64xf32>
    %dot_general3A_497 = arith.constant dense<0.000000e+00> : vector<64x128xf32>
    %dot_general3A_498 = tpu.matmul %mul3A_496, %get3A_69, %dot_general3A_497 {dimension_numbers = #tpu.dot_dimension_numbers<[0], [0], [1], [1], [0, 1, 1, 1], [], []>, transpose_lhs_hint = false} : vector<2048x64xf32>, vector<2048x128xf32>, vector<64x128xf32> -> vector<64x128xf32>
    %swap3A_499 = arith.constant 0 : index
    %swap3A_500 = arith.constant 768 : index
    %swap3A_501 = vector.load %arg13[%swap3A_499, %swap3A_500] : memref<64x1536xf32, #tpu.memory_space<vmem>>, vector<64x128xf32>
    tpu.vector_store %arg13[%swap3A_499, %swap3A_500], %dot_general3A_498 {strides = array<i32>} : memref<64x1536xf32, #tpu.memory_space<vmem>>, vector<64x128xf32>,
    %get3A_502 = arith.constant 0 : index
    %get3A_503 = arith.constant 896 : index
    %get3A_504 = vector.load %arg1[%get3A_502, %get3A_503] : memref<2048x1024xf32, #tpu.memory_space<vmem>>, vector<2048x64xf32>
    %dot_general3A_505 = arith.constant dense<0.000000e+00> : vector<64x64xf32>
    %dot_general3A_506 = tpu.matmul %mul3A_496, %get3A_504, %dot_general3A_505 {dimension_numbers = #tpu.dot_dimension_numbers<[0], [0], [1], [1], [0, 1, 1, 1], [], []>, transpose_lhs_hint = false} : vector<2048x64xf32>, vector<2048x64xf32>, vector<64x64xf32> -> vector<64x64xf32>
    %slice3A_507 = vector.extract_strided_slice %dot_general3A_506 {offsets = [0, 0], sizes = [64, 32], strides = [1, 1]} : vector<64x64xf32> to vector<64x32xf32>
    %swap3A_508 = arith.constant 0 : index
    %swap3A_509 = arith.constant 1216 : index
    %swap3A_510 = vector.load %arg13[%swap3A_508, %swap3A_509] : memref<64x1536xf32, #tpu.memory_space<vmem>>, vector<64x32xf32>
    tpu.vector_store %arg13[%swap3A_508, %swap3A_509], %slice3A_507 {strides = array<i32>} : memref<64x1536xf32, #tpu.memory_space<vmem>>, vector<64x32xf32>,
    %slice3A_511 = vector.extract_strided_slice %dot_general3A_506 {offsets = [0, 32], sizes = [64, 8], strides = [1, 1]} : vector<64x64xf32> to vector<64x8xf32>
    %sub3A_512 = vector.broadcast %slice3A_61 : vector<64x1xf32> to vector<64x8xf32>
    %sub3A_513 = arith.subf %slice3A_511, %sub3A_512 : vector<64x8xf32>
    %slice3A_514 = vector.extract_strided_slice %dot_general3A_506 {offsets = [0, 40], sizes = [64, 8], strides = [1, 1]} : vector<64x64xf32> to vector<64x8xf32>
    %sub3A_515 = vector.broadcast %slice3A_62 : vector<64x1xf32> to vector<64x8xf32>
    %sub3A_516 = arith.subf %slice3A_514, %sub3A_515 : vector<64x8xf32>
    %slice3A_517 = vector.extract_strided_slice %dot_general3A_506 {offsets = [0, 48], sizes = [64, 8], strides = [1, 1]} : vector<64x64xf32> to vector<64x8xf32>
    %sub3A_518 = vector.broadcast %slice3A_63 : vector<64x1xf32> to vector<64x8xf32>
    %sub3A_519 = arith.subf %slice3A_517, %sub3A_518 : vector<64x8xf32>
    %mul3A_520 = vector.broadcast %slice3A : vector<64x1xf32> to vector<64x8xf32>
    %mul3A_521 = arith.mulf %mul3A_520, %sub3A_513 : vector<64x8xf32>
    %mul3A_522 = vector.broadcast %slice3A_53 : vector<64x1xf32> to vector<64x8xf32>
    %mul3A_523 = arith.mulf %mul3A_522, %sub3A_516 : vector<64x8xf32>
    %add3A_524 = arith.addf %mul3A_521, %mul3A_523 : vector<64x8xf32>
    %mul3A_525 = vector.broadcast %slice3A_54 : vector<64x1xf32> to vector<64x8xf32>
    %mul3A_526 = arith.mulf %mul3A_525, %sub3A_519 : vector<64x8xf32>
    %add3A_527 = arith.addf %add3A_524, %mul3A_526 : vector<64x8xf32>
    %mul3A_528 = vector.broadcast %slice3A_55 : vector<64x1xf32> to vector<64x8xf32>
    %mul3A_529 = arith.mulf %mul3A_528, %sub3A_513 : vector<64x8xf32>
    %mul3A_530 = vector.broadcast %slice3A_56 : vector<64x1xf32> to vector<64x8xf32>
    %mul3A_531 = arith.mulf %mul3A_530, %sub3A_516 : vector<64x8xf32>
    %add3A_532 = arith.addf %mul3A_529, %mul3A_531 : vector<64x8xf32>
    %mul3A_533 = vector.broadcast %slice3A_57 : vector<64x1xf32> to vector<64x8xf32>
    %mul3A_534 = arith.mulf %mul3A_533, %sub3A_519 : vector<64x8xf32>
    %add3A_535 = arith.addf %add3A_532, %mul3A_534 : vector<64x8xf32>
    %mul3A_536 = vector.broadcast %slice3A_58 : vector<64x1xf32> to vector<64x8xf32>
    %mul3A_537 = arith.mulf %mul3A_536, %sub3A_513 : vector<64x8xf32>
    %mul3A_538 = vector.broadcast %slice3A_59 : vector<64x1xf32> to vector<64x8xf32>
    %mul3A_539 = arith.mulf %mul3A_538, %sub3A_516 : vector<64x8xf32>
    %add3A_540 = arith.addf %mul3A_537, %mul3A_539 : vector<64x8xf32>
    %mul3A_541 = vector.broadcast %slice3A_60 : vector<64x1xf32> to vector<64x8xf32>
    %mul3A_542 = arith.mulf %mul3A_541, %sub3A_519 : vector<64x8xf32>
    %add3A_543 = arith.addf %add3A_540, %mul3A_542 : vector<64x8xf32>
    %swap3A_544 = arith.constant 0 : index
    %swap3A_545 = arith.constant 1424 : index
    %swap3A_546 = vector.load %arg13[%swap3A_544, %swap3A_545] : memref<64x1536xf32, #tpu.memory_space<vmem>>, vector<64x8xf32>
    tpu.vector_store %arg13[%swap3A_544, %swap3A_545], %add3A_527 {strides = array<i32>} : memref<64x1536xf32, #tpu.memory_space<vmem>>, vector<64x8xf32>,
    %swap3A_547 = arith.constant 0 : index
    %swap3A_548 = arith.constant 1432 : index
    %swap3A_549 = vector.load %arg13[%swap3A_547, %swap3A_548] : memref<64x1536xf32, #tpu.memory_space<vmem>>, vector<64x8xf32>
    tpu.vector_store %arg13[%swap3A_547, %swap3A_548], %add3A_535 {strides = array<i32>} : memref<64x1536xf32, #tpu.memory_space<vmem>>, vector<64x8xf32>,
    %swap3A_550 = arith.constant 0 : index
    %swap3A_551 = arith.constant 1440 : index
    %swap3A_552 = vector.load %arg13[%swap3A_550, %swap3A_551] : memref<64x1536xf32, #tpu.memory_space<vmem>>, vector<64x8xf32>
    tpu.vector_store %arg13[%swap3A_550, %swap3A_551], %add3A_543 {strides = array<i32>} : memref<64x1536xf32, #tpu.memory_space<vmem>>, vector<64x8xf32>,
    %mul3A_553 = arith.mulf %add3A_527, %add3A_527 : vector<64x8xf32>
    %mul3A_554 = arith.mulf %add3A_535, %add3A_535 : vector<64x8xf32>
    %add3A_555 = arith.addf %mul3A_553, %mul3A_554 : vector<64x8xf32>
    %mul3A_556 = arith.mulf %add3A_543, %add3A_543 : vector<64x8xf32>
    %add3A_557 = arith.addf %add3A_555, %mul3A_556 : vector<64x8xf32>
    %max3A_558 = arith.constant 9.99999997E-7 : f32
    %max3A_559 = vector.broadcast %max3A_558 : f32 to vector<64x8xf32>
    %max3A_560 = arith.maximumf %add3A_557, %max3A_559 : vector<64x8xf32>
    %sqrt3A_561 = math.sqrt %max3A_560 : vector<64x8xf32>
    %swap3A_562 = arith.constant 0 : index
    %swap3A_563 = arith.constant 1520 : index
    %swap3A_564 = vector.load %arg13[%swap3A_562, %swap3A_563] : memref<64x1536xf32, #tpu.memory_space<vmem>>, vector<64x8xf32>
    tpu.vector_store %arg13[%swap3A_562, %swap3A_563], %sqrt3A_561 {strides = array<i32>} : memref<64x1536xf32, #tpu.memory_space<vmem>>, vector<64x8xf32>,
    %slice3A_565 = vector.extract_strided_slice %reshape3A_49 {offsets = [0, 7], sizes = [2048, 1], strides = [1, 1]} : vector<2048x8xf32> to vector<2048x1xf32>
    %mul3A_566 = vector.broadcast %slice3A_565 : vector<2048x1xf32> to vector<2048x64xf32>
    %mul3A_567 = arith.mulf %mul3A_566, %get3A_66 : vector<2048x64xf32>
    %dot_general3A_568 = arith.constant dense<0.000000e+00> : vector<64x128xf32>
    %dot_general3A_569 = tpu.matmul %mul3A_567, %get3A_69, %dot_general3A_568 {dimension_numbers = #tpu.dot_dimension_numbers<[0], [0], [1], [1], [0, 1, 1, 1], [], []>, transpose_lhs_hint = false} : vector<2048x64xf32>, vector<2048x128xf32>, vector<64x128xf32> -> vector<64x128xf32>
    %swap3A_570 = arith.constant 0 : index
    %swap3A_571 = arith.constant 896 : index
    %swap3A_572 = vector.load %arg13[%swap3A_570, %swap3A_571] : memref<64x1536xf32, #tpu.memory_space<vmem>>, vector<64x128xf32>
    tpu.vector_store %arg13[%swap3A_570, %swap3A_571], %dot_general3A_569 {strides = array<i32>} : memref<64x1536xf32, #tpu.memory_space<vmem>>, vector<64x128xf32>,
    %get3A_573 = arith.constant 0 : index
    %get3A_574 = arith.constant 960 : index
    %get3A_575 = vector.load %arg1[%get3A_573, %get3A_574] : memref<2048x1024xf32, #tpu.memory_space<vmem>>, vector<2048x64xf32>
    %dot_general3A_576 = arith.constant dense<0.000000e+00> : vector<64x64xf32>
    %dot_general3A_577 = tpu.matmul %mul3A_567, %get3A_575, %dot_general3A_576 {dimension_numbers = #tpu.dot_dimension_numbers<[0], [0], [1], [1], [0, 1, 1, 1], [], []>, transpose_lhs_hint = false} : vector<2048x64xf32>, vector<2048x64xf32>, vector<64x64xf32> -> vector<64x64xf32>
    %slice3A_578 = vector.extract_strided_slice %dot_general3A_577 {offsets = [0, 0], sizes = [64, 32], strides = [1, 1]} : vector<64x64xf32> to vector<64x32xf32>
    %swap3A_579 = arith.constant 0 : index
    %swap3A_580 = arith.constant 1248 : index
    %swap3A_581 = vector.load %arg13[%swap3A_579, %swap3A_580] : memref<64x1536xf32, #tpu.memory_space<vmem>>, vector<64x32xf32>
    tpu.vector_store %arg13[%swap3A_579, %swap3A_580], %slice3A_578 {strides = array<i32>} : memref<64x1536xf32, #tpu.memory_space<vmem>>, vector<64x32xf32>,
    %slice3A_582 = vector.extract_strided_slice %dot_general3A_577 {offsets = [0, 32], sizes = [64, 8], strides = [1, 1]} : vector<64x64xf32> to vector<64x8xf32>
    %sub3A_583 = vector.broadcast %slice3A_61 : vector<64x1xf32> to vector<64x8xf32>
    %sub3A_584 = arith.subf %slice3A_582, %sub3A_583 : vector<64x8xf32>
    %slice3A_585 = vector.extract_strided_slice %dot_general3A_577 {offsets = [0, 40], sizes = [64, 8], strides = [1, 1]} : vector<64x64xf32> to vector<64x8xf32>
    %sub3A_586 = vector.broadcast %slice3A_62 : vector<64x1xf32> to vector<64x8xf32>
    %sub3A_587 = arith.subf %slice3A_585, %sub3A_586 : vector<64x8xf32>
    %slice3A_588 = vector.extract_strided_slice %dot_general3A_577 {offsets = [0, 48], sizes = [64, 8], strides = [1, 1]} : vector<64x64xf32> to vector<64x8xf32>
    %sub3A_589 = vector.broadcast %slice3A_63 : vector<64x1xf32> to vector<64x8xf32>
    %sub3A_590 = arith.subf %slice3A_588, %sub3A_589 : vector<64x8xf32>
    %mul3A_591 = vector.broadcast %slice3A : vector<64x1xf32> to vector<64x8xf32>
    %mul3A_592 = arith.mulf %mul3A_591, %sub3A_584 : vector<64x8xf32>
    %mul3A_593 = vector.broadcast %slice3A_53 : vector<64x1xf32> to vector<64x8xf32>
    %mul3A_594 = arith.mulf %mul3A_593, %sub3A_587 : vector<64x8xf32>
    %add3A_595 = arith.addf %mul3A_592, %mul3A_594 : vector<64x8xf32>
    %mul3A_596 = vector.broadcast %slice3A_54 : vector<64x1xf32> to vector<64x8xf32>
    %mul3A_597 = arith.mulf %mul3A_596, %sub3A_590 : vector<64x8xf32>
    %add3A_598 = arith.addf %add3A_595, %mul3A_597 : vector<64x8xf32>
    %mul3A_599 = vector.broadcast %slice3A_55 : vector<64x1xf32> to vector<64x8xf32>
    %mul3A_600 = arith.mulf %mul3A_599, %sub3A_584 : vector<64x8xf32>
    %mul3A_601 = vector.broadcast %slice3A_56 : vector<64x1xf32> to vector<64x8xf32>
    %mul3A_602 = arith.mulf %mul3A_601, %sub3A_587 : vector<64x8xf32>
    %add3A_603 = arith.addf %mul3A_600, %mul3A_602 : vector<64x8xf32>
    %mul3A_604 = vector.broadcast %slice3A_57 : vector<64x1xf32> to vector<64x8xf32>
    %mul3A_605 = arith.mulf %mul3A_604, %sub3A_590 : vector<64x8xf32>
    %add3A_606 = arith.addf %add3A_603, %mul3A_605 : vector<64x8xf32>
    %mul3A_607 = vector.broadcast %slice3A_58 : vector<64x1xf32> to vector<64x8xf32>
    %mul3A_608 = arith.mulf %mul3A_607, %sub3A_584 : vector<64x8xf32>
    %mul3A_609 = vector.broadcast %slice3A_59 : vector<64x1xf32> to vector<64x8xf32>
    %mul3A_610 = arith.mulf %mul3A_609, %sub3A_587 : vector<64x8xf32>
    %add3A_611 = arith.addf %mul3A_608, %mul3A_610 : vector<64x8xf32>
    %mul3A_612 = vector.broadcast %slice3A_60 : vector<64x1xf32> to vector<64x8xf32>
    %mul3A_613 = arith.mulf %mul3A_612, %sub3A_590 : vector<64x8xf32>
    %add3A_614 = arith.addf %add3A_611, %mul3A_613 : vector<64x8xf32>
    %swap3A_615 = arith.constant 0 : index
    %swap3A_616 = arith.constant 1448 : index
    %swap3A_617 = vector.load %arg13[%swap3A_615, %swap3A_616] : memref<64x1536xf32, #tpu.memory_space<vmem>>, vector<64x8xf32>
    tpu.vector_store %arg13[%swap3A_615, %swap3A_616], %add3A_598 {strides = array<i32>} : memref<64x1536xf32, #tpu.memory_space<vmem>>, vector<64x8xf32>,
    %swap3A_618 = arith.constant 0 : index
    %swap3A_619 = arith.constant 1456 : index
    %swap3A_620 = vector.load %arg13[%swap3A_618, %swap3A_619] : memref<64x1536xf32, #tpu.memory_space<vmem>>, vector<64x8xf32>
    tpu.vector_store %arg13[%swap3A_618, %swap3A_619], %add3A_606 {strides = array<i32>} : memref<64x1536xf32, #tpu.memory_space<vmem>>, vector<64x8xf32>,
    %swap3A_621 = arith.constant 0 : index
    %swap3A_622 = arith.constant 1464 : index
    %swap3A_623 = vector.load %arg13[%swap3A_621, %swap3A_622] : memref<64x1536xf32, #tpu.memory_space<vmem>>, vector<64x8xf32>
    tpu.vector_store %arg13[%swap3A_621, %swap3A_622], %add3A_614 {strides = array<i32>} : memref<64x1536xf32, #tpu.memory_space<vmem>>, vector<64x8xf32>,
    %mul3A_624 = arith.mulf %add3A_598, %add3A_598 : vector<64x8xf32>
    %mul3A_625 = arith.mulf %add3A_606, %add3A_606 : vector<64x8xf32>
    %add3A_626 = arith.addf %mul3A_624, %mul3A_625 : vector<64x8xf32>
    %mul3A_627 = arith.mulf %add3A_614, %add3A_614 : vector<64x8xf32>
    %add3A_628 = arith.addf %add3A_626, %mul3A_627 : vector<64x8xf32>
    %max3A_629 = arith.constant 9.99999997E-7 : f32
    %max3A_630 = vector.broadcast %max3A_629 : f32 to vector<64x8xf32>
    %max3A_631 = arith.maximumf %add3A_628, %max3A_630 : vector<64x8xf32>
    %sqrt3A_632 = math.sqrt %max3A_631 : vector<64x8xf32>
    %swap3A_633 = arith.constant 0 : index
    %swap3A_634 = arith.constant 1528 : index
    %swap3A_635 = vector.load %arg13[%swap3A_633, %swap3A_634] : memref<64x1536xf32, #tpu.memory_space<vmem>>, vector<64x8xf32>
    tpu.vector_store %arg13[%swap3A_633, %swap3A_634], %sqrt3A_632 {strides = array<i32>} : memref<64x1536xf32, #tpu.memory_space<vmem>>, vector<64x8xf32>,
    %get3A_636 = arith.constant 0 : index
    %get3A_637 = arith.constant 0 : index
    %get3A_638 = vector.load %arg13[%get3A_636, %get3A_637] : memref<64x1536xf32, #tpu.memory_space<vmem>>, vector<64x1536xf32>
    %get3A_639 = arith.constant 0 : index
    %get3A_640 = arith.constant 0 : index
    %get3A_641 = vector.load %arg10[%get3A_639, %get3A_640] : memref<1536x256xf32, #tpu.memory_space<vmem>>, vector<1536x256xf32>
    %dot_general3A_642 = arith.constant dense<0.000000e+00> : vector<64x256xf32>
    %dot_general3A_643 = tpu.matmul %get3A_638, %get3A_641, %dot_general3A_642 {dimension_numbers = #tpu.dot_dimension_numbers<[1], [0], [0], [1], [0, 0, 1, 1], [], []>, transpose_lhs_hint = false} : vector<64x1536xf32>, vector<1536x256xf32>, vector<64x256xf32> -> vector<64x256xf32>
    %get3A_644 = arith.constant 0 : index
    %get3A_645 = arith.constant 0 : index
    %get3A_646 = vector.load %arg11[%get3A_644, %get3A_645] : memref<1x256xf32, #tpu.memory_space<vmem>>, vector<1x256xf32>
    %add3A_647 = vector.broadcast %get3A_646 : vector<1x256xf32> to vector<64x256xf32>
    %add3A_648 = arith.addf %dot_general3A_643, %add3A_647 : vector<64x256xf32>
    %swap3A_649 = arith.constant 0 : index
    %swap3A_650 = arith.constant 0 : index
    %swap3A_651 = vector.load %arg12[%swap3A_649, %swap3A_650] : memref<64x256xf32, #tpu.memory_space<vmem>>, vector<64x256xf32>
    tpu.vector_store %arg12[%swap3A_649, %swap3A_650], %add3A_648 {strides = array<i32>} : memref<64x256xf32, #tpu.memory_space<vmem>>, vector<64x256xf32>,
    return
  }
  func.func @transform_0(%arg0: i32) -> (i32, i32) {
    %c0_i32 = arith.constant 0 : i32
    %c0_i32_0 = arith.constant 0 : i32
    return %arg0, %c0_i32 : i32, i32
  }
  func.func @transform_1(%arg0: i32) -> (i32, i32) {
    %c0_i32 = arith.constant 0 : i32
    %c0_i32_0 = arith.constant 0 : i32
    return %arg0, %c0_i32 : i32, i32
  }
  func.func @transform_2(%arg0: i32) -> (i32, i32) {
    %c0_i32 = arith.constant 0 : i32
    %c0_i32_0 = arith.constant 0 : i32
    return %arg0, %c0_i32 : i32, i32
  }
  func.func @transform_3(%arg0: i32) -> (i32, i32) {
    %c0_i32 = arith.constant 0 : i32
    %c0_i32_0 = arith.constant 0 : i32
    return %arg0, %c0_i32 : i32, i32
  }
  func.func @transform_4(%arg0: i32) -> (i32, i32) {
    %c0_i32 = arith.constant 0 : i32
    %c0_i32_0 = arith.constant 0 : i32
    return %arg0, %c0_i32 : i32, i32
  }
  func.func @transform_5(%arg0: i32) -> (i32, i32) {
    %c0_i32 = arith.constant 0 : i32
    %c0_i32_0 = arith.constant 0 : i32
    return %arg0, %c0_i32 : i32, i32
  }
  func.func @transform_6(%arg0: i32) -> (i32, i32) {
    %c0_i32 = arith.constant 0 : i32
    %c0_i32_0 = arith.constant 0 : i32
    %c0_i32_1 = arith.constant 0 : i32
    return %c0_i32, %c0_i32_0 : i32, i32
  }
  func.func @transform_7(%arg0: i32) -> (i32, i32) {
    %c0_i32 = arith.constant 0 : i32
    %c0_i32_0 = arith.constant 0 : i32
    %c0_i32_1 = arith.constant 0 : i32
    return %c0_i32, %c0_i32_0 : i32, i32
  }
  func.func @transform_8(%arg0: i32) -> (i32, i32) {
    %c0_i32 = arith.constant 0 : i32
    %c0_i32_0 = arith.constant 0 : i32
    %c0_i32_1 = arith.constant 0 : i32
    return %c0_i32, %c0_i32_0 : i32, i32
  }
  func.func @transform_9(%arg0: i32) -> (i32, i32) {
    %c0_i32 = arith.constant 0 : i32
    %c0_i32_0 = arith.constant 0 : i32
    %c0_i32_1 = arith.constant 0 : i32
    return %c0_i32, %c0_i32_0 : i32, i32
  }
  func.func @transform_10(%arg0: i32) -> (i32, i32) {
    %c0_i32 = arith.constant 0 : i32
    %c0_i32_0 = arith.constant 0 : i32
    %c0_i32_1 = arith.constant 0 : i32
    return %c0_i32, %c0_i32_0 : i32, i32
  }
  func.func @transform_11(%arg0: i32) -> (i32, i32) {
    %c0_i32 = arith.constant 0 : i32
    %c0_i32_0 = arith.constant 0 : i32
    return %arg0, %c0_i32 : i32, i32
  }
}

</mosaic_0001>

<sc_bundles>
// kernel: kernel.5.cloned.1.call-start
scs
__scs_entry_jumppad:
0x0: {  	(pc) =	sbr.rel $0x88, $3  }
0x1: {  	(tag) =	ssettag $0x0;
	lr =	simm.s32 $0x1  }
0x2: {  	[smem:$0x3F90] =	sst lr;
	_ =	strace $0xD0000000  }
0x3: {  	_ = 	snop  }
0x4: {  	_ = 	snop  }
0x5: {  	_ = 	snop  }
0x6: {  	_ = 	snop  }
0x7: {  	_ = 	snop  }
__scs_overlays_trampoline_lowered:
0x8: {  	[smem:$0x3F9F] =	sst s0  }
0x9: {  	[smem:$0x3FA0] =	sst s1  }
0xa: {  	[smem:$0x3FA1] =	sst s2  }
0xb: {  	[smem:$0x3FA2] =	sst s3  }
0xc: {  	[smem:$0x3FA3] =	sst s4  }
0xd: {  	[smem:$0x3FA4] =	sst s5  }
0xe: {  	[smem:$0x3FA5] =	sst s6  }
0xf: {  	[smem:$0x3FA6] =	sst s7  }
0x10: {  	[smem:$0x3FA7] =	sst s8  }
0x11: {  	[smem:$0x3FA8] =	sst s9;
	s0 =	simm.s32 @!p0 $0x0  }
0x12: {  	s1 =	sld [smem:$0x3F8E];
	s0 =	simm.s32 @p0 $0x1  }
0x13: {  	[smem:$0x3FA9] =	sst s0;
	s0 =	simm.s32 @!p1 $0x0  }
0x14: {  	s2 =	sld [smem:$0x3F8D];
	s0 =	simm.s32 @p1 $0x1  }
0x15: {  	[smem:$0x3FAA] =	sst s0;
	s0 =	simm.s32 @!p2 $0x0  }
0x16: {  	s3 =	sld [smem:$0x3FDB];
	s0 =	simm.s32 @p2 $0x1  }
0x17: {  	s4 =	simm.s32 $0x1BF5;
	[smem:$0x3FAC] =	sst s0  }
0x18: {  	s0 =	sld [smem:$0x3F8F];
	_ =	swait.ge [sflag:s4], $0x0  }
0x19: {  	s7 =	sld [smem:$0x3F90]  }
0x1a: {  	s8 =	sadd.s32 $0xFFFFE003, lr  }
0x1b: {  	s9 =	sadd.s32 $0xFFFFFEF7, lr;
	s5 =	simm.s32 $0xFFFFFFFF;
	p2 =	slt.u32 s8, $0xFFFFF086  }
0x1c: {  	p1 =	slt.u32 s9, $0xF7A;
	s5 =	simm.s32 @!p2 $0x0  }
0x1d: {  	s5 =	simm.s32 @p1 $0x1;
	p0 =	seq.s32 s7, s2  }
0x1e: {  	s7 =	smul.u32 @!p0 $0xF7A, s2;
	p2 =	seq.s32 @!p0 s5, $0x0  }
0x1f: {  	s9 =	smul.u32 $0xF7A, s1;
	s8 =	simm.s32 @!p0 $0x1BF5;
	p2 =	por !p2, p0  }
0x20: {  	[sflag:s8] =	ssyncset.s32 @!p0 $0xFFFFF086;
	s6 =	sadd.s32 @!p0 s3, s7;
	s7 =	simm.s32 @!p0 $0x108  }
0x21: {  	s3 =	sadd.s32 s3, s9;
	s6 =	sadd.s32 @!p0 $0x88, s6;
	s7 =	simm.s32 @p2 $0x1082  }
0x22: {  	[simem:s7], [sflag:s8] =	dma.local @!p0 [hbm:s6], $0xF7A  }
0x23: {  	s9 =	sor.u32 $0xD0000000, s2;
	s6 =	simm.s32 $0x108;
	_ =	swait.ge @!p0 [sflag:s8], $0x0  }
0x24: {  	s3 =	sadd.s32 $0x88, s3;
	s6 =	simm.s32 @!p1 $0x1082;
	[sflag:s4] =	ssyncset.s32 $0xFFFFF086  }
0x25: {  	[simem:s6], [sflag:s4] =	dma.local [hbm:s3], $0xF7A  }
0x26: {  	[smem:$0x3F90] =	sst s1;
	(tag) =	ssettag s2;
	_ =	strace s9  }
0x27: {  	s1 =	sld [smem:$0x3FA0]  }
0x28: {  	s2 =	sld [smem:$0x3FA1]  }
0x29: {  	s4 =	sld [smem:$0x3FA3]  }
0x2a: {  	p0 =	seq.s32 s5, $0x0;
	s5 =	sld [smem:$0x3FA4]  }
0x2b: {  	s6 =	sld [smem:$0x3FA5]  }
0x2c: {  	s7 =	sld [smem:$0x3FA6]  }
0x2d: {  	s3 =	simm.s32 $0x108;
	s8 =	sld [smem:$0x3FA7]  }
0x2e: {  	s3 =	simm.s32 @!p0 $0x1082;
	s9 =	sld [smem:$0x3FA8]  }
0x2f: {  	lr =	sadd.s32 s0, s3;
	s0 =	sld [smem:$0x3F9F]  }
0x30: {  	s3 =	sld [smem:$0x3FA2]  }
0x31: {  	[smem:$0x3FAB] =	sst s10  }
0x32: {  	s10 =	sld [smem:$0x3FA9];
	_ =	sdelay $0x3  }
0x33: {  	p0 =	seq.s32 s10, $0x1;
	s10 =	sld [smem:$0x3FAB];
	_ =	sdelay $0x3  }
0x34: {  	[smem:$0x3FAB] =	sst s10  }
0x35: {  	s10 =	sld [smem:$0x3FAA];
	_ =	sdelay $0x3  }
0x36: {  	p1 =	seq.s32 s10, $0x1;
	s10 =	sld [smem:$0x3FAB];
	_ =	sdelay $0x3  }
0x37: {  	[smem:$0x3FAB] =	sst s10  }
0x38: {  	s10 =	sld [smem:$0x3FAC]  }
0x39: {  	_ = 	snop;
	(pc) =	sbr.ind lr, $3  }
0x3a: {  	_ = 	snop  }
0x3b: {  	_ = 	snop  }
0x3c: {  	p2 =	seq.s32 s10, $0x1;
	s10 =	sld [smem:$0x3FAB]  }
0x3d: {  	_ =	shalt  }
0x3e: {  	_ =	shalt  }
0x3f: {  	_ =	shalt  }
0x40: {  	_ =	shalt  }
0x41: {  	_ =	shalt  }
0x42: {  	_ =	shalt  }
0x43: {  	_ =	shalt  }
0x44: {  	_ =	shalt  }
0x45: {  	_ =	shalt  }
0x46: {  	_ =	shalt  }
0x47: {  	_ =	shalt  }
0x48: {  	_ =	shalt  }
0x49: {  	_ =	shalt  }
0x4a: {  	_ =	shalt  }
0x4b: {  	_ =	shalt  }
0x4c: {  	_ =	shalt  }
0x4d: {  	_ =	shalt  }
0x4e: {  	_ =	shalt  }
0x4f: {  	_ =	shalt  }
0x50: {  	_ =	shalt  }
0x51: {  	_ =	shalt  }
0x52: {  	_ =	shalt  }
0x53: {  	_ =	shalt  }
0x54: {  	_ =	shalt  }
0x55: {  	_ =	shalt  }
0x56: {  	_ =	shalt  }
0x57: {  	_ =	shalt  }
0x58: {  	_ =	shalt  }
0x59: {  	_ =	shalt  }
0x5a: {  	_ =	shalt  }
0x5b: {  	_ =	shalt  }
0x5c: {  	_ =	shalt  }
0x5d: {  	_ =	shalt  }
0x5e: {  	_ =	shalt  }
0x5f: {  	_ =	shalt  }
0x60: {  	_ =	shalt  }
0x61: {  	_ =	shalt  }
0x62: {  	_ =	shalt  }
0x63: {  	_ =	shalt  }
0x64: {  	_ =	shalt  }
0x65: {  	_ =	shalt  }
0x66: {  	_ =	shalt  }
0x67: {  	_ =	shalt  }
0x68: {  	_ =	shalt  }
0x69: {  	_ =	shalt  }
0x6a: {  	_ =	shalt  }
0x6b: {  	_ =	shalt  }
0x6c: {  	_ =	shalt  }
0x6d: {  	_ =	shalt  }
0x6e: {  	_ =	shalt  }
0x6f: {  	_ =	shalt  }
0x70: {  	_ =	shalt  }
0x71: {  	_ =	shalt  }
0x72: {  	_ =	shalt  }
0x73: {  	_ =	shalt  }
0x74: {  	_ =	shalt  }
0x75: {  	_ =	shalt  }
0x76: {  	_ =	shalt  }
0x77: {  	_ =	shalt  }
0x78: {  	_ =	shalt  }
0x79: {  	_ =	shalt  }
0x7a: {  	_ =	shalt  }
0x7b: {  	_ =	shalt  }
0x7c: {  	_ =	shalt  }
0x7d: {  	_ =	shalt  }
0x7e: {  	_ =	shalt  }
0x7f: {  	_ =	shalt  }
0x80: {  	_ =	shalt  }
0x81: {  	_ =	shalt  }
0x82: {  	_ =	shalt  }
0x83: {  	_ =	shalt  }
0x84: {  	_ =	shalt  }
0x85: {  	_ =	shalt  }
0x86: {  	_ =	shalt  }
0x87: {  	_ =	shalt  }
.Lfunc_end0:
.L_simem_size_0:
called_computation_lowered:
.L_overlay_start_0:
0x88: {  	s2 =	sld [smem:$0x3FD9]  }
0x89: {  	s3 =	sld [smem:$0x3FFE];
	_ =	sdelay $0x1  }
0x8a: {  	s1 =	srdreg.scid  }
0x8b: {  	s0 =	sand.u32 $0x1, s1  }
0x8c: {  	s16 =	sshll.u32 s0, $0xA;
	s2 =	sadd.s32 s3, s2  }
0x8d: {  	s2 =	sadd.s32 s2, s16  }
0x8e: {  	[smem:$0x3FB7] =	sst s2  }
0x8f: {  	_ = 	snop  }
0x90: {  	(tm) =	ssettm $0x1  }
0x91: {  	s17 =	sld [smem:$0x3FFB];
	_ =	sdelay $0x3  }
0x92: {  	_ =	strace s17  }
0x93: {  	s2 =	sld [smem:$0x3FFC];
	_ =	sdelay $0x3  }
0x94: {  	_ =	strace s2  }
0x95: {  	s2 =	sld [smem:$0x3FFD];
	_ =	sdelay $0x3  }
0x96: {  	_ =	strace s2  }
0x97: {  	_ =	strace $0x8FFFFFFF  }
0x98: {  	s18 =	sld [smem:$0x3FDB];
	_ =	sdelay $0x1  }
0x99: {  	s19 =	simm.s32 $_scs_section_size  }
0x9a: {  	s4 =	simm.s32 $_size__tile_overlayer_lowered;
	s5 =	simm.s32 $_tile_overlayer_lowered  }
0x9b: {  	s22 =	simm.s32 $0x1BFF;
	s21 =	sshll.u32 s5, $0x1;
	s2 =	sadd.s32 s19, s18  }
0x9c: {  	s6 =	simm.s32 $0x0;
	s20 =	sshll.u32 s4, $0x1;
	s4 =	sadd.s32 s21, s2  }
0x9d: {  	[timem:s6], [sflag:s22] =	dma.local [hbm:s4], s20  }
0x9e: {  	_ =	swait.ge [sflag:s22], s20  }
0x9f: {  	s3 =	ssub.s32 $0x0, s20;
	[sflag:s22] =	ssyncset.done $0x0  }
0xa0: {  	[sflag:s22] =	ssyncadd.s32 s3;
	_ =	sdelay $0x1  }
0xa1: {  	s23 =	simm.s32 $0x1B8B  }
0xa2: {  	_ =	swait.ge [sflag:s23], $0x1  }
0xa3: {  	[sflag:s23] =	ssyncset.done $0x0  }
0xa4: {  	s25 =	simm.s32 $0x1B8E;
	s24 =	sld [smem:$0x3FFE];
	[sflag:s23] =	ssyncadd.s32 $0xFFFFFFFF  }
0xa5: {  	s26 =	simm.s32 $execute0_lowered;
	[smem:$0x3FD2] =	sst s25  }
0xa6: {  	s4 =	sshll.u32 s26, $0x1;
	_ =	strace $0x80000046;
	[dreg:$0x1] =	wrdreg $0xFFFFFFFF  }
0xa7: {  	s28 =	simm.s32 $_size_execute0_lowered;
	s2 =	sadd.s32 s2, s4;
	[dreg:$0x0] =	wrdreg $0x0  }
0xa8: {  	s4 =	sshll.u32 s28, $0x1;
	[dreg:$0x2] =	wrdreg s2  }
0xa9: {  	[dreg:$0x3] =	wrdreg s4  }
0xaa: {  	[dreg:$0x4] =	wrdreg $0xC0  }
0xab: {  	_ =	task [dreg:s6], $0x5FFFF  }
0xac: {  	[dreg:$0x1] =	wrdreg $0xFFFFFFFF  }
0xad: {  	[dreg:$0x0] =	wrdreg $0x60  }
0xae: {  	[dreg:$0x2] =	wrdreg s24  }
0xaf: {  	[dreg:$0x3] =	wrdreg $0x9  }
0xb0: {  	_ =	task.clear_ibuf [dreg:s6], $0x4FFFF;
	_ =	strace $0x90000046  }
0xb1: {  	s29 =	simm.s32 $0x9;
	_ =	strace $0x80000048  }
0xb2: {  	_ =	swait.ge [sflag:s29], $0x1  }
0xb3: {  	[sflag:s29] =	ssyncadd.s32 $0xFFFFFFFF  }
0xb4: {  	_ =	strace $0x90000048  }
0xb5: {  	_ =	sfence  }
0xb6: {  	s30 =	sld [smem:$0x0];
	_ =	sdelay $0x2  }
0xb7: {  	s31 =	sshll.u32 s1, $0xD;
	s1 =	sshrl.u32 s1, $0x2  }
0xb8: {  	s3 =	sand.u32 $0x4000, s31;
	s1 =	sadd.s32 s1, s30  }
0xb9: {  	s0 =	sor.u32 s3, s0;
	s1 =	sshll.u32 s1, $0x11  }
0xba: {  	s0 =	sor.u32 s1, s0  }
0xbb: {  	s0 =	sadd.s32 $0x8F2B, s0  }
0xbc: {  	[sflag:s0] =	ssyncadd.remote.s32 $0x1  }
0xbd: {  	_ =	sfence.sel $0xFFFF  }
0xbe: {  	[dreg:$0x0] =	wrdreg $0xFFFFFFFF;
	(pc) =	sbr.abs _section_cstart, $3  }
0xbf: {  	[dreg:$0x1] =	wrdreg $0xFFFFFFFF  }
0xc0: {  	_ =	task.clear_ibuf [dreg:s6], $0x2FFFF;
	_ =	strace $0x9FFFFFFF  }
0xc1: {  	(tm) =	ssettm $0x7FFFFFFF  }
tec
execute0_lowered:
.L_overlay_start_1:
0x0: {  	(tag) =	ssettag $0x1  }
0x1: {  	s0 =	rddreg [dreg:$0x0];
	s1 =	srdreg.scid  }
0x2: {  	s2 =	simm.s32 $0x0;
	s6 =	stileid.u32;
	s10 =	simm.s32 $0x3  }
0x3: {  	s11 =	simm.s32 $0x1000;
	s28 =	simm.s32 $0x9000;
	s29 =	simm.s32 $0x9800  }
0x4: {  	s30 =	simm.s32 $0xA000;
	s31 =	simm.s32 $0xA800;
	s12 =	simm.s32 $0xC000  }
0x5: {  	s13 =	simm.s32 $0xC800;
	s14 =	simm.s32 $0xD000;
	s15 =	simm.s32 $0xD800  }
0x6: {  	s16 =	simm.s32 $0xE000;
	s17 =	simm.s32 $0xE800;
	s18 =	simm.s32 $0xF000  }
0x7: {  	s19 =	simm.s32 $0xF800;
	s20 =	simm.s32 $0x10000;
	s21 =	simm.s32 $0x10800  }
0x8: {  	s22 =	simm.s32 $0x1;
	s1 =	sand.u32 $0x1, s1;
	[smem:$0x7FF] =	sst s2  }
0x9: {  	s4 =	sshll.u32 s6, $0xD;
	s3 =	sadd.s32 $0x7E00, s0;
	s23 =	sshll.u32 s6, $0x14  }
0xa: {  	s6 =	sadd.s32 $0x8000, s0;
	s5 =	sshll.u32 s1, $0xC;
	_ =	strace $0x80000047  }
0xb: {  	s24 =	ssub.s32 $0x2, s1;
	s7 =	sadd.s32 s23, s0;
	s1 =	sshll.u32 s1, $0x13  }
0xc: {  	s23 =	simm.s32 $0x2;
	s4 =	sor.u32 s5, s4;
	s25 =	sshrl.u32 s24, $0x1  }
.Ltmp0:
0xd: {  	s5 =	sadd.s32 $0x7F00, s0;
	s1 =	sadd.s32 s1, s7;
	(pc) =	sbr.rel .LBB2_1-.Ltmp0, $4  }
0xe: {  	s7 =	sadd.s32 $0x8100, s0;
	s4 =	sshrl.u32 s4, $0x3;
	s8 =	ssub.s32 s24, s25  }
0xf: {  	v2 =	vlaneseq.u32;
	s9 =	sadd.s32 $0xC7E00, s1;
	s4 =	sadd.s32 s4, s0;
	s26 =	smax.u32 s8, $0x1  }
0x10: {  	vm0 =	vmmov $0xffff;
	v1 =	vshrl.u32 v2, $0x3;
	s1 =	simm.s32 $0xB800;
	s4 =	sadd.s32 $0x3E00, s4;
	[dreg:$0x3] =	wrdreg s26  }
0x11: {  	v0 =	vand.u32 $0x7, v2;
	v2 =	vor.u32 $0x8, v2;
	v1 =	vmul.u32 $0x8, v1;
	s0 =	simm.s32 $0xB000;
	s8 =	simm.s32 $0x0;
	[dreg:$0x2] =	wrdreg s4  }
.LBB2_4:
0x12: {  	s8 =	rddreg [dreg:$0x4]  }
0x13: {  	s4 =	rddreg [dreg:$0x3];
	s8 =	sadd.s32 $0x1, s8  }
0x14: {  	p0 =	sne.s32 s8, s4  }
.Ltmp1:
0x15: {  	_ = 	snop;
	(pc) =	sbr.rel @!p0 .LBB2_5-.Ltmp1, $1  }
0x16: {  	_ =	sdelay $0x3  }
.LBB2_1:
0x17: {  	[dreg:$0x4] =	wrdreg s8  }
0x18: {  	s4 =	rddreg [dreg:$0x2]  }
0x19: {  	[tilespmem:s2], [sflag:$0x3] =	stream.linear.gather [hbm4b:s4+s2], $0x1000, $0x38;
	[tilespmem:$0x11000] =	vst v63  }
0x1a: {  	_ =	swait.ge [sflag:s10], $0x1000  }
0x1b: {  	[sflag:s10] =	ssyncset.done $0x0  }
0x1c: {  	[sflag:s10] =	ssyncadd.s32 $0xFFFFF000  }
0x1d: {  	v3 =	vld [tilespmem:$0x0];
	_ =	sdelay $0x4  }
0x1e: {  	v4 =	vshll.u32 v3, $0x3  }
0x1f: {  	v3 =	vand.u32 $0x7, v3;
	v4 =	vand.u32 $0xFFFFFFC0, v4  }
0x20: {  	v3 =	vor.u32 v3, v4  }
0x21: {  	v4 =	vperm.xlane v3, v0;
	_ =	sdelay $0x1  }
0x22: {  	v4 =	vadd.s32 v1, v4;
	_ =	sdelay $0x4  }
0x23: {  	[tilespmem:s11], [sflag:$0x1] =	stream.indirect_vreg.gather [hbm4b:s3+s2], $0x80, v4, vm0, $0xb8;
	[tilespmem:$0x11000] =	vst v63  }
0x24: {  	s24 =	simm.s32 $0x1800;
	v3 =	vperm.xlane v3, v2  }
0x25: {  	[tilespmem:s24], [sflag:$0x1] =	stream.indirect_vreg.gather [hbm4b:s5+s2], $0x80, v4, vm0, $0xb8;
	[tilespmem:$0x11000] =	vst v63  }
0x26: {  	s25 =	simm.s32 $0x2000;
	v3 =	vadd.s32 v1, v3  }
0x27: {  	[tilespmem:s25], [sflag:$0x1] =	stream.indirect_vreg.gather [hbm4b:s6+s2], $0x80, v4, vm0, $0xb8;
	[tilespmem:$0x11000] =	vst v63  }
0x28: {  	s26 =	simm.s32 $0x2800  }
0x29: {  	[tilespmem:s26], [sflag:$0x1] =	stream.indirect_vreg.gather [hbm4b:s7+s2], $0x80, v4, vm0, $0xb8;
	[tilespmem:$0x11000] =	vst v63  }
0x2a: {  	s8 =	simm.s32 $0x3000  }
0x2b: {  	[tilespmem:s8], [sflag:$0x1] =	stream.indirect_vreg.gather [hbm4b:s3+s2], $0x80, v3, vm0, $0xb8;
	[tilespmem:$0x11000] =	vst v63  }
0x2c: {  	s24 =	simm.s32 $0x3800  }
0x2d: {  	[tilespmem:s24], [sflag:$0x1] =	stream.indirect_vreg.gather [hbm4b:s5+s2], $0x80, v3, vm0, $0xb8;
	[tilespmem:$0x11000] =	vst v63  }
0x2e: {  	s25 =	simm.s32 $0x4000  }
0x2f: {  	[tilespmem:s25], [sflag:$0x1] =	stream.indirect_vreg.gather [hbm4b:s6+s2], $0x80, v3, vm0, $0xb8;
	[tilespmem:$0x11000] =	vst v63  }
0x30: {  	s26 =	simm.s32 $0x4800  }
0x31: {  	[tilespmem:s26], [sflag:$0x1] =	stream.indirect_vreg.gather [hbm4b:s7+s2], $0x80, v3, vm0, $0xb8;
	[tilespmem:$0x11000] =	vst v63  }
0x32: {  	v3 =	vld [tilespmem:$0x10];
	_ =	sdelay $0x4  }
0x33: {  	v61 =	vshll.u32 v3, $0x3  }
0x34: {  	v3 =	vand.u32 $0x7, v3;
	v4 =	vand.u32 $0xFFFFFFC0, v61  }
0x35: {  	v3 =	vor.u32 v3, v4  }
0x36: {  	v4 =	vperm.xlane v3, v0;
	_ =	sdelay $0x1  }
0x37: {  	v4 =	vadd.s32 v1, v4;
	_ =	sdelay $0x3  }
0x38: {  	s8 =	simm.s32 $0x5000  }
0x39: {  	[tilespmem:s8], [sflag:$0x1] =	stream.indirect_vreg.gather [hbm4b:s3+s2], $0x80, v4, vm0, $0xb8;
	[tilespmem:$0x11000] =	vst v63  }
0x3a: {  	s24 =	simm.s32 $0x5800;
	v3 =	vperm.xlane v3, v2  }
0x3b: {  	[tilespmem:s24], [sflag:$0x1] =	stream.indirect_vreg.gather [hbm4b:s5+s2], $0x80, v4, vm0, $0xb8;
	[tilespmem:$0x11000] =	vst v63  }
0x3c: {  	s25 =	simm.s32 $0x6000;
	v3 =	vadd.s32 v1, v3  }
0x3d: {  	[tilespmem:s25], [sflag:$0x1] =	stream.indirect_vreg.gather [hbm4b:s6+s2], $0x80, v4, vm0, $0xb8;
	[tilespmem:$0x11000] =	vst v63  }
0x3e: {  	s26 =	simm.s32 $0x6800  }
0x3f: {  	[tilespmem:s26], [sflag:$0x1] =	stream.indirect_vreg.gather [hbm4b:s7+s2], $0x80, v4, vm0, $0xb8;
	[tilespmem:$0x11000] =	vst v63  }
0x40: {  	s8 =	simm.s32 $0x7000  }
0x41: {  	[tilespmem:s8], [sflag:$0x1] =	stream.indirect_vreg.gather [hbm4b:s3+s2], $0x80, v3, vm0, $0xb8;
	[tilespmem:$0x11000] =	vst v63  }
0x42: {  	s24 =	simm.s32 $0x7800  }
0x43: {  	[tilespmem:s24], [sflag:$0x1] =	stream.indirect_vreg.gather [hbm4b:s5+s2], $0x80, v3, vm0, $0xb8;
	[tilespmem:$0x11000] =	vst v63  }
0x44: {  	s25 =	simm.s32 $0x8000  }
0x45: {  	[tilespmem:s25], [sflag:$0x1] =	stream.indirect_vreg.gather [hbm4b:s6+s2], $0x80, v3, vm0, $0xb8;
	[tilespmem:$0x11000] =	vst v63  }
0x46: {  	s26 =	simm.s32 $0x8800  }
0x47: {  	[tilespmem:s26], [sflag:$0x1] =	stream.indirect_vreg.gather [hbm4b:s7+s2], $0x80, v3, vm0, $0xb8;
	[tilespmem:$0x11000] =	vst v63  }
0x48: {  	v3 =	vld [tilespmem:$0x20];
	_ =	sdelay $0x4  }
0x49: {  	v62 =	vshll.u32 v3, $0x3  }
0x4a: {  	v3 =	vand.u32 $0x7, v3;
	v4 =	vand.u32 $0xFFFFFFC0, v62  }
0x4b: {  	v3 =	vor.u32 v3, v4  }
0x4c: {  	v4 =	vperm.xlane v3, v0;
	_ =	sdelay $0x1  }
0x4d: {  	v4 =	vadd.s32 v1, v4;
	_ =	sdelay $0x4  }
0x4e: {  	[tilespmem:s28], [sflag:$0x2] =	stream.indirect_vreg.gather [hbm4b:s3+s2], $0x80, v4, vm0, $0xb8;
	[tilespmem:$0x11000] =	vst v63  }
0x4f: {  	v3 =	vperm.xlane v3, v2  }
0x50: {  	[tilespmem:s29], [sflag:$0x2] =	stream.indirect_vreg.gather [hbm4b:s5+s2], $0x80, v4, vm0, $0xb8;
	[tilespmem:$0x11000] =	vst v63  }
0x51: {  	v3 =	vadd.s32 v1, v3  }
0x52: {  	[tilespmem:s30], [sflag:$0x2] =	stream.indirect_vreg.gather [hbm4b:s6+s2], $0x80, v4, vm0, $0xb8;
	[tilespmem:$0x11000] =	vst v63  }
0x53: {  	_ = 	snop  }
0x54: {  	[tilespmem:s31], [sflag:$0x2] =	stream.indirect_vreg.gather [hbm4b:s7+s2], $0x80, v4, vm0, $0xb8;
	[tilespmem:$0x11000] =	vst v63  }
0x55: {  	_ = 	snop  }
0x56: {  	[tilespmem:s0], [sflag:$0x2] =	stream.indirect_vreg.gather [hbm4b:s3+s2], $0x80, v3, vm0, $0xb8;
	[tilespmem:$0x11000] =	vst v63  }
0x57: {  	_ = 	snop  }
0x58: {  	[tilespmem:s1], [sflag:$0x2] =	stream.indirect_vreg.gather [hbm4b:s5+s2], $0x80, v3, vm0, $0xb8;
	[tilespmem:$0x11000] =	vst v63  }
0x59: {  	_ = 	snop  }
0x5a: {  	[tilespmem:s12], [sflag:$0x2] =	stream.indirect_vreg.gather [hbm4b:s6+s2], $0x80, v3, vm0, $0xb8;
	[tilespmem:$0x11000] =	vst v63  }
0x5b: {  	_ = 	snop  }
0x5c: {  	[tilespmem:s13], [sflag:$0x2] =	stream.indirect_vreg.gather [hbm4b:s7+s2], $0x80, v3, vm0, $0xb8;
	[tilespmem:$0x11000] =	vst v63  }
0x5d: {  	v3 =	vld [tilespmem:$0x30];
	_ =	sdelay $0x4  }
0x5e: {  	v63 =	vshll.u32 v3, $0x3  }
0x5f: {  	v3 =	vand.u32 $0x7, v3;
	v4 =	vand.u32 $0xFFFFFFC0, v63  }
0x60: {  	v3 =	vor.u32 v3, v4  }
0x61: {  	v4 =	vperm.xlane v3, v0;
	_ =	sdelay $0x1  }
0x62: {  	v4 =	vadd.s32 v1, v4;
	_ =	sdelay $0x4  }
0x63: {  	[tilespmem:s14], [sflag:$0x2] =	stream.indirect_vreg.gather [hbm4b:s3+s2], $0x80, v4, vm0, $0xb8;
	[tilespmem:$0x11000] =	vst v63  }
0x64: {  	v3 =	vperm.xlane v3, v2  }
0x65: {  	[tilespmem:s15], [sflag:$0x2] =	stream.indirect_vreg.gather [hbm4b:s5+s2], $0x80, v4, vm0, $0xb8;
	[tilespmem:$0x11000] =	vst v63  }
0x66: {  	v3 =	vadd.s32 v1, v3  }
0x67: {  	[tilespmem:s16], [sflag:$0x2] =	stream.indirect_vreg.gather [hbm4b:s6+s2], $0x80, v4, vm0, $0xb8;
	[tilespmem:$0x11000] =	vst v63  }
0x68: {  	_ = 	snop  }
0x69: {  	[tilespmem:s17], [sflag:$0x2] =	stream.indirect_vreg.gather [hbm4b:s7+s2], $0x80, v4, vm0, $0xb8;
	[tilespmem:$0x11000] =	vst v63  }
0x6a: {  	_ = 	snop  }
0x6b: {  	[tilespmem:s18], [sflag:$0x2] =	stream.indirect_vreg.gather [hbm4b:s3+s2], $0x80, v3, vm0, $0xb8;
	[tilespmem:$0x11000] =	vst v63  }
0x6c: {  	_ = 	snop  }
0x6d: {  	[tilespmem:s19], [sflag:$0x2] =	stream.indirect_vreg.gather [hbm4b:s5+s2], $0x80, v3, vm0, $0xb8;
	[tilespmem:$0x11000] =	vst v63  }
0x6e: {  	_ = 	snop  }
0x6f: {  	[tilespmem:s20], [sflag:$0x2] =	stream.indirect_vreg.gather [hbm4b:s6+s2], $0x80, v3, vm0, $0xb8;
	[tilespmem:$0x11000] =	vst v63  }
0x70: {  	s25 =	simm.s32 $0x70;
	s26 =	simm.s32 $0x0  }
0x71: {  	[tilespmem:s21], [sflag:$0x2] =	stream.indirect_vreg.gather [hbm4b:s7+s2], $0x80, v3, vm0, $0xb8;
	[tilespmem:$0x11000] =	vst v63  }
.LBB2_2:
0x72: {  	_ =	swait.ge [sflag:s22], $0x8000  }
0x73: {  	[sflag:s22] =	ssyncset.done $0x0  }
0x74: {  	s4 =	sadd.s32 s26, s9;
	[sflag:s22] =	ssyncadd.s32 $0xFFFF8000  }
0x75: {  	[hbm4b:s4+s2] =	stream.linear.scatter [tilespmem:s11], [sflag:$0x3], $0x8000, $0x38;
	[tilespmem:$0x11000] =	vst v63  }
0x76: {  	_ =	swait.ge [sflag:s10], $0x8000  }
0x77: {  	[sflag:s10] =	ssyncset.done $0x0  }
0x78: {  	p0 =	seq.s32 s26, $0x7E000;
	[sflag:s10] =	ssyncadd.s32 $0xFFFF8000  }
0x79: {  	v3 =	vld @!p0 [tilespmem:s25+$0xFFFFFFD0];
	_ =	sdelay $0x4  }
0x7a: {  	v4 =	vshll.u32 @!p0 v3, $0x3  }
0x7b: {  	v5 =	vlaneseq.u32 @!p0;
	v3 =	vand.u32 @!p0 $0x7, v3;
	v4 =	vand.u32 @!p0 $0xFFFFFFC0, v4  }
0x7c: {  	v6 =	vshrl.u32 @!p0 v5, $0x3;
	v3 =	vor.u32 @!p0 v3, v4;
	v4 =	vand.u32 @!p0 $0x7, v5  }
0x7d: {  	v6 =	vmul.u32 @!p0 $0x8, v6;
	v7 =	vperm.xlane @!p0 v3, v4;
	_ =	sdelay $0x1  }
0x7e: {  	v7 =	vadd.s32 @!p0 v6, v7;
	_ =	sdelay $0x3  }
0x7f: {  	vm1 =	vmmov @!p0 $0xffff;
	s8 =	simm.s32 @!p0 $0x0;
	s24 =	simm.s32 @!p0 $0x1000  }
0x80: {  	v5 =	vor.u32 @!p0 $0x8, v5;
	[tilespmem:s24], [sflag:$0x1] =	stream.indirect_vreg.gather @!p0 [hbm4b:s3+s8], $0x80, v7, vm1, $0xb8;
	[tilespmem:$0x11000] =	vst v63  }
0x81: {  	v3 =	vperm.xlane @!p0 v3, v5;
	s24 =	simm.s32 @!p0 $0x1800  }
0x82: {  	[tilespmem:s24], [sflag:$0x1] =	stream.indirect_vreg.gather @!p0 [hbm4b:s5+s8], $0x80, v7, vm1, $0xb8;
	[tilespmem:$0x11000] =	vst v63  }
0x83: {  	v3 =	vadd.s32 @!p0 v6, v3;
	s24 =	simm.s32 @!p0 $0x2000  }
0x84: {  	[tilespmem:s24], [sflag:$0x1] =	stream.indirect_vreg.gather @!p0 [hbm4b:s6+s8], $0x80, v7, vm1, $0xb8;
	[tilespmem:$0x11000] =	vst v63  }
0x85: {  	s24 =	simm.s32 @!p0 $0x2800  }
0x86: {  	[tilespmem:s24], [sflag:$0x1] =	stream.indirect_vreg.gather @!p0 [hbm4b:s7+s8], $0x80, v7, vm1, $0xb8;
	[tilespmem:$0x11000] =	vst v63  }
0x87: {  	s24 =	simm.s32 @!p0 $0x3000  }
0x88: {  	[tilespmem:s24], [sflag:$0x1] =	stream.indirect_vreg.gather @!p0 [hbm4b:s3+s8], $0x80, v3, vm1, $0xb8;
	[tilespmem:$0x11000] =	vst v63  }
0x89: {  	s24 =	simm.s32 @!p0 $0x3800  }
0x8a: {  	[tilespmem:s24], [sflag:$0x1] =	stream.indirect_vreg.gather @!p0 [hbm4b:s5+s8], $0x80, v3, vm1, $0xb8;
	[tilespmem:$0x11000] =	vst v63  }
0x8b: {  	s24 =	simm.s32 @!p0 $0x4000  }
0x8c: {  	[tilespmem:s24], [sflag:$0x1] =	stream.indirect_vreg.gather @!p0 [hbm4b:s6+s8], $0x80, v3, vm1, $0xb8;
	[tilespmem:$0x11000] =	vst v63  }
0x8d: {  	s24 =	simm.s32 @!p0 $0x4800  }
0x8e: {  	[tilespmem:s24], [sflag:$0x1] =	stream.indirect_vreg.gather @!p0 [hbm4b:s7+s8], $0x80, v3, vm1, $0xb8;
	[tilespmem:$0x11000] =	vst v63  }
0x8f: {  	v3 =	vld @!p0 [tilespmem:s25+$0xFFFFFFE0];
	_ =	sdelay $0x4  }
0x90: {  	v7 =	vshll.u32 @!p0 v3, $0x3  }
0x91: {  	v3 =	vand.u32 @!p0 $0x7, v3;
	v7 =	vand.u32 @!p0 $0xFFFFFFC0, v7  }
0x92: {  	v3 =	vor.u32 @!p0 v3, v7  }
0x93: {  	v4 =	vperm.xlane @!p0 v3, v4;
	_ =	sdelay $0x1  }
0x94: {  	v4 =	vadd.s32 @!p0 v6, v4;
	_ =	sdelay $0x3  }
0x95: {  	s24 =	simm.s32 @!p0 $0x5000  }
0x96: {  	[tilespmem:s24], [sflag:$0x1] =	stream.indirect_vreg.gather @!p0 [hbm4b:s3+s8], $0x80, v4, vm1, $0xb8;
	[tilespmem:$0x11000] =	vst v63  }
0x97: {  	v3 =	vperm.xlane @!p0 v3, v5;
	s24 =	simm.s32 @!p0 $0x5800  }
0x98: {  	[tilespmem:s24], [sflag:$0x1] =	stream.indirect_vreg.gather @!p0 [hbm4b:s5+s8], $0x80, v4, vm1, $0xb8;
	[tilespmem:$0x11000] =	vst v63  }
0x99: {  	v3 =	vadd.s32 @!p0 v6, v3;
	s24 =	simm.s32 @!p0 $0x6000  }
0x9a: {  	[tilespmem:s24], [sflag:$0x1] =	stream.indirect_vreg.gather @!p0 [hbm4b:s6+s8], $0x80, v4, vm1, $0xb8;
	[tilespmem:$0x11000] =	vst v63  }
0x9b: {  	s24 =	simm.s32 @!p0 $0x6800  }
0x9c: {  	[tilespmem:s24], [sflag:$0x1] =	stream.indirect_vreg.gather @!p0 [hbm4b:s7+s8], $0x80, v4, vm1, $0xb8;
	[tilespmem:$0x11000] =	vst v63  }
0x9d: {  	s24 =	simm.s32 @!p0 $0x7000  }
0x9e: {  	[tilespmem:s24], [sflag:$0x1] =	stream.indirect_vreg.gather @!p0 [hbm4b:s3+s8], $0x80, v3, vm1, $0xb8;
	[tilespmem:$0x11000] =	vst v63  }
0x9f: {  	s24 =	simm.s32 @!p0 $0x7800  }
0xa0: {  	[tilespmem:s24], [sflag:$0x1] =	stream.indirect_vreg.gather @!p0 [hbm4b:s5+s8], $0x80, v3, vm1, $0xb8;
	[tilespmem:$0x11000] =	vst v63  }
0xa1: {  	s24 =	simm.s32 @!p0 $0x8000  }
0xa2: {  	[tilespmem:s24], [sflag:$0x1] =	stream.indirect_vreg.gather @!p0 [hbm4b:s6+s8], $0x80, v3, vm1, $0xb8;
	[tilespmem:$0x11000] =	vst v63  }
0xa3: {  	s24 =	simm.s32 @!p0 $0x8800  }
0xa4: {  	[tilespmem:s24], [sflag:$0x1] =	stream.indirect_vreg.gather @!p0 [hbm4b:s7+s8], $0x80, v3, vm1, $0xb8;
	[tilespmem:$0x11000] =	vst v63  }
0xa5: {  	_ =	swait.ge [sflag:s23], $0x8000  }
0xa6: {  	[sflag:s23] =	ssyncset.done $0x0  }
.Ltmp2:
0xa7: {  	s4 =	sadd.s32 $0x1000, s4;
	[sflag:s23] =	ssyncadd.s32 $0xFFFF8000;
	(pc) =	sbr.rel @p0 .LBB2_4-.Ltmp2, $4  }
0xa8: {  	[hbm4b:s4+s2] =	stream.linear.scatter [tilespmem:s28], [sflag:$0x3], $0x8000, $0x38;
	[tilespmem:$0x11000] =	vst v63  }
0xa9: {  	_ =	swait.ge [sflag:s10], $0x8000  }
0xaa: {  	[sflag:s10] =	ssyncset.done $0x0  }
0xab: {  	[sflag:s10] =	ssyncadd.s32 $0xFFFF8000  }
0xac: {  	v3 =	vld [tilespmem:s25+$0xFFFFFFF0];
	_ =	sdelay $0x4  }
0xad: {  	v4 =	vshll.u32 v3, $0x3  }
0xae: {  	v3 =	vand.u32 $0x7, v3;
	v4 =	vand.u32 $0xFFFFFFC0, v4  }
0xaf: {  	v3 =	vor.u32 v3, v4  }
0xb0: {  	v4 =	vperm.xlane v3, v0;
	_ =	sdelay $0x1  }
0xb1: {  	v4 =	vadd.s32 v1, v4;
	_ =	sdelay $0x4  }
0xb2: {  	[tilespmem:s28], [sflag:$0x2] =	stream.indirect_vreg.gather [hbm4b:s3+s2], $0x80, v4, vm0, $0xb8;
	[tilespmem:$0x11000] =	vst v63  }
0xb3: {  	v3 =	vperm.xlane v3, v2  }
0xb4: {  	[tilespmem:s29], [sflag:$0x2] =	stream.indirect_vreg.gather [hbm4b:s5+s2], $0x80, v4, vm0, $0xb8;
	[tilespmem:$0x11000] =	vst v63  }
0xb5: {  	v3 =	vadd.s32 v1, v3  }
0xb6: {  	[tilespmem:s30], [sflag:$0x2] =	stream.indirect_vreg.gather [hbm4b:s6+s2], $0x80, v4, vm0, $0xb8;
	[tilespmem:$0x11000] =	vst v63  }
0xb7: {  	_ = 	snop  }
0xb8: {  	[tilespmem:s31], [sflag:$0x2] =	stream.indirect_vreg.gather [hbm4b:s7+s2], $0x80, v4, vm0, $0xb8;
	[tilespmem:$0x11000] =	vst v63  }
0xb9: {  	_ = 	snop  }
0xba: {  	[tilespmem:s0], [sflag:$0x2] =	stream.indirect_vreg.gather [hbm4b:s3+s2], $0x80, v3, vm0, $0xb8;
	[tilespmem:$0x11000] =	vst v63  }
0xbb: {  	_ = 	snop  }
0xbc: {  	[tilespmem:s1], [sflag:$0x2] =	stream.indirect_vreg.gather [hbm4b:s5+s2], $0x80, v3, vm0, $0xb8;
	[tilespmem:$0x11000] =	vst v63  }
0xbd: {  	_ = 	snop  }
0xbe: {  	[tilespmem:s12], [sflag:$0x2] =	stream.indirect_vreg.gather [hbm4b:s6+s2], $0x80, v3, vm0, $0xb8;
	[tilespmem:$0x11000] =	vst v63  }
0xbf: {  	_ = 	snop  }
0xc0: {  	[tilespmem:s13], [sflag:$0x2] =	stream.indirect_vreg.gather [hbm4b:s7+s2], $0x80, v3, vm0, $0xb8;
	[tilespmem:$0x11000] =	vst v63  }
0xc1: {  	v3 =	vld [tilespmem:s25+$0x0];
	_ =	sdelay $0x4  }
0xc2: {  	v63 =	vshll.u32 v3, $0x3  }
0xc3: {  	v3 =	vand.u32 $0x7, v3;
	v4 =	vand.u32 $0xFFFFFFC0, v63  }
0xc4: {  	v3 =	vor.u32 v3, v4  }
0xc5: {  	v4 =	vperm.xlane v3, v0;
	_ =	sdelay $0x1  }
0xc6: {  	v4 =	vadd.s32 v1, v4;
	_ =	sdelay $0x4  }
0xc7: {  	[tilespmem:s14], [sflag:$0x2] =	stream.indirect_vreg.gather [hbm4b:s3+s2], $0x80, v4, vm0, $0xb8;
	[tilespmem:$0x11000] =	vst v63  }
0xc8: {  	v3 =	vperm.xlane v3, v2  }
0xc9: {  	[tilespmem:s15], [sflag:$0x2] =	stream.indirect_vreg.gather [hbm4b:s5+s2], $0x80, v4, vm0, $0xb8;
	[tilespmem:$0x11000] =	vst v63  }
0xca: {  	v3 =	vadd.s32 v1, v3  }
0xcb: {  	[tilespmem:s16], [sflag:$0x2] =	stream.indirect_vreg.gather [hbm4b:s6+s2], $0x80, v4, vm0, $0xb8;
	[tilespmem:$0x11000] =	vst v63  }
0xcc: {  	_ = 	snop  }
0xcd: {  	[tilespmem:s17], [sflag:$0x2] =	stream.indirect_vreg.gather [hbm4b:s7+s2], $0x80, v4, vm0, $0xb8;
	[tilespmem:$0x11000] =	vst v63  }
0xce: {  	_ = 	snop  }
0xcf: {  	[tilespmem:s18], [sflag:$0x2] =	stream.indirect_vreg.gather [hbm4b:s3+s2], $0x80, v3, vm0, $0xb8;
	[tilespmem:$0x11000] =	vst v63  }
0xd0: {  	_ = 	snop  }
0xd1: {  	[tilespmem:s19], [sflag:$0x2] =	stream.indirect_vreg.gather [hbm4b:s5+s2], $0x80, v3, vm0, $0xb8;
	[tilespmem:$0x11000] =	vst v63  }
.Ltmp3:
0xd2: {  	_ = 	snop;
	(pc) =	sbr.rel .LBB2_2-.Ltmp3, $4  }
0xd3: {  	_ = 	snop  }
0xd4: {  	[tilespmem:s20], [sflag:$0x2] =	stream.indirect_vreg.gather [hbm4b:s6+s2], $0x80, v3, vm0, $0xb8;
	[tilespmem:$0x11000] =	vst v63  }
0xd5: {  	s26 =	sadd.s32 $0x2000, s26;
	s25 =	sadd.s32 $0x40, s25  }
0xd6: {  	[tilespmem:s21], [sflag:$0x2] =	stream.indirect_vreg.gather [hbm4b:s7+s2], $0x80, v3, vm0, $0xb8;
	[tilespmem:$0x11000] =	vst v63  }
.LBB2_5:
0xd7: {  	_ =	sfence.sel $0x180000  }
0xd8: {  	[bflag:$0x0] =	sbarrier.arrive $0xFFFF  }
0xd9: {  	_ =	strace $0x90000047  }
0xda: {  	s0 =	stileid.u32;
	[bflag:$0x2] =	sbarrier.arrive $0xFFFF  }
0xdb: {  	p0 =	sne.s32 s0, $0x0;
	s0 =	rddreg [dreg:$0x1]  }
0xdc: {  	s0 =	sadd.s32 @!p0 $0x100000, s0  }
0xdd: {  	[sflag:s0] =	ssyncadd.tile.s32 @!p0 $0x1;
	_ =	shalt  }
.Lfunc_end2:
_tile_overlayer_lowered:
.L_overlay_start_2:
0xde: {  	(tag) =	ssettag $0x2  }
0xdf: {  	s0 =	rddreg [dreg:$0x0];
	s2 =	stileid.u32  }
0xe0: {  	s1 =	rddreg [dreg:$0x1];
	p0 =	sne.s32 s2, $0x0  }
0xe1: {  	s3 =	rddreg [dreg:$0x2];
	[bflag:$0x3] =	sbarrier.arrive $0xFFFF;
	s2 =	simm.s32 @!p0 $0x1C03  }
0xe2: {  	[timem:s3], [sflag:s2] =	dma.local @!p0 [hbm:s0], s1  }
0xe3: {  	s0 =	simm.s32 @!p0 $0x3  }
0xe4: {  	_ =	swait.ge @!p0 [sflag:s0], s1  }
0xe5: {  	s1 =	ssub.s32 @!p0 $0x0, s1;
	[sflag:s0] =	ssyncset.done @!p0 $0x0  }
0xe6: {  	[sflag:s0] =	ssyncadd.s32 @!p0 s1  }
0xe7: {  	[bflag:$0x3] =	sbarrier.arrive $0xFFFF  }
0xe8: {  	_ =	shalt  }

</sc_bundles>
